<compile_context>
chip_gen: v7x
topology: tpu7x:2x2x1
jax: 0.10.2.dev20260603
libtpu: 0.0.44.dev20260713+nightly
codegen_flags: <defaults>
</compile_context>

<pallas_src>
import jax
import jax.numpy as jnp
from jax import lax
from jax.experimental import pallas as pl
from jax.experimental.pallas import tpu as pltpu, tpu_sc as plsc

_V = 8192
_D = 64
_B = 4096
_S = 200
_SO = _S // 8
_BO = _B // 128
_NSQ = 4
_SPW = _S // _NSQ
_MULT = 1315423911


def _body(xt_hbm, tab_hbm, g_hbm, out_hbm,
          slab_v, xrow_v, out_v, g_v, sem_o, sem_x):
    c = lax.axis_index("c")
    s_ax = lax.axis_index("s")
    wid = s_ax * 2 + c
    lane = lax.iota(jnp.int32, 16)
    i32 = jnp.int32

    eo = wid >> i32(2)
    squad = wid & i32(3)
    s0 = squad * i32(_SPW)

    pltpu.sync_copy(tab_hbm.at[eo], slab_v)

    pltpu.sync_copy(g_hbm, g_v)
    sgl = []
    for ei in range(8):
        gsplat = plsc.load_gather(g_v, [eo * 8 + i32(ei) + 0 * lane])
        sgl.append(1.0 / (1.0 + jnp.exp(-gsplat)))

    @plsc.parallel_loop(jnp.int32(0), jnp.int32(_D), jnp.int32(1), unroll=2)
    def _scale(vo):
        base = vo * i32(1024)
        for ei in range(8):
            for q in range(8):
                off = base + i32(ei * 128 + q * 16)
                slab_v[pl.ds(off, 16)] = slab_v[pl.ds(off, 16)] * sgl[ei]

    @pl.when(s0 > i32(0))
    def _prime_prev():
        sp = s0 - i32(1)
        pltpu.sync_copy(
            xt_hbm.at[sp >> i32(3), pl.ds(0, _BO),
                      pl.ds((sp & i32(7)) * i32(128), 128)],
            xrow_v.at[i32(0)])
    pltpu.async_copy(
        xt_hbm.at[s0 >> i32(3), pl.ds(0, _BO),
                  pl.ds((s0 & i32(7)) * i32(128), 128)],
        xrow_v.at[i32(1)], sem_x)

    def _srow(t, _):
        s = s0 + t
        pp = t % i32(3)
        cp = (t + i32(1)) % i32(3)
        np_ = (t + i32(2)) % i32(3)
        pltpu.make_async_copy(
            xt_hbm.at[i32(0), pl.ds(0, _BO), pl.ds(0, 128)],
            xrow_v.at[cp], sem_x).wait()

        @pl.when(t + i32(1) < i32(_SPW))
        def _prefetch():
            sn = s + i32(1)
            pltpu.async_copy(
                xt_hbm.at[sn >> i32(3), pl.ds(0, _BO),
                          pl.ds((sn & i32(7)) * i32(128), 128)],
                xrow_v.at[np_], sem_x)
        m = jnp.where(s > 0, i32(_MULT), i32(0)) + 0 * lane

        for half in range(2):
            @pl.when(t >= i32(1))
            def _drain(half=half):
                pltpu.make_async_copy(
                    out_v.at[i32(half)],
                    out_hbm.at[i32(0), i32(0), pl.ds(0, _BO // 2)],
                    sem_o.at[i32(half)]).wait()

            @plsc.parallel_loop(jnp.int32(0), jnp.int32(128), jnp.int32(1), unroll=8)
            def _grp(grp, half=half):
                bo16 = grp >> i32(3)
                bo = i32(half * 16) + bo16
                boff = (grp & i32(7)) * i32(16)
                cur = xrow_v[cp, bo, pl.ds(boff, 16)]
                prev = xrow_v[pp, bo, pl.ds(boff, 16)]
                h = (prev * m + cur) & i32(_V - 1)
                base = ((h >> i32(7)) << i32(10)) | (h & i32(127))
                for ei in range(8):
                    val = plsc.load_gather(slab_v, [base + i32(ei * 128)])
                    out_v[i32(half), bo16,
                          pl.ds(i32(ei * 128) + boff, 16)] = val

            pltpu.async_copy(
                out_v.at[i32(half)],
                out_hbm.at[s, eo, pl.ds(i32(half * 16), _BO // 2)],
                sem_o.at[i32(half)])
        return 0

    lax.fori_loop(i32(0), i32(_SPW), _srow, 0)

    for half in range(2):
        pltpu.make_async_copy(
            out_v.at[jnp.int32(half)],
            out_hbm.at[jnp.int32(0), jnp.int32(0), pl.ds(0, _BO // 2)],
            sem_o.at[jnp.int32(half)]).wait()


_call = pl.kernel(
    _body,
    out_type=jax.ShapeDtypeStruct((_S, 8, _BO, 1024), jnp.float32),
    mesh=plsc.VectorSubcoreMesh(core_axis_name="c", subcore_axis_name="s"),
    scratch_types=[
        pltpu.VMEM((_D * 1024,), jnp.float32),
        pltpu.VMEM((3, _BO, 128), jnp.int32),
        pltpu.VMEM((2, _BO // 2, 1024), jnp.float32),
        pltpu.VMEM((_D,), jnp.float32),
        pltpu.SemaphoreType.DMA((2,)),
        pltpu.SemaphoreType.DMA,
    ],
    compiler_params=pltpu.CompilerParams(use_tc_tiling_on_sc=False,
                                         needs_layout_passes=False),
)


@jax.jit
def kernel(x, emb, g):
    xt = (x.T.astype(jnp.int32)
          .reshape(_SO, 8, _BO, 128).transpose(0, 2, 1, 3)
          .reshape(_SO, _BO, 1024))
    tabt = (emb.astype(jnp.float32).T
            .reshape(8, 8, _V // 128, 128).transpose(0, 2, 1, 3)
            .reshape(8, _D * 1024))
    out = _call(xt, tabt, g.astype(jnp.float32))
    return (out.reshape(_S, 8, _BO, 8, 128)
            .transpose(2, 4, 0, 1, 3).reshape(_B, _S, _D))

# --- scband reference (transcript-rebuilt; emitter-appended) ---
"""Pipeline reference for scband-smear-54090818125854 (READ-ONLY COPY).

The authoritative reference and input builder live on the scoring server;
editing this copy changes nothing except your own understanding.
"""

import jax, jax.numpy as jnp
jax.config.update("jax_enable_x64", True)
import numpy as np


def setup_inputs(seed: int = 0) -> dict:
    key = jax.random.key(seed)
    k1, k2, k3 = jax.random.split(key, 3)
    x = jax.random.randint(k1, (4096, 200), 0, 8192, dtype=jnp.int64)
    # nn.Embedding(8192, dim): weights ~ N(0, 1)
    emb = jax.random.normal(k2, (8192, 64), dtype=jnp.float32)
    # nn.Parameter(torch.zeros(dim))
    g = jnp.zeros((64,), dtype=jnp.float32)
    return {"x": x, "emb": emb, "g": g}


def reference(x, emb, g):
    # prev = F.pad(x[:, :-1], (1, 0)) -> shift right along seq dim, zero at position 0
    prev = jnp.pad(x[:, :-1], ((0, 0), (1, 0)))
    # int64 hash mix (exactly matches torch int64 arithmetic; x64 enabled above)
    h = (prev * 1315423911 + x) % 8192
    out = jnp.take(emb, h, axis=0) * jax.nn.sigmoid(g)
    return out

if __name__ == "__main__":
    import jax
    _d = setup_inputs()
    print(jax.jit(kernel)(*tuple(_d.values())))

</pallas_src>

<mosaic_0001>
#map = affine_map<(d0, d1) -> (0, 0, 0)>
#map1 = affine_map<(d0, d1) -> (0, 0)>
#map2 = affine_map<(d0, d1) -> (0)>
#map3 = affine_map<(d0, d1) -> (0, 0, 0, 0)>
module attributes {stable_mosaic.version = 14 : i64} {
  func.func @_body(%arg0: i32, %arg1: i32, %arg2: memref<25x32x1024xi32, #tpu.memory_space<hbm>>, %arg3: memref<8x65536xf32, #tpu.memory_space<hbm>>, %arg4: memref<64xf32, #tpu.memory_space<hbm>>, %arg5: memref<200x8x32x1024xf32, #tpu.memory_space<hbm>>, %arg6: memref<65536xf32, #tpu.memory_space<vmem>>, %arg7: memref<3x32x128xi32, #tpu.memory_space<vmem>>, %arg8: memref<2x16x1024xf32, #tpu.memory_space<vmem>>, %arg9: memref<64xf32, #tpu.memory_space<vmem>>, %arg10: memref<2x!tpu.dma_semaphore, #tpu.memory_space<semaphore_mem>>, %arg11: memref<!tpu.dma_semaphore, #tpu.memory_space<semaphore_mem>>) attributes {dimension_semantics = [#tpu.dimension_semantics<core_parallel>, #tpu.dimension_semantics<subcore_parallel>], iteration_bounds = array<i64: 2, 16>, scalar_prefetch = 0 : i64, scratch_operands = 6 : i64, tpu.core_type = #tpu.core_type<sc_vector_subcore>, window_params = [{transform_indices = #map}, {transform_indices = #map1}, {transform_indices = #map2}, {transform_indices = #map3}]} {
    %mul3A = arith.constant 2 : i32
    %mul3A_0 = arith.muli %arg1, %mul3A : i32
    %add3A = arith.addi %mul3A_0, %arg0 : i32
    %iota3A = tpu.iota {dimensions = array<i32: 0>} : vector<16xi32>
    %shift_right_arithmetic3A = arith.constant 2 : i32
    %shift_right_arithmetic3A_1 = arith.shrsi %add3A, %shift_right_arithmetic3A : i32
    %and3A = arith.constant 3 : i32
    %and3A_2 = arith.andi %add3A, %and3A : i32
    %mul3A_3 = arith.constant 50 : i32
    %mul3A_4 = arith.muli %and3A_2, %mul3A_3 : i32
    "tpu.region"() ({
      %run_scoped3A = tpu.sem_alloc : memref<!tpu.dma_semaphore, #tpu.memory_space<semaphore_mem>>
      %dma_start3A_240 = arith.constant 0 : i32
      %dma_start3A_241 = tpu.memref_slice %arg3[%shift_right_arithmetic3A_1, %dma_start3A_240] : memref<8x65536xf32, #tpu.memory_space<hbm>> -> memref<1x65536xf32, #tpu.memory_space<hbm>>
      %dma_start3A_242 = tpu.memref_squeeze %dma_start3A_241 : memref<1x65536xf32, #tpu.memory_space<hbm>> -> memref<65536xf32, #tpu.memory_space<hbm>>
      %dma_start3A_243 = arith.constant 0 : i32
      %dma_start3A_244 = tpu.memref_slice %arg3[%shift_right_arithmetic3A_1, %dma_start3A_243] : memref<8x65536xf32, #tpu.memory_space<hbm>> -> memref<1x65536xf32, #tpu.memory_space<hbm>>
      %dma_start3A_245 = tpu.memref_squeeze %dma_start3A_244 : memref<1x65536xf32, #tpu.memory_space<hbm>> -> memref<65536xf32, #tpu.memory_space<hbm>>
      tpu.enqueue_dma source(%dma_start3A_245 : memref<65536xf32, #tpu.memory_space<hbm>>) target(%arg6 : memref<65536xf32, #tpu.memory_space<vmem>>) target_semaphore(%run_scoped3A : memref<!tpu.dma_semaphore, #tpu.memory_space<semaphore_mem>>)
      %dma_wait3A_246 = arith.constant 0 : i32
      %dma_wait3A_247 = tpu.memref_slice %arg3[%shift_right_arithmetic3A_1, %dma_wait3A_246] : memref<8x65536xf32, #tpu.memory_space<hbm>> -> memref<1x65536xf32, #tpu.memory_space<hbm>>
      %dma_wait3A_248 = tpu.memref_squeeze %dma_wait3A_247 : memref<1x65536xf32, #tpu.memory_space<hbm>> -> memref<65536xf32, #tpu.memory_space<hbm>>
      %dma_wait3A_249 = arith.constant 0 : i32
      %dma_wait3A_250 = tpu.memref_slice %arg3[%shift_right_arithmetic3A_1, %dma_wait3A_249] : memref<8x65536xf32, #tpu.memory_space<hbm>> -> memref<1x65536xf32, #tpu.memory_space<hbm>>
      %dma_wait3A_251 = tpu.memref_squeeze %dma_wait3A_250 : memref<1x65536xf32, #tpu.memory_space<hbm>> -> memref<65536xf32, #tpu.memory_space<hbm>>
      tpu.wait_dma2 semaphore(%run_scoped3A : memref<!tpu.dma_semaphore, #tpu.memory_space<semaphore_mem>>) src(%dma_wait3A_251 : memref<65536xf32, #tpu.memory_space<hbm>>) dst(%arg6 : memref<65536xf32, #tpu.memory_space<vmem>>)
      tpu.yield
    }) : () -> ()
    "tpu.region"() ({
      %run_scoped3A = tpu.sem_alloc : memref<!tpu.dma_semaphore, #tpu.memory_space<semaphore_mem>>
      tpu.enqueue_dma source(%arg4 : memref<64xf32, #tpu.memory_space<hbm>>) target(%arg9 : memref<64xf32, #tpu.memory_space<vmem>>) target_semaphore(%run_scoped3A : memref<!tpu.dma_semaphore, #tpu.memory_space<semaphore_mem>>)
      tpu.wait_dma2 semaphore(%run_scoped3A : memref<!tpu.dma_semaphore, #tpu.memory_space<semaphore_mem>>) src(%arg4 : memref<64xf32, #tpu.memory_space<hbm>>) dst(%arg9 : memref<64xf32, #tpu.memory_space<vmem>>)
      tpu.yield
    }) : () -> ()
    %mul3A_5 = arith.constant 8 : i32
    %mul3A_6 = arith.muli %shift_right_arithmetic3A_1, %mul3A_5 : i32
    %add3A_7 = arith.constant 0 : i32
    %add3A_8 = arith.addi %mul3A_6, %add3A_7 : i32
    %mul3A_9 = arith.constant 0 : i32
    %mul3A_10 = vector.broadcast %mul3A_9 : i32 to vector<16xi32>
    %mul3A_11 = arith.muli %mul3A_10, %iota3A : vector<16xi32>
    %add3A_12 = vector.broadcast %add3A_8 : i32 to vector<16xi32>
    %add3A_13 = arith.addi %add3A_12, %mul3A_11 : vector<16xi32>
    %gather3A = tpu.vector_load_idx %arg9[%add3A_13] : memref<64xf32, #tpu.memory_space<vmem>>[vector<16xi32>], vector<16xf32>,
    %neg3A = arith.constant 0.000000e+00 : f32
    %neg3A_14 = vector.broadcast %neg3A : f32 to vector<16xf32>
    %neg3A_15 = arith.subf %neg3A_14, %gather3A : vector<16xf32>
    %exp3A = math.exp %neg3A_15 : vector<16xf32>
    %add3A_16 = arith.constant 1.000000e+00 : f32
    %add3A_17 = vector.broadcast %add3A_16 : f32 to vector<16xf32>
    %add3A_18 = arith.addf %add3A_17, %exp3A : vector<16xf32>
    %div3A = arith.constant 1.000000e+00 : f32
    %div3A_19 = vector.broadcast %div3A : f32 to vector<16xf32>
    %div3A_20 = arith.divf %div3A_19, %add3A_18 : vector<16xf32>
    %mul3A_21 = arith.constant 8 : i32
    %mul3A_22 = arith.muli %shift_right_arithmetic3A_1, %mul3A_21 : i32
    %add3A_23 = arith.constant 1 : i32
    %add3A_24 = arith.addi %mul3A_22, %add3A_23 : i32
    %mul3A_25 = arith.constant 0 : i32
    %mul3A_26 = vector.broadcast %mul3A_25 : i32 to vector<16xi32>
    %mul3A_27 = arith.muli %mul3A_26, %iota3A : vector<16xi32>
    %add3A_28 = vector.broadcast %add3A_24 : i32 to vector<16xi32>
    %add3A_29 = arith.addi %add3A_28, %mul3A_27 : vector<16xi32>
    %gather3A_30 = tpu.vector_load_idx %arg9[%add3A_29] : memref<64xf32, #tpu.memory_space<vmem>>[vector<16xi32>], vector<16xf32>,
    %neg3A_31 = arith.constant 0.000000e+00 : f32
    %neg3A_32 = vector.broadcast %neg3A_31 : f32 to vector<16xf32>
    %neg3A_33 = arith.subf %neg3A_32, %gather3A_30 : vector<16xf32>
    %exp3A_34 = math.exp %neg3A_33 : vector<16xf32>
    %add3A_35 = arith.constant 1.000000e+00 : f32
    %add3A_36 = vector.broadcast %add3A_35 : f32 to vector<16xf32>
    %add3A_37 = arith.addf %add3A_36, %exp3A_34 : vector<16xf32>
    %div3A_38 = arith.constant 1.000000e+00 : f32
    %div3A_39 = vector.broadcast %div3A_38 : f32 to vector<16xf32>
    %div3A_40 = arith.divf %div3A_39, %add3A_37 : vector<16xf32>
    %mul3A_41 = arith.constant 8 : i32
    %mul3A_42 = arith.muli %shift_right_arithmetic3A_1, %mul3A_41 : i32
    %add3A_43 = arith.constant 2 : i32
    %add3A_44 = arith.addi %mul3A_42, %add3A_43 : i32
    %mul3A_45 = arith.constant 0 : i32
    %mul3A_46 = vector.broadcast %mul3A_45 : i32 to vector<16xi32>
    %mul3A_47 = arith.muli %mul3A_46, %iota3A : vector<16xi32>
    %add3A_48 = vector.broadcast %add3A_44 : i32 to vector<16xi32>
    %add3A_49 = arith.addi %add3A_48, %mul3A_47 : vector<16xi32>
    %gather3A_50 = tpu.vector_load_idx %arg9[%add3A_49] : memref<64xf32, #tpu.memory_space<vmem>>[vector<16xi32>], vector<16xf32>,
    %neg3A_51 = arith.constant 0.000000e+00 : f32
    %neg3A_52 = vector.broadcast %neg3A_51 : f32 to vector<16xf32>
    %neg3A_53 = arith.subf %neg3A_52, %gather3A_50 : vector<16xf32>
    %exp3A_54 = math.exp %neg3A_53 : vector<16xf32>
    %add3A_55 = arith.constant 1.000000e+00 : f32
    %add3A_56 = vector.broadcast %add3A_55 : f32 to vector<16xf32>
    %add3A_57 = arith.addf %add3A_56, %exp3A_54 : vector<16xf32>
    %div3A_58 = arith.constant 1.000000e+00 : f32
    %div3A_59 = vector.broadcast %div3A_58 : f32 to vector<16xf32>
    %div3A_60 = arith.divf %div3A_59, %add3A_57 : vector<16xf32>
    %mul3A_61 = arith.constant 8 : i32
    %mul3A_62 = arith.muli %shift_right_arithmetic3A_1, %mul3A_61 : i32
    %add3A_63 = arith.constant 3 : i32
    %add3A_64 = arith.addi %mul3A_62, %add3A_63 : i32
    %mul3A_65 = arith.constant 0 : i32
    %mul3A_66 = vector.broadcast %mul3A_65 : i32 to vector<16xi32>
    %mul3A_67 = arith.muli %mul3A_66, %iota3A : vector<16xi32>
    %add3A_68 = vector.broadcast %add3A_64 : i32 to vector<16xi32>
    %add3A_69 = arith.addi %add3A_68, %mul3A_67 : vector<16xi32>
    %gather3A_70 = tpu.vector_load_idx %arg9[%add3A_69] : memref<64xf32, #tpu.memory_space<vmem>>[vector<16xi32>], vector<16xf32>,
    %neg3A_71 = arith.constant 0.000000e+00 : f32
    %neg3A_72 = vector.broadcast %neg3A_71 : f32 to vector<16xf32>
    %neg3A_73 = arith.subf %neg3A_72, %gather3A_70 : vector<16xf32>
    %exp3A_74 = math.exp %neg3A_73 : vector<16xf32>
    %add3A_75 = arith.constant 1.000000e+00 : f32
    %add3A_76 = vector.broadcast %add3A_75 : f32 to vector<16xf32>
    %add3A_77 = arith.addf %add3A_76, %exp3A_74 : vector<16xf32>
    %div3A_78 = arith.constant 1.000000e+00 : f32
    %div3A_79 = vector.broadcast %div3A_78 : f32 to vector<16xf32>
    %div3A_80 = arith.divf %div3A_79, %add3A_77 : vector<16xf32>
    %mul3A_81 = arith.constant 8 : i32
    %mul3A_82 = arith.muli %shift_right_arithmetic3A_1, %mul3A_81 : i32
    %add3A_83 = arith.constant 4 : i32
    %add3A_84 = arith.addi %mul3A_82, %add3A_83 : i32
    %mul3A_85 = arith.constant 0 : i32
    %mul3A_86 = vector.broadcast %mul3A_85 : i32 to vector<16xi32>
    %mul3A_87 = arith.muli %mul3A_86, %iota3A : vector<16xi32>
    %add3A_88 = vector.broadcast %add3A_84 : i32 to vector<16xi32>
    %add3A_89 = arith.addi %add3A_88, %mul3A_87 : vector<16xi32>
    %gather3A_90 = tpu.vector_load_idx %arg9[%add3A_89] : memref<64xf32, #tpu.memory_space<vmem>>[vector<16xi32>], vector<16xf32>,
    %neg3A_91 = arith.constant 0.000000e+00 : f32
    %neg3A_92 = vector.broadcast %neg3A_91 : f32 to vector<16xf32>
    %neg3A_93 = arith.subf %neg3A_92, %gather3A_90 : vector<16xf32>
    %exp3A_94 = math.exp %neg3A_93 : vector<16xf32>
    %add3A_95 = arith.constant 1.000000e+00 : f32
    %add3A_96 = vector.broadcast %add3A_95 : f32 to vector<16xf32>
    %add3A_97 = arith.addf %add3A_96, %exp3A_94 : vector<16xf32>
    %div3A_98 = arith.constant 1.000000e+00 : f32
    %div3A_99 = vector.broadcast %div3A_98 : f32 to vector<16xf32>
    %div3A_100 = arith.divf %div3A_99, %add3A_97 : vector<16xf32>
    %mul3A_101 = arith.constant 8 : i32
    %mul3A_102 = arith.muli %shift_right_arithmetic3A_1, %mul3A_101 : i32
    %add3A_103 = arith.constant 5 : i32
    %add3A_104 = arith.addi %mul3A_102, %add3A_103 : i32
    %mul3A_105 = arith.constant 0 : i32
    %mul3A_106 = vector.broadcast %mul3A_105 : i32 to vector<16xi32>
    %mul3A_107 = arith.muli %mul3A_106, %iota3A : vector<16xi32>
    %add3A_108 = vector.broadcast %add3A_104 : i32 to vector<16xi32>
    %add3A_109 = arith.addi %add3A_108, %mul3A_107 : vector<16xi32>
    %gather3A_110 = tpu.vector_load_idx %arg9[%add3A_109] : memref<64xf32, #tpu.memory_space<vmem>>[vector<16xi32>], vector<16xf32>,
    %neg3A_111 = arith.constant 0.000000e+00 : f32
    %neg3A_112 = vector.broadcast %neg3A_111 : f32 to vector<16xf32>
    %neg3A_113 = arith.subf %neg3A_112, %gather3A_110 : vector<16xf32>
    %exp3A_114 = math.exp %neg3A_113 : vector<16xf32>
    %add3A_115 = arith.constant 1.000000e+00 : f32
    %add3A_116 = vector.broadcast %add3A_115 : f32 to vector<16xf32>
    %add3A_117 = arith.addf %add3A_116, %exp3A_114 : vector<16xf32>
    %div3A_118 = arith.constant 1.000000e+00 : f32
    %div3A_119 = vector.broadcast %div3A_118 : f32 to vector<16xf32>
    %div3A_120 = arith.divf %div3A_119, %add3A_117 : vector<16xf32>
    %mul3A_121 = arith.constant 8 : i32
    %mul3A_122 = arith.muli %shift_right_arithmetic3A_1, %mul3A_121 : i32
    %add3A_123 = arith.constant 6 : i32
    %add3A_124 = arith.addi %mul3A_122, %add3A_123 : i32
    %mul3A_125 = arith.constant 0 : i32
    %mul3A_126 = vector.broadcast %mul3A_125 : i32 to vector<16xi32>
    %mul3A_127 = arith.muli %mul3A_126, %iota3A : vector<16xi32>
    %add3A_128 = vector.broadcast %add3A_124 : i32 to vector<16xi32>
    %add3A_129 = arith.addi %add3A_128, %mul3A_127 : vector<16xi32>
    %gather3A_130 = tpu.vector_load_idx %arg9[%add3A_129] : memref<64xf32, #tpu.memory_space<vmem>>[vector<16xi32>], vector<16xf32>,
    %neg3A_131 = arith.constant 0.000000e+00 : f32
    %neg3A_132 = vector.broadcast %neg3A_131 : f32 to vector<16xf32>
    %neg3A_133 = arith.subf %neg3A_132, %gather3A_130 : vector<16xf32>
    %exp3A_134 = math.exp %neg3A_133 : vector<16xf32>
    %add3A_135 = arith.constant 1.000000e+00 : f32
    %add3A_136 = vector.broadcast %add3A_135 : f32 to vector<16xf32>
    %add3A_137 = arith.addf %add3A_136, %exp3A_134 : vector<16xf32>
    %div3A_138 = arith.constant 1.000000e+00 : f32
    %div3A_139 = vector.broadcast %div3A_138 : f32 to vector<16xf32>
    %div3A_140 = arith.divf %div3A_139, %add3A_137 : vector<16xf32>
    %mul3A_141 = arith.constant 8 : i32
    %mul3A_142 = arith.muli %shift_right_arithmetic3A_1, %mul3A_141 : i32
    %add3A_143 = arith.constant 7 : i32
    %add3A_144 = arith.addi %mul3A_142, %add3A_143 : i32
    %mul3A_145 = arith.constant 0 : i32
    %mul3A_146 = vector.broadcast %mul3A_145 : i32 to vector<16xi32>
    %mul3A_147 = arith.muli %mul3A_146, %iota3A : vector<16xi32>
    %add3A_148 = vector.broadcast %add3A_144 : i32 to vector<16xi32>
    %add3A_149 = arith.addi %add3A_148, %mul3A_147 : vector<16xi32>
    %gather3A_150 = tpu.vector_load_idx %arg9[%add3A_149] : memref<64xf32, #tpu.memory_space<vmem>>[vector<16xi32>], vector<16xf32>,
    %neg3A_151 = arith.constant 0.000000e+00 : f32
    %neg3A_152 = vector.broadcast %neg3A_151 : f32 to vector<16xf32>
    %neg3A_153 = arith.subf %neg3A_152, %gather3A_150 : vector<16xf32>
    %exp3A_154 = math.exp %neg3A_153 : vector<16xf32>
    %add3A_155 = arith.constant 1.000000e+00 : f32
    %add3A_156 = vector.broadcast %add3A_155 : f32 to vector<16xf32>
    %add3A_157 = arith.addf %add3A_156, %exp3A_154 : vector<16xf32>
    %div3A_158 = arith.constant 1.000000e+00 : f32
    %div3A_159 = vector.broadcast %div3A_158 : f32 to vector<16xf32>
    %div3A_160 = arith.divf %div3A_159, %add3A_157 : vector<16xf32>
    %parallel_loop3A = arith.constant 0 : i32
    %parallel_loop3A_161 = arith.constant 64 : i32
    %parallel_loop3A_162 = arith.constant 1 : i32
    scf.for %parallel_loop3A_240 = %parallel_loop3A to %parallel_loop3A_161 step %parallel_loop3A_162  : i32 {
      %parallel_loop3A_241 = arith.constant 1024 : i32
      %parallel_loop3A_242 = arith.muli %parallel_loop3A_240, %parallel_loop3A_241 : i32
      %parallel_loop3A_243 = arith.constant 0 : i32
      %parallel_loop3A_244 = arith.addi %parallel_loop3A_242, %parallel_loop3A_243 : i32
      %parallel_loop3A_245 = arith.index_cast %parallel_loop3A_244 : i32 to index
      %parallel_loop3A_246 = tpu.vector_load %arg6[%parallel_loop3A_245] {strides = array<i32>} : memref<65536xf32, #tpu.memory_space<vmem>>, vector<16xf32>,
      %parallel_loop3A_247 = arith.mulf %parallel_loop3A_246, %div3A_20 : vector<16xf32>
      %parallel_loop3A_248 = arith.index_cast %parallel_loop3A_244 : i32 to index
      %parallel_loop3A_249 = tpu.vector_load %arg6[%parallel_loop3A_248] {strides = array<i32>} : memref<65536xf32, #tpu.memory_space<vmem>>, vector<16xf32>,
      tpu.vector_store %arg6[%parallel_loop3A_248], %parallel_loop3A_247 {strides = array<i32>} : memref<65536xf32, #tpu.memory_space<vmem>>, vector<16xf32>,
      %parallel_loop3A_250 = arith.constant 16 : i32
      %parallel_loop3A_251 = arith.addi %parallel_loop3A_242, %parallel_loop3A_250 : i32
      %parallel_loop3A_252 = arith.index_cast %parallel_loop3A_251 : i32 to index
      %parallel_loop3A_253 = tpu.vector_load %arg6[%parallel_loop3A_252] {strides = array<i32>} : memref<65536xf32, #tpu.memory_space<vmem>>, vector<16xf32>,
      %parallel_loop3A_254 = arith.mulf %parallel_loop3A_253, %div3A_20 : vector<16xf32>
      %parallel_loop3A_255 = arith.index_cast %parallel_loop3A_251 : i32 to index
      %parallel_loop3A_256 = tpu.vector_load %arg6[%parallel_loop3A_255] {strides = array<i32>} : memref<65536xf32, #tpu.memory_space<vmem>>, vector<16xf32>,
      tpu.vector_store %arg6[%parallel_loop3A_255], %parallel_loop3A_254 {strides = array<i32>} : memref<65536xf32, #tpu.memory_space<vmem>>, vector<16xf32>,
      %parallel_loop3A_257 = arith.constant 32 : i32
      %parallel_loop3A_258 = arith.addi %parallel_loop3A_242, %parallel_loop3A_257 : i32
      %parallel_loop3A_259 = arith.index_cast %parallel_loop3A_258 : i32 to index
      %parallel_loop3A_260 = tpu.vector_load %arg6[%parallel_loop3A_259] {strides = array<i32>} : memref<65536xf32, #tpu.memory_space<vmem>>, vector<16xf32>,
      %parallel_loop3A_261 = arith.mulf %parallel_loop3A_260, %div3A_20 : vector<16xf32>
      %parallel_loop3A_262 = arith.index_cast %parallel_loop3A_258 : i32 to index
      %parallel_loop3A_263 = tpu.vector_load %arg6[%parallel_loop3A_262] {strides = array<i32>} : memref<65536xf32, #tpu.memory_space<vmem>>, vector<16xf32>,
      tpu.vector_store %arg6[%parallel_loop3A_262], %parallel_loop3A_261 {strides = array<i32>} : memref<65536xf32, #tpu.memory_space<vmem>>, vector<16xf32>,
      %parallel_loop3A_264 = arith.constant 48 : i32
      %parallel_loop3A_265 = arith.addi %parallel_loop3A_242, %parallel_loop3A_264 : i32
      %parallel_loop3A_266 = arith.index_cast %parallel_loop3A_265 : i32 to index
      %parallel_loop3A_267 = tpu.vector_load %arg6[%parallel_loop3A_266] {strides = array<i32>} : memref<65536xf32, #tpu.memory_space<vmem>>, vector<16xf32>,
      %parallel_loop3A_268 = arith.mulf %parallel_loop3A_267, %div3A_20 : vector<16xf32>
      %parallel_loop3A_269 = arith.index_cast %parallel_loop3A_265 : i32 to index
      %parallel_loop3A_270 = tpu.vector_load %arg6[%parallel_loop3A_269] {strides = array<i32>} : memref<65536xf32, #tpu.memory_space<vmem>>, vector<16xf32>,
      tpu.vector_store %arg6[%parallel_loop3A_269], %parallel_loop3A_268 {strides = array<i32>} : memref<65536xf32, #tpu.memory_space<vmem>>, vector<16xf32>,
      %parallel_loop3A_271 = arith.constant 64 : i32
      %parallel_loop3A_272 = arith.addi %parallel_loop3A_242, %parallel_loop3A_271 : i32
      %parallel_loop3A_273 = arith.index_cast %parallel_loop3A_272 : i32 to index
      %parallel_loop3A_274 = tpu.vector_load %arg6[%parallel_loop3A_273] {strides = array<i32>} : memref<65536xf32, #tpu.memory_space<vmem>>, vector<16xf32>,
      %parallel_loop3A_275 = arith.mulf %parallel_loop3A_274, %div3A_20 : vector<16xf32>
      %parallel_loop3A_276 = arith.index_cast %parallel_loop3A_272 : i32 to index
      %parallel_loop3A_277 = tpu.vector_load %arg6[%parallel_loop3A_276] {strides = array<i32>} : memref<65536xf32, #tpu.memory_space<vmem>>, vector<16xf32>,
      tpu.vector_store %arg6[%parallel_loop3A_276], %parallel_loop3A_275 {strides = array<i32>} : memref<65536xf32, #tpu.memory_space<vmem>>, vector<16xf32>,
      %parallel_loop3A_278 = arith.constant 80 : i32
      %parallel_loop3A_279 = arith.addi %parallel_loop3A_242, %parallel_loop3A_278 : i32
      %parallel_loop3A_280 = arith.index_cast %parallel_loop3A_279 : i32 to index
      %parallel_loop3A_281 = tpu.vector_load %arg6[%parallel_loop3A_280] {strides = array<i32>} : memref<65536xf32, #tpu.memory_space<vmem>>, vector<16xf32>,
      %parallel_loop3A_282 = arith.mulf %parallel_loop3A_281, %div3A_20 : vector<16xf32>
      %parallel_loop3A_283 = arith.index_cast %parallel_loop3A_279 : i32 to index
      %parallel_loop3A_284 = tpu.vector_load %arg6[%parallel_loop3A_283] {strides = array<i32>} : memref<65536xf32, #tpu.memory_space<vmem>>, vector<16xf32>,
      tpu.vector_store %arg6[%parallel_loop3A_283], %parallel_loop3A_282 {strides = array<i32>} : memref<65536xf32, #tpu.memory_space<vmem>>, vector<16xf32>,
      %parallel_loop3A_285 = arith.constant 96 : i32
      %parallel_loop3A_286 = arith.addi %parallel_loop3A_242, %parallel_loop3A_285 : i32
      %parallel_loop3A_287 = arith.index_cast %parallel_loop3A_286 : i32 to index
      %parallel_loop3A_288 = tpu.vector_load %arg6[%parallel_loop3A_287] {strides = array<i32>} : memref<65536xf32, #tpu.memory_space<vmem>>, vector<16xf32>,
      %parallel_loop3A_289 = arith.mulf %parallel_loop3A_288, %div3A_20 : vector<16xf32>
      %parallel_loop3A_290 = arith.index_cast %parallel_loop3A_286 : i32 to index
      %parallel_loop3A_291 = tpu.vector_load %arg6[%parallel_loop3A_290] {strides = array<i32>} : memref<65536xf32, #tpu.memory_space<vmem>>, vector<16xf32>,
      tpu.vector_store %arg6[%parallel_loop3A_290], %parallel_loop3A_289 {strides = array<i32>} : memref<65536xf32, #tpu.memory_space<vmem>>, vector<16xf32>,
      %parallel_loop3A_292 = arith.constant 112 : i32
      %parallel_loop3A_293 = arith.addi %parallel_loop3A_242, %parallel_loop3A_292 : i32
      %parallel_loop3A_294 = arith.index_cast %parallel_loop3A_293 : i32 to index
      %parallel_loop3A_295 = tpu.vector_load %arg6[%parallel_loop3A_294] {strides = array<i32>} : memref<65536xf32, #tpu.memory_space<vmem>>, vector<16xf32>,
      %parallel_loop3A_296 = arith.mulf %parallel_loop3A_295, %div3A_20 : vector<16xf32>
      %parallel_loop3A_297 = arith.index_cast %parallel_loop3A_293 : i32 to index
      %parallel_loop3A_298 = tpu.vector_load %arg6[%parallel_loop3A_297] {strides = array<i32>} : memref<65536xf32, #tpu.memory_space<vmem>>, vector<16xf32>,
      tpu.vector_store %arg6[%parallel_loop3A_297], %parallel_loop3A_296 {strides = array<i32>} : memref<65536xf32, #tpu.memory_space<vmem>>, vector<16xf32>,
      %parallel_loop3A_299 = arith.constant 128 : i32
      %parallel_loop3A_300 = arith.addi %parallel_loop3A_242, %parallel_loop3A_299 : i32
      %parallel_loop3A_301 = arith.index_cast %parallel_loop3A_300 : i32 to index
      %parallel_loop3A_302 = tpu.vector_load %arg6[%parallel_loop3A_301] {strides = array<i32>} : memref<65536xf32, #tpu.memory_space<vmem>>, vector<16xf32>,
      %parallel_loop3A_303 = arith.mulf %parallel_loop3A_302, %div3A_40 : vector<16xf32>
      %parallel_loop3A_304 = arith.index_cast %parallel_loop3A_300 : i32 to index
      %parallel_loop3A_305 = tpu.vector_load %arg6[%parallel_loop3A_304] {strides = array<i32>} : memref<65536xf32, #tpu.memory_space<vmem>>, vector<16xf32>,
      tpu.vector_store %arg6[%parallel_loop3A_304], %parallel_loop3A_303 {strides = array<i32>} : memref<65536xf32, #tpu.memory_space<vmem>>, vector<16xf32>,
      %parallel_loop3A_306 = arith.constant 144 : i32
      %parallel_loop3A_307 = arith.addi %parallel_loop3A_242, %parallel_loop3A_306 : i32
      %parallel_loop3A_308 = arith.index_cast %parallel_loop3A_307 : i32 to index
      %parallel_loop3A_309 = tpu.vector_load %arg6[%parallel_loop3A_308] {strides = array<i32>} : memref<65536xf32, #tpu.memory_space<vmem>>, vector<16xf32>,
      %parallel_loop3A_310 = arith.mulf %parallel_loop3A_309, %div3A_40 : vector<16xf32>
      %parallel_loop3A_311 = arith.index_cast %parallel_loop3A_307 : i32 to index
      %parallel_loop3A_312 = tpu.vector_load %arg6[%parallel_loop3A_311] {strides = array<i32>} : memref<65536xf32, #tpu.memory_space<vmem>>, vector<16xf32>,
      tpu.vector_store %arg6[%parallel_loop3A_311], %parallel_loop3A_310 {strides = array<i32>} : memref<65536xf32, #tpu.memory_space<vmem>>, vector<16xf32>,
      %parallel_loop3A_313 = arith.constant 160 : i32
      %parallel_loop3A_314 = arith.addi %parallel_loop3A_242, %parallel_loop3A_313 : i32
      %parallel_loop3A_315 = arith.index_cast %parallel_loop3A_314 : i32 to index
      %parallel_loop3A_316 = tpu.vector_load %arg6[%parallel_loop3A_315] {strides = array<i32>} : memref<65536xf32, #tpu.memory_space<vmem>>, vector<16xf32>,
      %parallel_loop3A_317 = arith.mulf %parallel_loop3A_316, %div3A_40 : vector<16xf32>
      %parallel_loop3A_318 = arith.index_cast %parallel_loop3A_314 : i32 to index
      %parallel_loop3A_319 = tpu.vector_load %arg6[%parallel_loop3A_318] {strides = array<i32>} : memref<65536xf32, #tpu.memory_space<vmem>>, vector<16xf32>,
      tpu.vector_store %arg6[%parallel_loop3A_318], %parallel_loop3A_317 {strides = array<i32>} : memref<65536xf32, #tpu.memory_space<vmem>>, vector<16xf32>,
      %parallel_loop3A_320 = arith.constant 176 : i32
      %parallel_loop3A_321 = arith.addi %parallel_loop3A_242, %parallel_loop3A_320 : i32
      %parallel_loop3A_322 = arith.index_cast %parallel_loop3A_321 : i32 to index
      %parallel_loop3A_323 = tpu.vector_load %arg6[%parallel_loop3A_322] {strides = array<i32>} : memref<65536xf32, #tpu.memory_space<vmem>>, vector<16xf32>,
      %parallel_loop3A_324 = arith.mulf %parallel_loop3A_323, %div3A_40 : vector<16xf32>
      %parallel_loop3A_325 = arith.index_cast %parallel_loop3A_321 : i32 to index
      %parallel_loop3A_326 = tpu.vector_load %arg6[%parallel_loop3A_325] {strides = array<i32>} : memref<65536xf32, #tpu.memory_space<vmem>>, vector<16xf32>,
      tpu.vector_store %arg6[%parallel_loop3A_325], %parallel_loop3A_324 {strides = array<i32>} : memref<65536xf32, #tpu.memory_space<vmem>>, vector<16xf32>,
      %parallel_loop3A_327 = arith.constant 192 : i32
      %parallel_loop3A_328 = arith.addi %parallel_loop3A_242, %parallel_loop3A_327 : i32
      %parallel_loop3A_329 = arith.index_cast %parallel_loop3A_328 : i32 to index
      %parallel_loop3A_330 = tpu.vector_load %arg6[%parallel_loop3A_329] {strides = array<i32>} : memref<65536xf32, #tpu.memory_space<vmem>>, vector<16xf32>,
      %parallel_loop3A_331 = arith.mulf %parallel_loop3A_330, %div3A_40 : vector<16xf32>
      %parallel_loop3A_332 = arith.index_cast %parallel_loop3A_328 : i32 to index
      %parallel_loop3A_333 = tpu.vector_load %arg6[%parallel_loop3A_332] {strides = array<i32>} : memref<65536xf32, #tpu.memory_space<vmem>>, vector<16xf32>,
      tpu.vector_store %arg6[%parallel_loop3A_332], %parallel_loop3A_331 {strides = array<i32>} : memref<65536xf32, #tpu.memory_space<vmem>>, vector<16xf32>,
      %parallel_loop3A_334 = arith.constant 208 : i32
      %parallel_loop3A_335 = arith.addi %parallel_loop3A_242, %parallel_loop3A_334 : i32
      %parallel_loop3A_336 = arith.index_cast %parallel_loop3A_335 : i32 to index
      %parallel_loop3A_337 = tpu.vector_load %arg6[%parallel_loop3A_336] {strides = array<i32>} : memref<65536xf32, #tpu.memory_space<vmem>>, vector<16xf32>,
      %parallel_loop3A_338 = arith.mulf %parallel_loop3A_337, %div3A_40 : vector<16xf32>
      %parallel_loop3A_339 = arith.index_cast %parallel_loop3A_335 : i32 to index
      %parallel_loop3A_340 = tpu.vector_load %arg6[%parallel_loop3A_339] {strides = array<i32>} : memref<65536xf32, #tpu.memory_space<vmem>>, vector<16xf32>,
      tpu.vector_store %arg6[%parallel_loop3A_339], %parallel_loop3A_338 {strides = array<i32>} : memref<65536xf32, #tpu.memory_space<vmem>>, vector<16xf32>,
      %parallel_loop3A_341 = arith.constant 224 : i32
      %parallel_loop3A_342 = arith.addi %parallel_loop3A_242, %parallel_loop3A_341 : i32
      %parallel_loop3A_343 = arith.index_cast %parallel_loop3A_342 : i32 to index
      %parallel_loop3A_344 = tpu.vector_load %arg6[%parallel_loop3A_343] {strides = array<i32>} : memref<65536xf32, #tpu.memory_space<vmem>>, vector<16xf32>,
      %parallel_loop3A_345 = arith.mulf %parallel_loop3A_344, %div3A_40 : vector<16xf32>
      %parallel_loop3A_346 = arith.index_cast %parallel_loop3A_342 : i32 to index
      %parallel_loop3A_347 = tpu.vector_load %arg6[%parallel_loop3A_346] {strides = array<i32>} : memref<65536xf32, #tpu.memory_space<vmem>>, vector<16xf32>,
      tpu.vector_store %arg6[%parallel_loop3A_346], %parallel_loop3A_345 {strides = array<i32>} : memref<65536xf32, #tpu.memory_space<vmem>>, vector<16xf32>,
      %parallel_loop3A_348 = arith.constant 240 : i32
      %parallel_loop3A_349 = arith.addi %parallel_loop3A_242, %parallel_loop3A_348 : i32
      %parallel_loop3A_350 = arith.index_cast %parallel_loop3A_349 : i32 to index
      %parallel_loop3A_351 = tpu.vector_load %arg6[%parallel_loop3A_350] {strides = array<i32>} : memref<65536xf32, #tpu.memory_space<vmem>>, vector<16xf32>,
      %parallel_loop3A_352 = arith.mulf %parallel_loop3A_351, %div3A_40 : vector<16xf32>
      %parallel_loop3A_353 = arith.index_cast %parallel_loop3A_349 : i32 to index
      %parallel_loop3A_354 = tpu.vector_load %arg6[%parallel_loop3A_353] {strides = array<i32>} : memref<65536xf32, #tpu.memory_space<vmem>>, vector<16xf32>,
      tpu.vector_store %arg6[%parallel_loop3A_353], %parallel_loop3A_352 {strides = array<i32>} : memref<65536xf32, #tpu.memory_space<vmem>>, vector<16xf32>,
      %parallel_loop3A_355 = arith.constant 256 : i32
      %parallel_loop3A_356 = arith.addi %parallel_loop3A_242, %parallel_loop3A_355 : i32
      %parallel_loop3A_357 = arith.index_cast %parallel_loop3A_356 : i32 to index
      %parallel_loop3A_358 = tpu.vector_load %arg6[%parallel_loop3A_357] {strides = array<i32>} : memref<65536xf32, #tpu.memory_space<vmem>>, vector<16xf32>,
      %parallel_loop3A_359 = arith.mulf %parallel_loop3A_358, %div3A_60 : vector<16xf32>
      %parallel_loop3A_360 = arith.index_cast %parallel_loop3A_356 : i32 to index
      %parallel_loop3A_361 = tpu.vector_load %arg6[%parallel_loop3A_360] {strides = array<i32>} : memref<65536xf32, #tpu.memory_space<vmem>>, vector<16xf32>,
      tpu.vector_store %arg6[%parallel_loop3A_360], %parallel_loop3A_359 {strides = array<i32>} : memref<65536xf32, #tpu.memory_space<vmem>>, vector<16xf32>,
      %parallel_loop3A_362 = arith.constant 272 : i32
      %parallel_loop3A_363 = arith.addi %parallel_loop3A_242, %parallel_loop3A_362 : i32
      %parallel_loop3A_364 = arith.index_cast %parallel_loop3A_363 : i32 to index
      %parallel_loop3A_365 = tpu.vector_load %arg6[%parallel_loop3A_364] {strides = array<i32>} : memref<65536xf32, #tpu.memory_space<vmem>>, vector<16xf32>,
      %parallel_loop3A_366 = arith.mulf %parallel_loop3A_365, %div3A_60 : vector<16xf32>
      %parallel_loop3A_367 = arith.index_cast %parallel_loop3A_363 : i32 to index
      %parallel_loop3A_368 = tpu.vector_load %arg6[%parallel_loop3A_367] {strides = array<i32>} : memref<65536xf32, #tpu.memory_space<vmem>>, vector<16xf32>,
      tpu.vector_store %arg6[%parallel_loop3A_367], %parallel_loop3A_366 {strides = array<i32>} : memref<65536xf32, #tpu.memory_space<vmem>>, vector<16xf32>,
      %parallel_loop3A_369 = arith.constant 288 : i32
      %parallel_loop3A_370 = arith.addi %parallel_loop3A_242, %parallel_loop3A_369 : i32
      %parallel_loop3A_371 = arith.index_cast %parallel_loop3A_370 : i32 to index
      %parallel_loop3A_372 = tpu.vector_load %arg6[%parallel_loop3A_371] {strides = array<i32>} : memref<65536xf32, #tpu.memory_space<vmem>>, vector<16xf32>,
      %parallel_loop3A_373 = arith.mulf %parallel_loop3A_372, %div3A_60 : vector<16xf32>
      %parallel_loop3A_374 = arith.index_cast %parallel_loop3A_370 : i32 to index
      %parallel_loop3A_375 = tpu.vector_load %arg6[%parallel_loop3A_374] {strides = array<i32>} : memref<65536xf32, #tpu.memory_space<vmem>>, vector<16xf32>,
      tpu.vector_store %arg6[%parallel_loop3A_374], %parallel_loop3A_373 {strides = array<i32>} : memref<65536xf32, #tpu.memory_space<vmem>>, vector<16xf32>,
      %parallel_loop3A_376 = arith.constant 304 : i32
      %parallel_loop3A_377 = arith.addi %parallel_loop3A_242, %parallel_loop3A_376 : i32
      %parallel_loop3A_378 = arith.index_cast %parallel_loop3A_377 : i32 to index
      %parallel_loop3A_379 = tpu.vector_load %arg6[%parallel_loop3A_378] {strides = array<i32>} : memref<65536xf32, #tpu.memory_space<vmem>>, vector<16xf32>,
      %parallel_loop3A_380 = arith.mulf %parallel_loop3A_379, %div3A_60 : vector<16xf32>
      %parallel_loop3A_381 = arith.index_cast %parallel_loop3A_377 : i32 to index
      %parallel_loop3A_382 = tpu.vector_load %arg6[%parallel_loop3A_381] {strides = array<i32>} : memref<65536xf32, #tpu.memory_space<vmem>>, vector<16xf32>,
      tpu.vector_store %arg6[%parallel_loop3A_381], %parallel_loop3A_380 {strides = array<i32>} : memref<65536xf32, #tpu.memory_space<vmem>>, vector<16xf32>,
      %parallel_loop3A_383 = arith.constant 320 : i32
      %parallel_loop3A_384 = arith.addi %parallel_loop3A_242, %parallel_loop3A_383 : i32
      %parallel_loop3A_385 = arith.index_cast %parallel_loop3A_384 : i32 to index
      %parallel_loop3A_386 = tpu.vector_load %arg6[%parallel_loop3A_385] {strides = array<i32>} : memref<65536xf32, #tpu.memory_space<vmem>>, vector<16xf32>,
      %parallel_loop3A_387 = arith.mulf %parallel_loop3A_386, %div3A_60 : vector<16xf32>
      %parallel_loop3A_388 = arith.index_cast %parallel_loop3A_384 : i32 to index
      %parallel_loop3A_389 = tpu.vector_load %arg6[%parallel_loop3A_388] {strides = array<i32>} : memref<65536xf32, #tpu.memory_space<vmem>>, vector<16xf32>,
      tpu.vector_store %arg6[%parallel_loop3A_388], %parallel_loop3A_387 {strides = array<i32>} : memref<65536xf32, #tpu.memory_space<vmem>>, vector<16xf32>,
      %parallel_loop3A_390 = arith.constant 336 : i32
      %parallel_loop3A_391 = arith.addi %parallel_loop3A_242, %parallel_loop3A_390 : i32
      %parallel_loop3A_392 = arith.index_cast %parallel_loop3A_391 : i32 to index
      %parallel_loop3A_393 = tpu.vector_load %arg6[%parallel_loop3A_392] {strides = array<i32>} : memref<65536xf32, #tpu.memory_space<vmem>>, vector<16xf32>,
      %parallel_loop3A_394 = arith.mulf %parallel_loop3A_393, %div3A_60 : vector<16xf32>
      %parallel_loop3A_395 = arith.index_cast %parallel_loop3A_391 : i32 to index
      %parallel_loop3A_396 = tpu.vector_load %arg6[%parallel_loop3A_395] {strides = array<i32>} : memref<65536xf32, #tpu.memory_space<vmem>>, vector<16xf32>,
      tpu.vector_store %arg6[%parallel_loop3A_395], %parallel_loop3A_394 {strides = array<i32>} : memref<65536xf32, #tpu.memory_space<vmem>>, vector<16xf32>,
      %parallel_loop3A_397 = arith.constant 352 : i32
      %parallel_loop3A_398 = arith.addi %parallel_loop3A_242, %parallel_loop3A_397 : i32
      %parallel_loop3A_399 = arith.index_cast %parallel_loop3A_398 : i32 to index
      %parallel_loop3A_400 = tpu.vector_load %arg6[%parallel_loop3A_399] {strides = array<i32>} : memref<65536xf32, #tpu.memory_space<vmem>>, vector<16xf32>,
      %parallel_loop3A_401 = arith.mulf %parallel_loop3A_400, %div3A_60 : vector<16xf32>
      %parallel_loop3A_402 = arith.index_cast %parallel_loop3A_398 : i32 to index
      %parallel_loop3A_403 = tpu.vector_load %arg6[%parallel_loop3A_402] {strides = array<i32>} : memref<65536xf32, #tpu.memory_space<vmem>>, vector<16xf32>,
      tpu.vector_store %arg6[%parallel_loop3A_402], %parallel_loop3A_401 {strides = array<i32>} : memref<65536xf32, #tpu.memory_space<vmem>>, vector<16xf32>,
      %parallel_loop3A_404 = arith.constant 368 : i32
      %parallel_loop3A_405 = arith.addi %parallel_loop3A_242, %parallel_loop3A_404 : i32
      %parallel_loop3A_406 = arith.index_cast %parallel_loop3A_405 : i32 to index
      %parallel_loop3A_407 = tpu.vector_load %arg6[%parallel_loop3A_406] {strides = array<i32>} : memref<65536xf32, #tpu.memory_space<vmem>>, vector<16xf32>,
      %parallel_loop3A_408 = arith.mulf %parallel_loop3A_407, %div3A_60 : vector<16xf32>
      %parallel_loop3A_409 = arith.index_cast %parallel_loop3A_405 : i32 to index
      %parallel_loop3A_410 = tpu.vector_load %arg6[%parallel_loop3A_409] {strides = array<i32>} : memref<65536xf32, #tpu.memory_space<vmem>>, vector<16xf32>,
      tpu.vector_store %arg6[%parallel_loop3A_409], %parallel_loop3A_408 {strides = array<i32>} : memref<65536xf32, #tpu.memory_space<vmem>>, vector<16xf32>,
      %parallel_loop3A_411 = arith.constant 384 : i32
      %parallel_loop3A_412 = arith.addi %parallel_loop3A_242, %parallel_loop3A_411 : i32
      %parallel_loop3A_413 = arith.index_cast %parallel_loop3A_412 : i32 to index
      %parallel_loop3A_414 = tpu.vector_load %arg6[%parallel_loop3A_413] {strides = array<i32>} : memref<65536xf32, #tpu.memory_space<vmem>>, vector<16xf32>,
      %parallel_loop3A_415 = arith.mulf %parallel_loop3A_414, %div3A_80 : vector<16xf32>
      %parallel_loop3A_416 = arith.index_cast %parallel_loop3A_412 : i32 to index
      %parallel_loop3A_417 = tpu.vector_load %arg6[%parallel_loop3A_416] {strides = array<i32>} : memref<65536xf32, #tpu.memory_space<vmem>>, vector<16xf32>,
      tpu.vector_store %arg6[%parallel_loop3A_416], %parallel_loop3A_415 {strides = array<i32>} : memref<65536xf32, #tpu.memory_space<vmem>>, vector<16xf32>,
      %parallel_loop3A_418 = arith.constant 400 : i32
      %parallel_loop3A_419 = arith.addi %parallel_loop3A_242, %parallel_loop3A_418 : i32
      %parallel_loop3A_420 = arith.index_cast %parallel_loop3A_419 : i32 to index
      %parallel_loop3A_421 = tpu.vector_load %arg6[%parallel_loop3A_420] {strides = array<i32>} : memref<65536xf32, #tpu.memory_space<vmem>>, vector<16xf32>,
      %parallel_loop3A_422 = arith.mulf %parallel_loop3A_421, %div3A_80 : vector<16xf32>
      %parallel_loop3A_423 = arith.index_cast %parallel_loop3A_419 : i32 to index
      %parallel_loop3A_424 = tpu.vector_load %arg6[%parallel_loop3A_423] {strides = array<i32>} : memref<65536xf32, #tpu.memory_space<vmem>>, vector<16xf32>,
      tpu.vector_store %arg6[%parallel_loop3A_423], %parallel_loop3A_422 {strides = array<i32>} : memref<65536xf32, #tpu.memory_space<vmem>>, vector<16xf32>,
      %parallel_loop3A_425 = arith.constant 416 : i32
      %parallel_loop3A_426 = arith.addi %parallel_loop3A_242, %parallel_loop3A_425 : i32
      %parallel_loop3A_427 = arith.index_cast %parallel_loop3A_426 : i32 to index
      %parallel_loop3A_428 = tpu.vector_load %arg6[%parallel_loop3A_427] {strides = array<i32>} : memref<65536xf32, #tpu.memory_space<vmem>>, vector<16xf32>,
      %parallel_loop3A_429 = arith.mulf %parallel_loop3A_428, %div3A_80 : vector<16xf32>
      %parallel_loop3A_430 = arith.index_cast %parallel_loop3A_426 : i32 to index
      %parallel_loop3A_431 = tpu.vector_load %arg6[%parallel_loop3A_430] {strides = array<i32>} : memref<65536xf32, #tpu.memory_space<vmem>>, vector<16xf32>,
      tpu.vector_store %arg6[%parallel_loop3A_430], %parallel_loop3A_429 {strides = array<i32>} : memref<65536xf32, #tpu.memory_space<vmem>>, vector<16xf32>,
      %parallel_loop3A_432 = arith.constant 432 : i32
      %parallel_loop3A_433 = arith.addi %parallel_loop3A_242, %parallel_loop3A_432 : i32
      %parallel_loop3A_434 = arith.index_cast %parallel_loop3A_433 : i32 to index
      %parallel_loop3A_435 = tpu.vector_load %arg6[%parallel_loop3A_434] {strides = array<i32>} : memref<65536xf32, #tpu.memory_space<vmem>>, vector<16xf32>,
      %parallel_loop3A_436 = arith.mulf %parallel_loop3A_435, %div3A_80 : vector<16xf32>
      %parallel_loop3A_437 = arith.index_cast %parallel_loop3A_433 : i32 to index
      %parallel_loop3A_438 = tpu.vector_load %arg6[%parallel_loop3A_437] {strides = array<i32>} : memref<65536xf32, #tpu.memory_space<vmem>>, vector<16xf32>,
      tpu.vector_store %arg6[%parallel_loop3A_437], %parallel_loop3A_436 {strides = array<i32>} : memref<65536xf32, #tpu.memory_space<vmem>>, vector<16xf32>,
      %parallel_loop3A_439 = arith.constant 448 : i32
      %parallel_loop3A_440 = arith.addi %parallel_loop3A_242, %parallel_loop3A_439 : i32
      %parallel_loop3A_441 = arith.index_cast %parallel_loop3A_440 : i32 to index
      %parallel_loop3A_442 = tpu.vector_load %arg6[%parallel_loop3A_441] {strides = array<i32>} : memref<65536xf32, #tpu.memory_space<vmem>>, vector<16xf32>,
      %parallel_loop3A_443 = arith.mulf %parallel_loop3A_442, %div3A_80 : vector<16xf32>
      %parallel_loop3A_444 = arith.index_cast %parallel_loop3A_440 : i32 to index
      %parallel_loop3A_445 = tpu.vector_load %arg6[%parallel_loop3A_444] {strides = array<i32>} : memref<65536xf32, #tpu.memory_space<vmem>>, vector<16xf32>,
      tpu.vector_store %arg6[%parallel_loop3A_444], %parallel_loop3A_443 {strides = array<i32>} : memref<65536xf32, #tpu.memory_space<vmem>>, vector<16xf32>,
      %parallel_loop3A_446 = arith.constant 464 : i32
      %parallel_loop3A_447 = arith.addi %parallel_loop3A_242, %parallel_loop3A_446 : i32
      %parallel_loop3A_448 = arith.index_cast %parallel_loop3A_447 : i32 to index
      %parallel_loop3A_449 = tpu.vector_load %arg6[%parallel_loop3A_448] {strides = array<i32>} : memref<65536xf32, #tpu.memory_space<vmem>>, vector<16xf32>,
      %parallel_loop3A_450 = arith.mulf %parallel_loop3A_449, %div3A_80 : vector<16xf32>
      %parallel_loop3A_451 = arith.index_cast %parallel_loop3A_447 : i32 to index
      %parallel_loop3A_452 = tpu.vector_load %arg6[%parallel_loop3A_451] {strides = array<i32>} : memref<65536xf32, #tpu.memory_space<vmem>>, vector<16xf32>,
      tpu.vector_store %arg6[%parallel_loop3A_451], %parallel_loop3A_450 {strides = array<i32>} : memref<65536xf32, #tpu.memory_space<vmem>>, vector<16xf32>,
      %parallel_loop3A_453 = arith.constant 480 : i32
      %parallel_loop3A_454 = arith.addi %parallel_loop3A_242, %parallel_loop3A_453 : i32
      %parallel_loop3A_455 = arith.index_cast %parallel_loop3A_454 : i32 to index
      %parallel_loop3A_456 = tpu.vector_load %arg6[%parallel_loop3A_455] {strides = array<i32>} : memref<65536xf32, #tpu.memory_space<vmem>>, vector<16xf32>,
      %parallel_loop3A_457 = arith.mulf %parallel_loop3A_456, %div3A_80 : vector<16xf32>
      %parallel_loop3A_458 = arith.index_cast %parallel_loop3A_454 : i32 to index
      %parallel_loop3A_459 = tpu.vector_load %arg6[%parallel_loop3A_458] {strides = array<i32>} : memref<65536xf32, #tpu.memory_space<vmem>>, vector<16xf32>,
      tpu.vector_store %arg6[%parallel_loop3A_458], %parallel_loop3A_457 {strides = array<i32>} : memref<65536xf32, #tpu.memory_space<vmem>>, vector<16xf32>,
      %parallel_loop3A_460 = arith.constant 496 : i32
      %parallel_loop3A_461 = arith.addi %parallel_loop3A_242, %parallel_loop3A_460 : i32
      %parallel_loop3A_462 = arith.index_cast %parallel_loop3A_461 : i32 to index
      %parallel_loop3A_463 = tpu.vector_load %arg6[%parallel_loop3A_462] {strides = array<i32>} : memref<65536xf32, #tpu.memory_space<vmem>>, vector<16xf32>,
      %parallel_loop3A_464 = arith.mulf %parallel_loop3A_463, %div3A_80 : vector<16xf32>
      %parallel_loop3A_465 = arith.index_cast %parallel_loop3A_461 : i32 to index
      %parallel_loop3A_466 = tpu.vector_load %arg6[%parallel_loop3A_465] {strides = array<i32>} : memref<65536xf32, #tpu.memory_space<vmem>>, vector<16xf32>,
      tpu.vector_store %arg6[%parallel_loop3A_465], %parallel_loop3A_464 {strides = array<i32>} : memref<65536xf32, #tpu.memory_space<vmem>>, vector<16xf32>,
      %parallel_loop3A_467 = arith.constant 512 : i32
      %parallel_loop3A_468 = arith.addi %parallel_loop3A_242, %parallel_loop3A_467 : i32
      %parallel_loop3A_469 = arith.index_cast %parallel_loop3A_468 : i32 to index
      %parallel_loop3A_470 = tpu.vector_load %arg6[%parallel_loop3A_469] {strides = array<i32>} : memref<65536xf32, #tpu.memory_space<vmem>>, vector<16xf32>,
      %parallel_loop3A_471 = arith.mulf %parallel_loop3A_470, %div3A_100 : vector<16xf32>
      %parallel_loop3A_472 = arith.index_cast %parallel_loop3A_468 : i32 to index
      %parallel_loop3A_473 = tpu.vector_load %arg6[%parallel_loop3A_472] {strides = array<i32>} : memref<65536xf32, #tpu.memory_space<vmem>>, vector<16xf32>,
      tpu.vector_store %arg6[%parallel_loop3A_472], %parallel_loop3A_471 {strides = array<i32>} : memref<65536xf32, #tpu.memory_space<vmem>>, vector<16xf32>,
      %parallel_loop3A_474 = arith.constant 528 : i32
      %parallel_loop3A_475 = arith.addi %parallel_loop3A_242, %parallel_loop3A_474 : i32
      %parallel_loop3A_476 = arith.index_cast %parallel_loop3A_475 : i32 to index
      %parallel_loop3A_477 = tpu.vector_load %arg6[%parallel_loop3A_476] {strides = array<i32>} : memref<65536xf32, #tpu.memory_space<vmem>>, vector<16xf32>,
      %parallel_loop3A_478 = arith.mulf %parallel_loop3A_477, %div3A_100 : vector<16xf32>
      %parallel_loop3A_479 = arith.index_cast %parallel_loop3A_475 : i32 to index
      %parallel_loop3A_480 = tpu.vector_load %arg6[%parallel_loop3A_479] {strides = array<i32>} : memref<65536xf32, #tpu.memory_space<vmem>>, vector<16xf32>,
      tpu.vector_store %arg6[%parallel_loop3A_479], %parallel_loop3A_478 {strides = array<i32>} : memref<65536xf32, #tpu.memory_space<vmem>>, vector<16xf32>,
      %parallel_loop3A_481 = arith.constant 544 : i32
      %parallel_loop3A_482 = arith.addi %parallel_loop3A_242, %parallel_loop3A_481 : i32
      %parallel_loop3A_483 = arith.index_cast %parallel_loop3A_482 : i32 to index
      %parallel_loop3A_484 = tpu.vector_load %arg6[%parallel_loop3A_483] {strides = array<i32>} : memref<65536xf32, #tpu.memory_space<vmem>>, vector<16xf32>,
      %parallel_loop3A_485 = arith.mulf %parallel_loop3A_484, %div3A_100 : vector<16xf32>
      %parallel_loop3A_486 = arith.index_cast %parallel_loop3A_482 : i32 to index
      %parallel_loop3A_487 = tpu.vector_load %arg6[%parallel_loop3A_486] {strides = array<i32>} : memref<65536xf32, #tpu.memory_space<vmem>>, vector<16xf32>,
      tpu.vector_store %arg6[%parallel_loop3A_486], %parallel_loop3A_485 {strides = array<i32>} : memref<65536xf32, #tpu.memory_space<vmem>>, vector<16xf32>,
      %parallel_loop3A_488 = arith.constant 560 : i32
      %parallel_loop3A_489 = arith.addi %parallel_loop3A_242, %parallel_loop3A_488 : i32
      %parallel_loop3A_490 = arith.index_cast %parallel_loop3A_489 : i32 to index
      %parallel_loop3A_491 = tpu.vector_load %arg6[%parallel_loop3A_490] {strides = array<i32>} : memref<65536xf32, #tpu.memory_space<vmem>>, vector<16xf32>,
      %parallel_loop3A_492 = arith.mulf %parallel_loop3A_491, %div3A_100 : vector<16xf32>
      %parallel_loop3A_493 = arith.index_cast %parallel_loop3A_489 : i32 to index
      %parallel_loop3A_494 = tpu.vector_load %arg6[%parallel_loop3A_493] {strides = array<i32>} : memref<65536xf32, #tpu.memory_space<vmem>>, vector<16xf32>,
      tpu.vector_store %arg6[%parallel_loop3A_493], %parallel_loop3A_492 {strides = array<i32>} : memref<65536xf32, #tpu.memory_space<vmem>>, vector<16xf32>,
      %parallel_loop3A_495 = arith.constant 576 : i32
      %parallel_loop3A_496 = arith.addi %parallel_loop3A_242, %parallel_loop3A_495 : i32
      %parallel_loop3A_497 = arith.index_cast %parallel_loop3A_496 : i32 to index
      %parallel_loop3A_498 = tpu.vector_load %arg6[%parallel_loop3A_497] {strides = array<i32>} : memref<65536xf32, #tpu.memory_space<vmem>>, vector<16xf32>,
      %parallel_loop3A_499 = arith.mulf %parallel_loop3A_498, %div3A_100 : vector<16xf32>
      %parallel_loop3A_500 = arith.index_cast %parallel_loop3A_496 : i32 to index
      %parallel_loop3A_501 = tpu.vector_load %arg6[%parallel_loop3A_500] {strides = array<i32>} : memref<65536xf32, #tpu.memory_space<vmem>>, vector<16xf32>,
      tpu.vector_store %arg6[%parallel_loop3A_500], %parallel_loop3A_499 {strides = array<i32>} : memref<65536xf32, #tpu.memory_space<vmem>>, vector<16xf32>,
      %parallel_loop3A_502 = arith.constant 592 : i32
      %parallel_loop3A_503 = arith.addi %parallel_loop3A_242, %parallel_loop3A_502 : i32
      %parallel_loop3A_504 = arith.index_cast %parallel_loop3A_503 : i32 to index
      %parallel_loop3A_505 = tpu.vector_load %arg6[%parallel_loop3A_504] {strides = array<i32>} : memref<65536xf32, #tpu.memory_space<vmem>>, vector<16xf32>,
      %parallel_loop3A_506 = arith.mulf %parallel_loop3A_505, %div3A_100 : vector<16xf32>
      %parallel_loop3A_507 = arith.index_cast %parallel_loop3A_503 : i32 to index
      %parallel_loop3A_508 = tpu.vector_load %arg6[%parallel_loop3A_507] {strides = array<i32>} : memref<65536xf32, #tpu.memory_space<vmem>>, vector<16xf32>,
      tpu.vector_store %arg6[%parallel_loop3A_507], %parallel_loop3A_506 {strides = array<i32>} : memref<65536xf32, #tpu.memory_space<vmem>>, vector<16xf32>,
      %parallel_loop3A_509 = arith.constant 608 : i32
      %parallel_loop3A_510 = arith.addi %parallel_loop3A_242, %parallel_loop3A_509 : i32
      %parallel_loop3A_511 = arith.index_cast %parallel_loop3A_510 : i32 to index
      %parallel_loop3A_512 = tpu.vector_load %arg6[%parallel_loop3A_511] {strides = array<i32>} : memref<65536xf32, #tpu.memory_space<vmem>>, vector<16xf32>,
      %parallel_loop3A_513 = arith.mulf %parallel_loop3A_512, %div3A_100 : vector<16xf32>
      %parallel_loop3A_514 = arith.index_cast %parallel_loop3A_510 : i32 to index
      %parallel_loop3A_515 = tpu.vector_load %arg6[%parallel_loop3A_514] {strides = array<i32>} : memref<65536xf32, #tpu.memory_space<vmem>>, vector<16xf32>,
      tpu.vector_store %arg6[%parallel_loop3A_514], %parallel_loop3A_513 {strides = array<i32>} : memref<65536xf32, #tpu.memory_space<vmem>>, vector<16xf32>,
      %parallel_loop3A_516 = arith.constant 624 : i32
      %parallel_loop3A_517 = arith.addi %parallel_loop3A_242, %parallel_loop3A_516 : i32
      %parallel_loop3A_518 = arith.index_cast %parallel_loop3A_517 : i32 to index
      %parallel_loop3A_519 = tpu.vector_load %arg6[%parallel_loop3A_518] {strides = array<i32>} : memref<65536xf32, #tpu.memory_space<vmem>>, vector<16xf32>,
      %parallel_loop3A_520 = arith.mulf %parallel_loop3A_519, %div3A_100 : vector<16xf32>
      %parallel_loop3A_521 = arith.index_cast %parallel_loop3A_517 : i32 to index
      %parallel_loop3A_522 = tpu.vector_load %arg6[%parallel_loop3A_521] {strides = array<i32>} : memref<65536xf32, #tpu.memory_space<vmem>>, vector<16xf32>,
      tpu.vector_store %arg6[%parallel_loop3A_521], %parallel_loop3A_520 {strides = array<i32>} : memref<65536xf32, #tpu.memory_space<vmem>>, vector<16xf32>,
      %parallel_loop3A_523 = arith.constant 640 : i32
      %parallel_loop3A_524 = arith.addi %parallel_loop3A_242, %parallel_loop3A_523 : i32
      %parallel_loop3A_525 = arith.index_cast %parallel_loop3A_524 : i32 to index
      %parallel_loop3A_526 = tpu.vector_load %arg6[%parallel_loop3A_525] {strides = array<i32>} : memref<65536xf32, #tpu.memory_space<vmem>>, vector<16xf32>,
      %parallel_loop3A_527 = arith.mulf %parallel_loop3A_526, %div3A_120 : vector<16xf32>
      %parallel_loop3A_528 = arith.index_cast %parallel_loop3A_524 : i32 to index
      %parallel_loop3A_529 = tpu.vector_load %arg6[%parallel_loop3A_528] {strides = array<i32>} : memref<65536xf32, #tpu.memory_space<vmem>>, vector<16xf32>,
      tpu.vector_store %arg6[%parallel_loop3A_528], %parallel_loop3A_527 {strides = array<i32>} : memref<65536xf32, #tpu.memory_space<vmem>>, vector<16xf32>,
      %parallel_loop3A_530 = arith.constant 656 : i32
      %parallel_loop3A_531 = arith.addi %parallel_loop3A_242, %parallel_loop3A_530 : i32
      %parallel_loop3A_532 = arith.index_cast %parallel_loop3A_531 : i32 to index
      %parallel_loop3A_533 = tpu.vector_load %arg6[%parallel_loop3A_532] {strides = array<i32>} : memref<65536xf32, #tpu.memory_space<vmem>>, vector<16xf32>,
      %parallel_loop3A_534 = arith.mulf %parallel_loop3A_533, %div3A_120 : vector<16xf32>
      %parallel_loop3A_535 = arith.index_cast %parallel_loop3A_531 : i32 to index
      %parallel_loop3A_536 = tpu.vector_load %arg6[%parallel_loop3A_535] {strides = array<i32>} : memref<65536xf32, #tpu.memory_space<vmem>>, vector<16xf32>,
      tpu.vector_store %arg6[%parallel_loop3A_535], %parallel_loop3A_534 {strides = array<i32>} : memref<65536xf32, #tpu.memory_space<vmem>>, vector<16xf32>,
      %parallel_loop3A_537 = arith.constant 672 : i32
      %parallel_loop3A_538 = arith.addi %parallel_loop3A_242, %parallel_loop3A_537 : i32
      %parallel_loop3A_539 = arith.index_cast %parallel_loop3A_538 : i32 to index
      %parallel_loop3A_540 = tpu.vector_load %arg6[%parallel_loop3A_539] {strides = array<i32>} : memref<65536xf32, #tpu.memory_space<vmem>>, vector<16xf32>,
      %parallel_loop3A_541 = arith.mulf %parallel_loop3A_540, %div3A_120 : vector<16xf32>
      %parallel_loop3A_542 = arith.index_cast %parallel_loop3A_538 : i32 to index
      %parallel_loop3A_543 = tpu.vector_load %arg6[%parallel_loop3A_542] {strides = array<i32>} : memref<65536xf32, #tpu.memory_space<vmem>>, vector<16xf32>,
      tpu.vector_store %arg6[%parallel_loop3A_542], %parallel_loop3A_541 {strides = array<i32>} : memref<65536xf32, #tpu.memory_space<vmem>>, vector<16xf32>,
      %parallel_loop3A_544 = arith.constant 688 : i32
      %parallel_loop3A_545 = arith.addi %parallel_loop3A_242, %parallel_loop3A_544 : i32
      %parallel_loop3A_546 = arith.index_cast %parallel_loop3A_545 : i32 to index
      %parallel_loop3A_547 = tpu.vector_load %arg6[%parallel_loop3A_546] {strides = array<i32>} : memref<65536xf32, #tpu.memory_space<vmem>>, vector<16xf32>,
      %parallel_loop3A_548 = arith.mulf %parallel_loop3A_547, %div3A_120 : vector<16xf32>
      %parallel_loop3A_549 = arith.index_cast %parallel_loop3A_545 : i32 to index
      %parallel_loop3A_550 = tpu.vector_load %arg6[%parallel_loop3A_549] {strides = array<i32>} : memref<65536xf32, #tpu.memory_space<vmem>>, vector<16xf32>,
      tpu.vector_store %arg6[%parallel_loop3A_549], %parallel_loop3A_548 {strides = array<i32>} : memref<65536xf32, #tpu.memory_space<vmem>>, vector<16xf32>,
      %parallel_loop3A_551 = arith.constant 704 : i32
      %parallel_loop3A_552 = arith.addi %parallel_loop3A_242, %parallel_loop3A_551 : i32
      %parallel_loop3A_553 = arith.index_cast %parallel_loop3A_552 : i32 to index
      %parallel_loop3A_554 = tpu.vector_load %arg6[%parallel_loop3A_553] {strides = array<i32>} : memref<65536xf32, #tpu.memory_space<vmem>>, vector<16xf32>,
      %parallel_loop3A_555 = arith.mulf %parallel_loop3A_554, %div3A_120 : vector<16xf32>
      %parallel_loop3A_556 = arith.index_cast %parallel_loop3A_552 : i32 to index
      %parallel_loop3A_557 = tpu.vector_load %arg6[%parallel_loop3A_556] {strides = array<i32>} : memref<65536xf32, #tpu.memory_space<vmem>>, vector<16xf32>,
      tpu.vector_store %arg6[%parallel_loop3A_556], %parallel_loop3A_555 {strides = array<i32>} : memref<65536xf32, #tpu.memory_space<vmem>>, vector<16xf32>,
      %parallel_loop3A_558 = arith.constant 720 : i32
      %parallel_loop3A_559 = arith.addi %parallel_loop3A_242, %parallel_loop3A_558 : i32
      %parallel_loop3A_560 = arith.index_cast %parallel_loop3A_559 : i32 to index
      %parallel_loop3A_561 = tpu.vector_load %arg6[%parallel_loop3A_560] {strides = array<i32>} : memref<65536xf32, #tpu.memory_space<vmem>>, vector<16xf32>,
      %parallel_loop3A_562 = arith.mulf %parallel_loop3A_561, %div3A_120 : vector<16xf32>
      %parallel_loop3A_563 = arith.index_cast %parallel_loop3A_559 : i32 to index
      %parallel_loop3A_564 = tpu.vector_load %arg6[%parallel_loop3A_563] {strides = array<i32>} : memref<65536xf32, #tpu.memory_space<vmem>>, vector<16xf32>,
      tpu.vector_store %arg6[%parallel_loop3A_563], %parallel_loop3A_562 {strides = array<i32>} : memref<65536xf32, #tpu.memory_space<vmem>>, vector<16xf32>,
      %parallel_loop3A_565 = arith.constant 736 : i32
      %parallel_loop3A_566 = arith.addi %parallel_loop3A_242, %parallel_loop3A_565 : i32
      %parallel_loop3A_567 = arith.index_cast %parallel_loop3A_566 : i32 to index
      %parallel_loop3A_568 = tpu.vector_load %arg6[%parallel_loop3A_567] {strides = array<i32>} : memref<65536xf32, #tpu.memory_space<vmem>>, vector<16xf32>,
      %parallel_loop3A_569 = arith.mulf %parallel_loop3A_568, %div3A_120 : vector<16xf32>
      %parallel_loop3A_570 = arith.index_cast %parallel_loop3A_566 : i32 to index
      %parallel_loop3A_571 = tpu.vector_load %arg6[%parallel_loop3A_570] {strides = array<i32>} : memref<65536xf32, #tpu.memory_space<vmem>>, vector<16xf32>,
      tpu.vector_store %arg6[%parallel_loop3A_570], %parallel_loop3A_569 {strides = array<i32>} : memref<65536xf32, #tpu.memory_space<vmem>>, vector<16xf32>,
      %parallel_loop3A_572 = arith.constant 752 : i32
      %parallel_loop3A_573 = arith.addi %parallel_loop3A_242, %parallel_loop3A_572 : i32
      %parallel_loop3A_574 = arith.index_cast %parallel_loop3A_573 : i32 to index
      %parallel_loop3A_575 = tpu.vector_load %arg6[%parallel_loop3A_574] {strides = array<i32>} : memref<65536xf32, #tpu.memory_space<vmem>>, vector<16xf32>,
      %parallel_loop3A_576 = arith.mulf %parallel_loop3A_575, %div3A_120 : vector<16xf32>
      %parallel_loop3A_577 = arith.index_cast %parallel_loop3A_573 : i32 to index
      %parallel_loop3A_578 = tpu.vector_load %arg6[%parallel_loop3A_577] {strides = array<i32>} : memref<65536xf32, #tpu.memory_space<vmem>>, vector<16xf32>,
      tpu.vector_store %arg6[%parallel_loop3A_577], %parallel_loop3A_576 {strides = array<i32>} : memref<65536xf32, #tpu.memory_space<vmem>>, vector<16xf32>,
      %parallel_loop3A_579 = arith.constant 768 : i32
      %parallel_loop3A_580 = arith.addi %parallel_loop3A_242, %parallel_loop3A_579 : i32
      %parallel_loop3A_581 = arith.index_cast %parallel_loop3A_580 : i32 to index
      %parallel_loop3A_582 = tpu.vector_load %arg6[%parallel_loop3A_581] {strides = array<i32>} : memref<65536xf32, #tpu.memory_space<vmem>>, vector<16xf32>,
      %parallel_loop3A_583 = arith.mulf %parallel_loop3A_582, %div3A_140 : vector<16xf32>
      %parallel_loop3A_584 = arith.index_cast %parallel_loop3A_580 : i32 to index
      %parallel_loop3A_585 = tpu.vector_load %arg6[%parallel_loop3A_584] {strides = array<i32>} : memref<65536xf32, #tpu.memory_space<vmem>>, vector<16xf32>,
      tpu.vector_store %arg6[%parallel_loop3A_584], %parallel_loop3A_583 {strides = array<i32>} : memref<65536xf32, #tpu.memory_space<vmem>>, vector<16xf32>,
      %parallel_loop3A_586 = arith.constant 784 : i32
      %parallel_loop3A_587 = arith.addi %parallel_loop3A_242, %parallel_loop3A_586 : i32
      %parallel_loop3A_588 = arith.index_cast %parallel_loop3A_587 : i32 to index
      %parallel_loop3A_589 = tpu.vector_load %arg6[%parallel_loop3A_588] {strides = array<i32>} : memref<65536xf32, #tpu.memory_space<vmem>>, vector<16xf32>,
      %parallel_loop3A_590 = arith.mulf %parallel_loop3A_589, %div3A_140 : vector<16xf32>
      %parallel_loop3A_591 = arith.index_cast %parallel_loop3A_587 : i32 to index
      %parallel_loop3A_592 = tpu.vector_load %arg6[%parallel_loop3A_591] {strides = array<i32>} : memref<65536xf32, #tpu.memory_space<vmem>>, vector<16xf32>,
      tpu.vector_store %arg6[%parallel_loop3A_591], %parallel_loop3A_590 {strides = array<i32>} : memref<65536xf32, #tpu.memory_space<vmem>>, vector<16xf32>,
      %parallel_loop3A_593 = arith.constant 800 : i32
      %parallel_loop3A_594 = arith.addi %parallel_loop3A_242, %parallel_loop3A_593 : i32
      %parallel_loop3A_595 = arith.index_cast %parallel_loop3A_594 : i32 to index
      %parallel_loop3A_596 = tpu.vector_load %arg6[%parallel_loop3A_595] {strides = array<i32>} : memref<65536xf32, #tpu.memory_space<vmem>>, vector<16xf32>,
      %parallel_loop3A_597 = arith.mulf %parallel_loop3A_596, %div3A_140 : vector<16xf32>
      %parallel_loop3A_598 = arith.index_cast %parallel_loop3A_594 : i32 to index
      %parallel_loop3A_599 = tpu.vector_load %arg6[%parallel_loop3A_598] {strides = array<i32>} : memref<65536xf32, #tpu.memory_space<vmem>>, vector<16xf32>,
      tpu.vector_store %arg6[%parallel_loop3A_598], %parallel_loop3A_597 {strides = array<i32>} : memref<65536xf32, #tpu.memory_space<vmem>>, vector<16xf32>,
      %parallel_loop3A_600 = arith.constant 816 : i32
      %parallel_loop3A_601 = arith.addi %parallel_loop3A_242, %parallel_loop3A_600 : i32
      %parallel_loop3A_602 = arith.index_cast %parallel_loop3A_601 : i32 to index
      %parallel_loop3A_603 = tpu.vector_load %arg6[%parallel_loop3A_602] {strides = array<i32>} : memref<65536xf32, #tpu.memory_space<vmem>>, vector<16xf32>,
      %parallel_loop3A_604 = arith.mulf %parallel_loop3A_603, %div3A_140 : vector<16xf32>
      %parallel_loop3A_605 = arith.index_cast %parallel_loop3A_601 : i32 to index
      %parallel_loop3A_606 = tpu.vector_load %arg6[%parallel_loop3A_605] {strides = array<i32>} : memref<65536xf32, #tpu.memory_space<vmem>>, vector<16xf32>,
      tpu.vector_store %arg6[%parallel_loop3A_605], %parallel_loop3A_604 {strides = array<i32>} : memref<65536xf32, #tpu.memory_space<vmem>>, vector<16xf32>,
      %parallel_loop3A_607 = arith.constant 832 : i32
      %parallel_loop3A_608 = arith.addi %parallel_loop3A_242, %parallel_loop3A_607 : i32
      %parallel_loop3A_609 = arith.index_cast %parallel_loop3A_608 : i32 to index
      %parallel_loop3A_610 = tpu.vector_load %arg6[%parallel_loop3A_609] {strides = array<i32>} : memref<65536xf32, #tpu.memory_space<vmem>>, vector<16xf32>,
      %parallel_loop3A_611 = arith.mulf %parallel_loop3A_610, %div3A_140 : vector<16xf32>
      %parallel_loop3A_612 = arith.index_cast %parallel_loop3A_608 : i32 to index
      %parallel_loop3A_613 = tpu.vector_load %arg6[%parallel_loop3A_612] {strides = array<i32>} : memref<65536xf32, #tpu.memory_space<vmem>>, vector<16xf32>,
      tpu.vector_store %arg6[%parallel_loop3A_612], %parallel_loop3A_611 {strides = array<i32>} : memref<65536xf32, #tpu.memory_space<vmem>>, vector<16xf32>,
      %parallel_loop3A_614 = arith.constant 848 : i32
      %parallel_loop3A_615 = arith.addi %parallel_loop3A_242, %parallel_loop3A_614 : i32
      %parallel_loop3A_616 = arith.index_cast %parallel_loop3A_615 : i32 to index
      %parallel_loop3A_617 = tpu.vector_load %arg6[%parallel_loop3A_616] {strides = array<i32>} : memref<65536xf32, #tpu.memory_space<vmem>>, vector<16xf32>,
      %parallel_loop3A_618 = arith.mulf %parallel_loop3A_617, %div3A_140 : vector<16xf32>
      %parallel_loop3A_619 = arith.index_cast %parallel_loop3A_615 : i32 to index
      %parallel_loop3A_620 = tpu.vector_load %arg6[%parallel_loop3A_619] {strides = array<i32>} : memref<65536xf32, #tpu.memory_space<vmem>>, vector<16xf32>,
      tpu.vector_store %arg6[%parallel_loop3A_619], %parallel_loop3A_618 {strides = array<i32>} : memref<65536xf32, #tpu.memory_space<vmem>>, vector<16xf32>,
      %parallel_loop3A_621 = arith.constant 864 : i32
      %parallel_loop3A_622 = arith.addi %parallel_loop3A_242, %parallel_loop3A_621 : i32
      %parallel_loop3A_623 = arith.index_cast %parallel_loop3A_622 : i32 to index
      %parallel_loop3A_624 = tpu.vector_load %arg6[%parallel_loop3A_623] {strides = array<i32>} : memref<65536xf32, #tpu.memory_space<vmem>>, vector<16xf32>,
      %parallel_loop3A_625 = arith.mulf %parallel_loop3A_624, %div3A_140 : vector<16xf32>
      %parallel_loop3A_626 = arith.index_cast %parallel_loop3A_622 : i32 to index
      %parallel_loop3A_627 = tpu.vector_load %arg6[%parallel_loop3A_626] {strides = array<i32>} : memref<65536xf32, #tpu.memory_space<vmem>>, vector<16xf32>,
      tpu.vector_store %arg6[%parallel_loop3A_626], %parallel_loop3A_625 {strides = array<i32>} : memref<65536xf32, #tpu.memory_space<vmem>>, vector<16xf32>,
      %parallel_loop3A_628 = arith.constant 880 : i32
      %parallel_loop3A_629 = arith.addi %parallel_loop3A_242, %parallel_loop3A_628 : i32
      %parallel_loop3A_630 = arith.index_cast %parallel_loop3A_629 : i32 to index
      %parallel_loop3A_631 = tpu.vector_load %arg6[%parallel_loop3A_630] {strides = array<i32>} : memref<65536xf32, #tpu.memory_space<vmem>>, vector<16xf32>,
      %parallel_loop3A_632 = arith.mulf %parallel_loop3A_631, %div3A_140 : vector<16xf32>
      %parallel_loop3A_633 = arith.index_cast %parallel_loop3A_629 : i32 to index
      %parallel_loop3A_634 = tpu.vector_load %arg6[%parallel_loop3A_633] {strides = array<i32>} : memref<65536xf32, #tpu.memory_space<vmem>>, vector<16xf32>,
      tpu.vector_store %arg6[%parallel_loop3A_633], %parallel_loop3A_632 {strides = array<i32>} : memref<65536xf32, #tpu.memory_space<vmem>>, vector<16xf32>,
      %parallel_loop3A_635 = arith.constant 896 : i32
      %parallel_loop3A_636 = arith.addi %parallel_loop3A_242, %parallel_loop3A_635 : i32
      %parallel_loop3A_637 = arith.index_cast %parallel_loop3A_636 : i32 to index
      %parallel_loop3A_638 = tpu.vector_load %arg6[%parallel_loop3A_637] {strides = array<i32>} : memref<65536xf32, #tpu.memory_space<vmem>>, vector<16xf32>,
      %parallel_loop3A_639 = arith.mulf %parallel_loop3A_638, %div3A_160 : vector<16xf32>
      %parallel_loop3A_640 = arith.index_cast %parallel_loop3A_636 : i32 to index
      %parallel_loop3A_641 = tpu.vector_load %arg6[%parallel_loop3A_640] {strides = array<i32>} : memref<65536xf32, #tpu.memory_space<vmem>>, vector<16xf32>,
      tpu.vector_store %arg6[%parallel_loop3A_640], %parallel_loop3A_639 {strides = array<i32>} : memref<65536xf32, #tpu.memory_space<vmem>>, vector<16xf32>,
      %parallel_loop3A_642 = arith.constant 912 : i32
      %parallel_loop3A_643 = arith.addi %parallel_loop3A_242, %parallel_loop3A_642 : i32
      %parallel_loop3A_644 = arith.index_cast %parallel_loop3A_643 : i32 to index
      %parallel_loop3A_645 = tpu.vector_load %arg6[%parallel_loop3A_644] {strides = array<i32>} : memref<65536xf32, #tpu.memory_space<vmem>>, vector<16xf32>,
      %parallel_loop3A_646 = arith.mulf %parallel_loop3A_645, %div3A_160 : vector<16xf32>
      %parallel_loop3A_647 = arith.index_cast %parallel_loop3A_643 : i32 to index
      %parallel_loop3A_648 = tpu.vector_load %arg6[%parallel_loop3A_647] {strides = array<i32>} : memref<65536xf32, #tpu.memory_space<vmem>>, vector<16xf32>,
      tpu.vector_store %arg6[%parallel_loop3A_647], %parallel_loop3A_646 {strides = array<i32>} : memref<65536xf32, #tpu.memory_space<vmem>>, vector<16xf32>,
      %parallel_loop3A_649 = arith.constant 928 : i32
      %parallel_loop3A_650 = arith.addi %parallel_loop3A_242, %parallel_loop3A_649 : i32
      %parallel_loop3A_651 = arith.index_cast %parallel_loop3A_650 : i32 to index
      %parallel_loop3A_652 = tpu.vector_load %arg6[%parallel_loop3A_651] {strides = array<i32>} : memref<65536xf32, #tpu.memory_space<vmem>>, vector<16xf32>,
      %parallel_loop3A_653 = arith.mulf %parallel_loop3A_652, %div3A_160 : vector<16xf32>
      %parallel_loop3A_654 = arith.index_cast %parallel_loop3A_650 : i32 to index
      %parallel_loop3A_655 = tpu.vector_load %arg6[%parallel_loop3A_654] {strides = array<i32>} : memref<65536xf32, #tpu.memory_space<vmem>>, vector<16xf32>,
      tpu.vector_store %arg6[%parallel_loop3A_654], %parallel_loop3A_653 {strides = array<i32>} : memref<65536xf32, #tpu.memory_space<vmem>>, vector<16xf32>,
      %parallel_loop3A_656 = arith.constant 944 : i32
      %parallel_loop3A_657 = arith.addi %parallel_loop3A_242, %parallel_loop3A_656 : i32
      %parallel_loop3A_658 = arith.index_cast %parallel_loop3A_657 : i32 to index
      %parallel_loop3A_659 = tpu.vector_load %arg6[%parallel_loop3A_658] {strides = array<i32>} : memref<65536xf32, #tpu.memory_space<vmem>>, vector<16xf32>,
      %parallel_loop3A_660 = arith.mulf %parallel_loop3A_659, %div3A_160 : vector<16xf32>
      %parallel_loop3A_661 = arith.index_cast %parallel_loop3A_657 : i32 to index
      %parallel_loop3A_662 = tpu.vector_load %arg6[%parallel_loop3A_661] {strides = array<i32>} : memref<65536xf32, #tpu.memory_space<vmem>>, vector<16xf32>,
      tpu.vector_store %arg6[%parallel_loop3A_661], %parallel_loop3A_660 {strides = array<i32>} : memref<65536xf32, #tpu.memory_space<vmem>>, vector<16xf32>,
      %parallel_loop3A_663 = arith.constant 960 : i32
      %parallel_loop3A_664 = arith.addi %parallel_loop3A_242, %parallel_loop3A_663 : i32
      %parallel_loop3A_665 = arith.index_cast %parallel_loop3A_664 : i32 to index
      %parallel_loop3A_666 = tpu.vector_load %arg6[%parallel_loop3A_665] {strides = array<i32>} : memref<65536xf32, #tpu.memory_space<vmem>>, vector<16xf32>,
      %parallel_loop3A_667 = arith.mulf %parallel_loop3A_666, %div3A_160 : vector<16xf32>
      %parallel_loop3A_668 = arith.index_cast %parallel_loop3A_664 : i32 to index
      %parallel_loop3A_669 = tpu.vector_load %arg6[%parallel_loop3A_668] {strides = array<i32>} : memref<65536xf32, #tpu.memory_space<vmem>>, vector<16xf32>,
      tpu.vector_store %arg6[%parallel_loop3A_668], %parallel_loop3A_667 {strides = array<i32>} : memref<65536xf32, #tpu.memory_space<vmem>>, vector<16xf32>,
      %parallel_loop3A_670 = arith.constant 976 : i32
      %parallel_loop3A_671 = arith.addi %parallel_loop3A_242, %parallel_loop3A_670 : i32
      %parallel_loop3A_672 = arith.index_cast %parallel_loop3A_671 : i32 to index
      %parallel_loop3A_673 = tpu.vector_load %arg6[%parallel_loop3A_672] {strides = array<i32>} : memref<65536xf32, #tpu.memory_space<vmem>>, vector<16xf32>,
      %parallel_loop3A_674 = arith.mulf %parallel_loop3A_673, %div3A_160 : vector<16xf32>
      %parallel_loop3A_675 = arith.index_cast %parallel_loop3A_671 : i32 to index
      %parallel_loop3A_676 = tpu.vector_load %arg6[%parallel_loop3A_675] {strides = array<i32>} : memref<65536xf32, #tpu.memory_space<vmem>>, vector<16xf32>,
      tpu.vector_store %arg6[%parallel_loop3A_675], %parallel_loop3A_674 {strides = array<i32>} : memref<65536xf32, #tpu.memory_space<vmem>>, vector<16xf32>,
      %parallel_loop3A_677 = arith.constant 992 : i32
      %parallel_loop3A_678 = arith.addi %parallel_loop3A_242, %parallel_loop3A_677 : i32
      %parallel_loop3A_679 = arith.index_cast %parallel_loop3A_678 : i32 to index
      %parallel_loop3A_680 = tpu.vector_load %arg6[%parallel_loop3A_679] {strides = array<i32>} : memref<65536xf32, #tpu.memory_space<vmem>>, vector<16xf32>,
      %parallel_loop3A_681 = arith.mulf %parallel_loop3A_680, %div3A_160 : vector<16xf32>
      %parallel_loop3A_682 = arith.index_cast %parallel_loop3A_678 : i32 to index
      %parallel_loop3A_683 = tpu.vector_load %arg6[%parallel_loop3A_682] {strides = array<i32>} : memref<65536xf32, #tpu.memory_space<vmem>>, vector<16xf32>,
      tpu.vector_store %arg6[%parallel_loop3A_682], %parallel_loop3A_681 {strides = array<i32>} : memref<65536xf32, #tpu.memory_space<vmem>>, vector<16xf32>,
      %parallel_loop3A_684 = arith.constant 1008 : i32
      %parallel_loop3A_685 = arith.addi %parallel_loop3A_242, %parallel_loop3A_684 : i32
      %parallel_loop3A_686 = arith.index_cast %parallel_loop3A_685 : i32 to index
      %parallel_loop3A_687 = tpu.vector_load %arg6[%parallel_loop3A_686] {strides = array<i32>} : memref<65536xf32, #tpu.memory_space<vmem>>, vector<16xf32>,
      %parallel_loop3A_688 = arith.mulf %parallel_loop3A_687, %div3A_160 : vector<16xf32>
      %parallel_loop3A_689 = arith.index_cast %parallel_loop3A_685 : i32 to index
      %parallel_loop3A_690 = tpu.vector_load %arg6[%parallel_loop3A_689] {strides = array<i32>} : memref<65536xf32, #tpu.memory_space<vmem>>, vector<16xf32>,
      tpu.vector_store %arg6[%parallel_loop3A_689], %parallel_loop3A_688 {strides = array<i32>} : memref<65536xf32, #tpu.memory_space<vmem>>, vector<16xf32>,
    } {sc.loop_unroll_factor = 2 : i64, sc.parallel_access}
    %gt3A = arith.constant 0 : i32
    %gt3A_163 = arith.cmpi sgt, %mul3A_4, %gt3A : i32
    %convert_element_type3A = arith.extui %gt3A_163 : i1 to i32
    %cond3A = arith.constant 0 : i32
    %cond3A_164 = arith.cmpi ne, %convert_element_type3A, %cond3A : i32
    scf.if %cond3A_164 {
      %sub3A = arith.constant 1 : i32
      %sub3A_240 = arith.subi %mul3A_4, %sub3A : i32
      %shift_right_arithmetic3A_241 = arith.constant 3 : i32
      %shift_right_arithmetic3A_242 = arith.shrsi %sub3A_240, %shift_right_arithmetic3A_241 : i32
      %and3A_243 = arith.constant 7 : i32
      %and3A_244 = arith.andi %sub3A_240, %and3A_243 : i32
      %mul3A_245 = arith.constant 128 : i32
      %mul3A_246 = arith.muli %and3A_244, %mul3A_245 : i32
      %run_scoped3A = arith.constant 0 : i32
      "tpu.region"() ({
        %run_scoped3A_247 = tpu.sem_alloc : memref<!tpu.dma_semaphore, #tpu.memory_space<semaphore_mem>>
        %dma_start3A_248 = arith.constant 0 : i32
        %dma_start3A_249 = arith.constant 0 : i32
        %dma_start3A_250 = tpu.memref_slice %arg7[%run_scoped3A, %dma_start3A_248, %dma_start3A_249] : memref<3x32x128xi32, #tpu.memory_space<vmem>> -> memref<1x32x128xi32, #tpu.memory_space<vmem>>
        %dma_start3A_251 = tpu.memref_squeeze %dma_start3A_250 : memref<1x32x128xi32, #tpu.memory_space<vmem>> -> memref<32x128xi32, #tpu.memory_space<vmem>>
        %dma_start3A_252 = arith.constant 0 : i32
        %dma_start3A_253 = tpu.memref_slice %arg2[%shift_right_arithmetic3A_242, %dma_start3A_252, %mul3A_246] : memref<25x32x1024xi32, #tpu.memory_space<hbm>> -> memref<1x32x128xi32, #tpu.memory_space<hbm>>
        %dma_start3A_254 = tpu.memref_squeeze %dma_start3A_253 : memref<1x32x128xi32, #tpu.memory_space<hbm>> -> memref<32x128xi32, #tpu.memory_space<hbm>>
        %dma_start3A_255 = arith.constant 0 : i32
        %dma_start3A_256 = arith.constant 0 : i32
        %dma_start3A_257 = tpu.memref_slice %arg7[%run_scoped3A, %dma_start3A_255, %dma_start3A_256] : memref<3x32x128xi32, #tpu.memory_space<vmem>> -> memref<1x32x128xi32, #tpu.memory_space<vmem>>
        %dma_start3A_258 = tpu.memref_squeeze %dma_start3A_257 : memref<1x32x128xi32, #tpu.memory_space<vmem>> -> memref<32x128xi32, #tpu.memory_space<vmem>>
        %dma_start3A_259 = arith.constant 0 : i32
        %dma_start3A_260 = tpu.memref_slice %arg2[%shift_right_arithmetic3A_242, %dma_start3A_259, %mul3A_246] : memref<25x32x1024xi32, #tpu.memory_space<hbm>> -> memref<1x32x128xi32, #tpu.memory_space<hbm>>
        %dma_start3A_261 = tpu.memref_squeeze %dma_start3A_260 : memref<1x32x128xi32, #tpu.memory_space<hbm>> -> memref<32x128xi32, #tpu.memory_space<hbm>>
        tpu.enqueue_dma source(%dma_start3A_261 : memref<32x128xi32, #tpu.memory_space<hbm>>) target(%dma_start3A_258 : memref<32x128xi32, #tpu.memory_space<vmem>>) target_semaphore(%run_scoped3A_247 : memref<!tpu.dma_semaphore, #tpu.memory_space<semaphore_mem>>)
        %dma_wait3A_262 = arith.constant 0 : i32
        %dma_wait3A_263 = arith.constant 0 : i32
        %dma_wait3A_264 = tpu.memref_slice %arg7[%run_scoped3A, %dma_wait3A_262, %dma_wait3A_263] : memref<3x32x128xi32, #tpu.memory_space<vmem>> -> memref<1x32x128xi32, #tpu.memory_space<vmem>>
        %dma_wait3A_265 = tpu.memref_squeeze %dma_wait3A_264 : memref<1x32x128xi32, #tpu.memory_space<vmem>> -> memref<32x128xi32, #tpu.memory_space<vmem>>
        %dma_wait3A_266 = arith.constant 0 : i32
        %dma_wait3A_267 = tpu.memref_slice %arg2[%shift_right_arithmetic3A_242, %dma_wait3A_266, %mul3A_246] : memref<25x32x1024xi32, #tpu.memory_space<hbm>> -> memref<1x32x128xi32, #tpu.memory_space<hbm>>
        %dma_wait3A_268 = tpu.memref_squeeze %dma_wait3A_267 : memref<1x32x128xi32, #tpu.memory_space<hbm>> -> memref<32x128xi32, #tpu.memory_space<hbm>>
        %dma_wait3A_269 = arith.constant 0 : i32
        %dma_wait3A_270 = arith.constant 0 : i32
        %dma_wait3A_271 = tpu.memref_slice %arg7[%run_scoped3A, %dma_wait3A_269, %dma_wait3A_270] : memref<3x32x128xi32, #tpu.memory_space<vmem>> -> memref<1x32x128xi32, #tpu.memory_space<vmem>>
        %dma_wait3A_272 = tpu.memref_squeeze %dma_wait3A_271 : memref<1x32x128xi32, #tpu.memory_space<vmem>> -> memref<32x128xi32, #tpu.memory_space<vmem>>
        %dma_wait3A_273 = arith.constant 0 : i32
        %dma_wait3A_274 = tpu.memref_slice %arg2[%shift_right_arithmetic3A_242, %dma_wait3A_273, %mul3A_246] : memref<25x32x1024xi32, #tpu.memory_space<hbm>> -> memref<1x32x128xi32, #tpu.memory_space<hbm>>
        %dma_wait3A_275 = tpu.memref_squeeze %dma_wait3A_274 : memref<1x32x128xi32, #tpu.memory_space<hbm>> -> memref<32x128xi32, #tpu.memory_space<hbm>>
        tpu.wait_dma2 semaphore(%run_scoped3A_247 : memref<!tpu.dma_semaphore, #tpu.memory_space<semaphore_mem>>) src(%dma_wait3A_275 : memref<32x128xi32, #tpu.memory_space<hbm>>) dst(%dma_wait3A_272 : memref<32x128xi32, #tpu.memory_space<vmem>>)
        tpu.yield
      }) : () -> ()
    } else {
    }
    %shift_right_arithmetic3A_165 = arith.constant 3 : i32
    %shift_right_arithmetic3A_166 = arith.shrsi %mul3A_4, %shift_right_arithmetic3A_165 : i32
    %and3A_167 = arith.constant 7 : i32
    %and3A_168 = arith.andi %mul3A_4, %and3A_167 : i32
    %mul3A_169 = arith.constant 128 : i32
    %mul3A_170 = arith.muli %and3A_168, %mul3A_169 : i32
    %dma_start3A = arith.constant 1 : i32
    %dma_start3A_171 = arith.constant 0 : i32
    %dma_start3A_172 = arith.constant 0 : i32
    %dma_start3A_173 = tpu.memref_slice %arg7[%dma_start3A, %dma_start3A_171, %dma_start3A_172] : memref<3x32x128xi32, #tpu.memory_space<vmem>> -> memref<1x32x128xi32, #tpu.memory_space<vmem>>
    %dma_start3A_174 = tpu.memref_squeeze %dma_start3A_173 : memref<1x32x128xi32, #tpu.memory_space<vmem>> -> memref<32x128xi32, #tpu.memory_space<vmem>>
    %dma_start3A_175 = arith.constant 0 : i32
    %dma_start3A_176 = tpu.memref_slice %arg2[%shift_right_arithmetic3A_166, %dma_start3A_175, %mul3A_170] : memref<25x32x1024xi32, #tpu.memory_space<hbm>> -> memref<1x32x128xi32, #tpu.memory_space<hbm>>
    %dma_start3A_177 = tpu.memref_squeeze %dma_start3A_176 : memref<1x32x128xi32, #tpu.memory_space<hbm>> -> memref<32x128xi32, #tpu.memory_space<hbm>>
    %dma_start3A_178 = arith.constant 0 : i32
    %dma_start3A_179 = arith.constant 0 : i32
    %dma_start3A_180 = tpu.memref_slice %arg7[%dma_start3A, %dma_start3A_178, %dma_start3A_179] : memref<3x32x128xi32, #tpu.memory_space<vmem>> -> memref<1x32x128xi32, #tpu.memory_space<vmem>>
    %dma_start3A_181 = tpu.memref_squeeze %dma_start3A_180 : memref<1x32x128xi32, #tpu.memory_space<vmem>> -> memref<32x128xi32, #tpu.memory_space<vmem>>
    %dma_start3A_182 = arith.constant 0 : i32
    %dma_start3A_183 = tpu.memref_slice %arg2[%shift_right_arithmetic3A_166, %dma_start3A_182, %mul3A_170] : memref<25x32x1024xi32, #tpu.memory_space<hbm>> -> memref<1x32x128xi32, #tpu.memory_space<hbm>>
    %dma_start3A_184 = tpu.memref_squeeze %dma_start3A_183 : memref<1x32x128xi32, #tpu.memory_space<hbm>> -> memref<32x128xi32, #tpu.memory_space<hbm>>
    tpu.enqueue_dma source(%dma_start3A_184 : memref<32x128xi32, #tpu.memory_space<hbm>>) target(%dma_start3A_181 : memref<32x128xi32, #tpu.memory_space<vmem>>) target_semaphore(%arg11 : memref<!tpu.dma_semaphore, #tpu.memory_space<semaphore_mem>>)
    %while3A = arith.constant 0 : i32
    %while3A_185 = arith.constant 50 : i32
    %while3A_186 = arith.constant 0 : i64
    %while3A_187 = arith.subi %while3A_185, %while3A : i32
    %while3A_188 = arith.addi %while3A, %while3A_187 : i32
    %while3A_189 = arith.constant 1 : i32
    %while3A_190 = arith.divsi %while3A_187, %while3A_189 : i32
    %while3A_191 = arith.muli %while3A_190, %while3A_189 : i32
    %while3A_192 = arith.addi %while3A, %while3A_191 : i32
    %while3A_193 = arith.constant 1 : i32
    %while3A_194 = scf.for %while3A_240 = %while3A to %while3A_192 step %while3A_193 iter_args(%while3A_241 = %while3A_186) -> (i64)  : i32 {
      %add3A_242 = arith.addi %mul3A_4, %while3A_240 : i32
      %jit3A = arith.constant 3 : i32
      %eq3A = arith.constant 0 : i32
      %eq3A_243 = arith.cmpi eq, %jit3A, %eq3A : i32
      %jit3A_244 = arith.constant 1 : i32
      %select_n3A = arith.select %eq3A_243, %jit3A_244, %jit3A : i32
      %rem3A = arith.remsi %while3A_240, %select_n3A : i32
      %ne3A = arith.constant 0 : i32
      %ne3A_245 = arith.cmpi ne, %rem3A, %ne3A : i32
      %lt3A = arith.constant 0 : i32
      %lt3A_246 = arith.cmpi slt, %rem3A, %lt3A : i32
      %lt3A_247 = arith.constant 0 : i32
      %lt3A_248 = arith.cmpi slt, %select_n3A, %lt3A_247 : i32
      %ne3A_249 = arith.xori %lt3A_246, %lt3A_248 : i1
      %and3A_250 = arith.andi %ne3A_249, %ne3A_245 : i1
      %add3A_251 = arith.addi %rem3A, %select_n3A : i32
      %select_n3A_252 = arith.select %and3A_250, %add3A_251, %rem3A : i32
      %add3A_253 = arith.constant 1 : i32
      %add3A_254 = arith.addi %while3A_240, %add3A_253 : i32
      %jit3A_255 = arith.constant 3 : i32
      %eq3A_256 = arith.constant 0 : i32
      %eq3A_257 = arith.cmpi eq, %jit3A_255, %eq3A_256 : i32
      %jit3A_258 = arith.constant 1 : i32
      %select_n3A_259 = arith.select %eq3A_257, %jit3A_258, %jit3A_255 : i32
      %rem3A_260 = arith.remsi %add3A_254, %select_n3A_259 : i32
      %ne3A_261 = arith.constant 0 : i32
      %ne3A_262 = arith.cmpi ne, %rem3A_260, %ne3A_261 : i32
      %lt3A_263 = arith.constant 0 : i32
      %lt3A_264 = arith.cmpi slt, %rem3A_260, %lt3A_263 : i32
      %lt3A_265 = arith.constant 0 : i32
      %lt3A_266 = arith.cmpi slt, %select_n3A_259, %lt3A_265 : i32
      %ne3A_267 = arith.xori %lt3A_264, %lt3A_266 : i1
      %and3A_268 = arith.andi %ne3A_267, %ne3A_262 : i1
      %add3A_269 = arith.addi %rem3A_260, %select_n3A_259 : i32
      %select_n3A_270 = arith.select %and3A_268, %add3A_269, %rem3A_260 : i32
      %add3A_271 = arith.constant 2 : i32
      %add3A_272 = arith.addi %while3A_240, %add3A_271 : i32
      %jit3A_273 = arith.constant 3 : i32
      %eq3A_274 = arith.constant 0 : i32
      %eq3A_275 = arith.cmpi eq, %jit3A_273, %eq3A_274 : i32
      %jit3A_276 = arith.constant 1 : i32
      %select_n3A_277 = arith.select %eq3A_275, %jit3A_276, %jit3A_273 : i32
      %rem3A_278 = arith.remsi %add3A_272, %select_n3A_277 : i32
      %ne3A_279 = arith.constant 0 : i32
      %ne3A_280 = arith.cmpi ne, %rem3A_278, %ne3A_279 : i32
      %lt3A_281 = arith.constant 0 : i32
      %lt3A_282 = arith.cmpi slt, %rem3A_278, %lt3A_281 : i32
      %lt3A_283 = arith.constant 0 : i32
      %lt3A_284 = arith.cmpi slt, %select_n3A_277, %lt3A_283 : i32
      %ne3A_285 = arith.xori %lt3A_282, %lt3A_284 : i1
      %and3A_286 = arith.andi %ne3A_285, %ne3A_280 : i1
      %add3A_287 = arith.addi %rem3A_278, %select_n3A_277 : i32
      %select_n3A_288 = arith.select %and3A_286, %add3A_287, %rem3A_278 : i32
      %dma_wait3A_289 = arith.constant 0 : i32
      %dma_wait3A_290 = arith.constant 0 : i32
      %dma_wait3A_291 = arith.constant 0 : i32
      %dma_wait3A_292 = tpu.memref_slice %arg7[%select_n3A_270, %dma_wait3A_290, %dma_wait3A_291] : memref<3x32x128xi32, #tpu.memory_space<vmem>> -> memref<1x32x128xi32, #tpu.memory_space<vmem>>
      %dma_wait3A_293 = tpu.memref_squeeze %dma_wait3A_292 : memref<1x32x128xi32, #tpu.memory_space<vmem>> -> memref<32x128xi32, #tpu.memory_space<vmem>>
      %dma_wait3A_294 = arith.constant 0 : i32
      %dma_wait3A_295 = arith.constant 0 : i32
      %dma_wait3A_296 = tpu.memref_slice %arg2[%dma_wait3A_289, %dma_wait3A_294, %dma_wait3A_295] : memref<25x32x1024xi32, #tpu.memory_space<hbm>> -> memref<1x32x128xi32, #tpu.memory_space<hbm>>
      %dma_wait3A_297 = tpu.memref_squeeze %dma_wait3A_296 : memref<1x32x128xi32, #tpu.memory_space<hbm>> -> memref<32x128xi32, #tpu.memory_space<hbm>>
      %dma_wait3A_298 = arith.constant 0 : i32
      %dma_wait3A_299 = arith.constant 0 : i32
      %dma_wait3A_300 = tpu.memref_slice %arg7[%select_n3A_270, %dma_wait3A_298, %dma_wait3A_299] : memref<3x32x128xi32, #tpu.memory_space<vmem>> -> memref<1x32x128xi32, #tpu.memory_space<vmem>>
      %dma_wait3A_301 = tpu.memref_squeeze %dma_wait3A_300 : memref<1x32x128xi32, #tpu.memory_space<vmem>> -> memref<32x128xi32, #tpu.memory_space<vmem>>
      %dma_wait3A_302 = arith.constant 0 : i32
      %dma_wait3A_303 = arith.constant 0 : i32
      %dma_wait3A_304 = tpu.memref_slice %arg2[%dma_wait3A_289, %dma_wait3A_302, %dma_wait3A_303] : memref<25x32x1024xi32, #tpu.memory_space<hbm>> -> memref<1x32x128xi32, #tpu.memory_space<hbm>>
      %dma_wait3A_305 = tpu.memref_squeeze %dma_wait3A_304 : memref<1x32x128xi32, #tpu.memory_space<hbm>> -> memref<32x128xi32, #tpu.memory_space<hbm>>
      tpu.wait_dma2 semaphore(%arg11 : memref<!tpu.dma_semaphore, #tpu.memory_space<semaphore_mem>>) src(%dma_wait3A_305 : memref<32x128xi32, #tpu.memory_space<hbm>>) dst(%dma_wait3A_301 : memref<32x128xi32, #tpu.memory_space<vmem>>)
      %add3A_306 = arith.constant 1 : i32
      %add3A_307 = arith.addi %while3A_240, %add3A_306 : i32
      %lt3A_308 = arith.constant 50 : i32
      %lt3A_309 = arith.cmpi slt, %add3A_307, %lt3A_308 : i32
      %convert_element_type3A_310 = arith.extui %lt3A_309 : i1 to i32
      %cond3A_311 = arith.constant 0 : i32
      %cond3A_312 = arith.cmpi ne, %convert_element_type3A_310, %cond3A_311 : i32
      scf.if %cond3A_312 {
        %add3A_377 = arith.constant 1 : i32
        %add3A_378 = arith.addi %add3A_242, %add3A_377 : i32
        %shift_right_arithmetic3A_379 = arith.constant 3 : i32
        %shift_right_arithmetic3A_380 = arith.shrsi %add3A_378, %shift_right_arithmetic3A_379 : i32
        %and3A_381 = arith.constant 7 : i32
        %and3A_382 = arith.andi %add3A_378, %and3A_381 : i32
        %mul3A_383 = arith.constant 128 : i32
        %mul3A_384 = arith.muli %and3A_382, %mul3A_383 : i32
        %dma_start3A_385 = arith.constant 0 : i32
        %dma_start3A_386 = arith.constant 0 : i32
        %dma_start3A_387 = tpu.memref_slice %arg7[%select_n3A_288, %dma_start3A_385, %dma_start3A_386] : memref<3x32x128xi32, #tpu.memory_space<vmem>> -> memref<1x32x128xi32, #tpu.memory_space<vmem>>
        %dma_start3A_388 = tpu.memref_squeeze %dma_start3A_387 : memref<1x32x128xi32, #tpu.memory_space<vmem>> -> memref<32x128xi32, #tpu.memory_space<vmem>>
        %dma_start3A_389 = arith.constant 0 : i32
        %dma_start3A_390 = tpu.memref_slice %arg2[%shift_right_arithmetic3A_380, %dma_start3A_389, %mul3A_384] : memref<25x32x1024xi32, #tpu.memory_space<hbm>> -> memref<1x32x128xi32, #tpu.memory_space<hbm>>
        %dma_start3A_391 = tpu.memref_squeeze %dma_start3A_390 : memref<1x32x128xi32, #tpu.memory_space<hbm>> -> memref<32x128xi32, #tpu.memory_space<hbm>>
        %dma_start3A_392 = arith.constant 0 : i32
        %dma_start3A_393 = arith.constant 0 : i32
        %dma_start3A_394 = tpu.memref_slice %arg7[%select_n3A_288, %dma_start3A_392, %dma_start3A_393] : memref<3x32x128xi32, #tpu.memory_space<vmem>> -> memref<1x32x128xi32, #tpu.memory_space<vmem>>
        %dma_start3A_395 = tpu.memref_squeeze %dma_start3A_394 : memref<1x32x128xi32, #tpu.memory_space<vmem>> -> memref<32x128xi32, #tpu.memory_space<vmem>>
        %dma_start3A_396 = arith.constant 0 : i32
        %dma_start3A_397 = tpu.memref_slice %arg2[%shift_right_arithmetic3A_380, %dma_start3A_396, %mul3A_384] : memref<25x32x1024xi32, #tpu.memory_space<hbm>> -> memref<1x32x128xi32, #tpu.memory_space<hbm>>
        %dma_start3A_398 = tpu.memref_squeeze %dma_start3A_397 : memref<1x32x128xi32, #tpu.memory_space<hbm>> -> memref<32x128xi32, #tpu.memory_space<hbm>>
        tpu.enqueue_dma source(%dma_start3A_398 : memref<32x128xi32, #tpu.memory_space<hbm>>) target(%dma_start3A_395 : memref<32x128xi32, #tpu.memory_space<vmem>>) target_semaphore(%arg11 : memref<!tpu.dma_semaphore, #tpu.memory_space<semaphore_mem>>)
      } else {
      }
      %gt3A_313 = arith.constant 0 : i32
      %gt3A_314 = arith.cmpi sgt, %add3A_242, %gt3A_313 : i32
      %jit3A_315 = arith.constant 1315423911 : i32
      %jit3A_316 = arith.constant 0 : i32
      %select_n3A_317 = arith.select %gt3A_314, %jit3A_315, %jit3A_316 : i32
      %mul3A_318 = arith.constant 0 : i32
      %mul3A_319 = vector.broadcast %mul3A_318 : i32 to vector<16xi32>
      %mul3A_320 = arith.muli %mul3A_319, %iota3A : vector<16xi32>
      %add3A_321 = vector.broadcast %select_n3A_317 : i32 to vector<16xi32>
      %add3A_322 = arith.addi %add3A_321, %mul3A_320 : vector<16xi32>
      %ge3A = arith.constant 1 : i32
      %ge3A_323 = arith.cmpi sge, %while3A_240, %ge3A : i32
      %convert_element_type3A_324 = arith.extui %ge3A_323 : i1 to i32
      %cond3A_325 = arith.constant 0 : i32
      %cond3A_326 = arith.cmpi ne, %convert_element_type3A_324, %cond3A_325 : i32
      scf.if %cond3A_326 {
        %dma_wait3A_377 = arith.constant 0 : i32
        %dma_wait3A_378 = arith.constant 0 : i32
        %dma_wait3A_379 = arith.constant 0 : i32
        %dma_wait3A_380 = arith.constant 0 : i32
        %dma_wait3A_381 = arith.constant 0 : i32
        %dma_wait3A_382 = arith.constant 0 : i32
        %dma_wait3A_383 = tpu.memref_slice %arg8[%dma_wait3A_377, %dma_wait3A_381, %dma_wait3A_382] : memref<2x16x1024xf32, #tpu.memory_space<vmem>> -> memref<1x16x1024xf32, #tpu.memory_space<vmem>>
        %dma_wait3A_384 = tpu.memref_squeeze %dma_wait3A_383 : memref<1x16x1024xf32, #tpu.memory_space<vmem>> -> memref<16x1024xf32, #tpu.memory_space<vmem>>
        %dma_wait3A_385 = arith.constant 0 : i32
        %dma_wait3A_386 = arith.constant 0 : i32
        %dma_wait3A_387 = tpu.memref_slice %arg5[%dma_wait3A_378, %dma_wait3A_379, %dma_wait3A_385, %dma_wait3A_386] : memref<200x8x32x1024xf32, #tpu.memory_space<hbm>> -> memref<1x1x16x1024xf32, #tpu.memory_space<hbm>>
        %dma_wait3A_388 = tpu.memref_squeeze %dma_wait3A_387 : memref<1x1x16x1024xf32, #tpu.memory_space<hbm>> -> memref<16x1024xf32, #tpu.memory_space<hbm>>
        %dma_wait3A_389 = tpu.memref_slice %arg10[%dma_wait3A_380] : memref<2x!tpu.dma_semaphore, #tpu.memory_space<semaphore_mem>> -> memref<1x!tpu.dma_semaphore, #tpu.memory_space<semaphore_mem>>
        %dma_wait3A_390 = tpu.memref_squeeze %dma_wait3A_389 : memref<1x!tpu.dma_semaphore, #tpu.memory_space<semaphore_mem>> -> memref<!tpu.dma_semaphore, #tpu.memory_space<semaphore_mem>>
        %dma_wait3A_391 = arith.constant 0 : i32
        %dma_wait3A_392 = arith.constant 0 : i32
        %dma_wait3A_393 = tpu.memref_slice %arg5[%dma_wait3A_378, %dma_wait3A_379, %dma_wait3A_391, %dma_wait3A_392] : memref<200x8x32x1024xf32, #tpu.memory_space<hbm>> -> memref<1x1x16x1024xf32, #tpu.memory_space<hbm>>
        %dma_wait3A_394 = tpu.memref_squeeze %dma_wait3A_393 : memref<1x1x16x1024xf32, #tpu.memory_space<hbm>> -> memref<16x1024xf32, #tpu.memory_space<hbm>>
        %dma_wait3A_395 = arith.constant 0 : i32
        %dma_wait3A_396 = arith.constant 0 : i32
        %dma_wait3A_397 = tpu.memref_slice %arg8[%dma_wait3A_377, %dma_wait3A_395, %dma_wait3A_396] : memref<2x16x1024xf32, #tpu.memory_space<vmem>> -> memref<1x16x1024xf32, #tpu.memory_space<vmem>>
        %dma_wait3A_398 = tpu.memref_squeeze %dma_wait3A_397 : memref<1x16x1024xf32, #tpu.memory_space<vmem>> -> memref<16x1024xf32, #tpu.memory_space<vmem>>
        tpu.wait_dma2 semaphore(%dma_wait3A_390 : memref<!tpu.dma_semaphore, #tpu.memory_space<semaphore_mem>>) src(%dma_wait3A_398 : memref<16x1024xf32, #tpu.memory_space<vmem>>) dst(%dma_wait3A_394 : memref<16x1024xf32, #tpu.memory_space<hbm>>)
      } else {
      }
      %parallel_loop3A_327 = arith.constant 0 : i32
      %parallel_loop3A_328 = arith.constant 128 : i32
      %parallel_loop3A_329 = arith.constant 1 : i32
      scf.for %parallel_loop3A_377 = %parallel_loop3A_327 to %parallel_loop3A_328 step %parallel_loop3A_329  : i32 {
        %parallel_loop3A_378 = arith.constant 3 : i32
        %parallel_loop3A_379 = arith.shrsi %parallel_loop3A_377, %parallel_loop3A_378 : i32
        %parallel_loop3A_380 = arith.constant 0 : i32
        %parallel_loop3A_381 = arith.addi %parallel_loop3A_380, %parallel_loop3A_379 : i32
        %parallel_loop3A_382 = arith.constant 7 : i32
        %parallel_loop3A_383 = arith.andi %parallel_loop3A_377, %parallel_loop3A_382 : i32
        %parallel_loop3A_384 = arith.constant 16 : i32
        %parallel_loop3A_385 = arith.muli %parallel_loop3A_383, %parallel_loop3A_384 : i32
        %parallel_loop3A_386 = arith.index_cast %select_n3A_270 : i32 to index
        %parallel_loop3A_387 = arith.index_cast %parallel_loop3A_381 : i32 to index
        %parallel_loop3A_388 = arith.index_cast %parallel_loop3A_385 : i32 to index
        %parallel_loop3A_389 = tpu.vector_load %arg7[%parallel_loop3A_386, %parallel_loop3A_387, %parallel_loop3A_388] {strides = array<i32>} : memref<3x32x128xi32, #tpu.memory_space<vmem>>, vector<16xi32>,
        %parallel_loop3A_390 = arith.index_cast %select_n3A_252 : i32 to index
        %parallel_loop3A_391 = arith.index_cast %parallel_loop3A_381 : i32 to index
        %parallel_loop3A_392 = arith.index_cast %parallel_loop3A_385 : i32 to index
        %parallel_loop3A_393 = tpu.vector_load %arg7[%parallel_loop3A_390, %parallel_loop3A_391, %parallel_loop3A_392] {strides = array<i32>} : memref<3x32x128xi32, #tpu.memory_space<vmem>>, vector<16xi32>,
        %parallel_loop3A_394 = arith.muli %parallel_loop3A_393, %add3A_322 : vector<16xi32>
        %parallel_loop3A_395 = arith.addi %parallel_loop3A_394, %parallel_loop3A_389 : vector<16xi32>
        %parallel_loop3A_396 = arith.constant 8191 : i32
        %parallel_loop3A_397 = vector.broadcast %parallel_loop3A_396 : i32 to vector<16xi32>
        %parallel_loop3A_398 = arith.andi %parallel_loop3A_395, %parallel_loop3A_397 : vector<16xi32>
        %parallel_loop3A_399 = arith.constant 7 : i32
        %parallel_loop3A_400 = vector.broadcast %parallel_loop3A_399 : i32 to vector<16xi32>
        %parallel_loop3A_401 = arith.shrsi %parallel_loop3A_398, %parallel_loop3A_400 : vector<16xi32>
        %parallel_loop3A_402 = arith.constant 10 : i32
        %parallel_loop3A_403 = vector.broadcast %parallel_loop3A_402 : i32 to vector<16xi32>
        %parallel_loop3A_404 = arith.shli %parallel_loop3A_401, %parallel_loop3A_403 : vector<16xi32>
        %parallel_loop3A_405 = arith.constant 127 : i32
        %parallel_loop3A_406 = vector.broadcast %parallel_loop3A_405 : i32 to vector<16xi32>
        %parallel_loop3A_407 = arith.andi %parallel_loop3A_398, %parallel_loop3A_406 : vector<16xi32>
        %parallel_loop3A_408 = arith.ori %parallel_loop3A_404, %parallel_loop3A_407 : vector<16xi32>
        %parallel_loop3A_409 = arith.constant 0 : i32
        %parallel_loop3A_410 = vector.broadcast %parallel_loop3A_409 : i32 to vector<16xi32>
        %parallel_loop3A_411 = arith.addi %parallel_loop3A_408, %parallel_loop3A_410 : vector<16xi32>
        %parallel_loop3A_412 = tpu.vector_load_idx %arg6[%parallel_loop3A_411] : memref<65536xf32, #tpu.memory_space<vmem>>[vector<16xi32>], vector<16xf32>,
        %parallel_loop3A_413 = arith.constant 0 : i32
        %parallel_loop3A_414 = arith.addi %parallel_loop3A_413, %parallel_loop3A_385 : i32
        %parallel_loop3A_415 = arith.constant 0 : i32
        %parallel_loop3A_416 = arith.index_cast %parallel_loop3A_415 : i32 to index
        %parallel_loop3A_417 = arith.index_cast %parallel_loop3A_379 : i32 to index
        %parallel_loop3A_418 = arith.index_cast %parallel_loop3A_414 : i32 to index
        %parallel_loop3A_419 = tpu.vector_load %arg8[%parallel_loop3A_416, %parallel_loop3A_417, %parallel_loop3A_418] {strides = array<i32>} : memref<2x16x1024xf32, #tpu.memory_space<vmem>>, vector<16xf32>,
        tpu.vector_store %arg8[%parallel_loop3A_416, %parallel_loop3A_417, %parallel_loop3A_418], %parallel_loop3A_412 {strides = array<i32>} : memref<2x16x1024xf32, #tpu.memory_space<vmem>>, vector<16xf32>,
        %parallel_loop3A_420 = arith.constant 128 : i32
        %parallel_loop3A_421 = vector.broadcast %parallel_loop3A_420 : i32 to vector<16xi32>
        %parallel_loop3A_422 = arith.addi %parallel_loop3A_408, %parallel_loop3A_421 : vector<16xi32>
        %parallel_loop3A_423 = tpu.vector_load_idx %arg6[%parallel_loop3A_422] : memref<65536xf32, #tpu.memory_space<vmem>>[vector<16xi32>], vector<16xf32>,
        %parallel_loop3A_424 = arith.constant 128 : i32
        %parallel_loop3A_425 = arith.addi %parallel_loop3A_424, %parallel_loop3A_385 : i32
        %parallel_loop3A_426 = arith.constant 0 : i32
        %parallel_loop3A_427 = arith.index_cast %parallel_loop3A_426 : i32 to index
        %parallel_loop3A_428 = arith.index_cast %parallel_loop3A_379 : i32 to index
        %parallel_loop3A_429 = arith.index_cast %parallel_loop3A_425 : i32 to index
        %parallel_loop3A_430 = tpu.vector_load %arg8[%parallel_loop3A_427, %parallel_loop3A_428, %parallel_loop3A_429] {strides = array<i32>} : memref<2x16x1024xf32, #tpu.memory_space<vmem>>, vector<16xf32>,
        tpu.vector_store %arg8[%parallel_loop3A_427, %parallel_loop3A_428, %parallel_loop3A_429], %parallel_loop3A_423 {strides = array<i32>} : memref<2x16x1024xf32, #tpu.memory_space<vmem>>, vector<16xf32>,
        %parallel_loop3A_431 = arith.constant 256 : i32
        %parallel_loop3A_432 = vector.broadcast %parallel_loop3A_431 : i32 to vector<16xi32>
        %parallel_loop3A_433 = arith.addi %parallel_loop3A_408, %parallel_loop3A_432 : vector<16xi32>
        %parallel_loop3A_434 = tpu.vector_load_idx %arg6[%parallel_loop3A_433] : memref<65536xf32, #tpu.memory_space<vmem>>[vector<16xi32>], vector<16xf32>,
        %parallel_loop3A_435 = arith.constant 256 : i32
        %parallel_loop3A_436 = arith.addi %parallel_loop3A_435, %parallel_loop3A_385 : i32
        %parallel_loop3A_437 = arith.constant 0 : i32
        %parallel_loop3A_438 = arith.index_cast %parallel_loop3A_437 : i32 to index
        %parallel_loop3A_439 = arith.index_cast %parallel_loop3A_379 : i32 to index
        %parallel_loop3A_440 = arith.index_cast %parallel_loop3A_436 : i32 to index
        %parallel_loop3A_441 = tpu.vector_load %arg8[%parallel_loop3A_438, %parallel_loop3A_439, %parallel_loop3A_440] {strides = array<i32>} : memref<2x16x1024xf32, #tpu.memory_space<vmem>>, vector<16xf32>,
        tpu.vector_store %arg8[%parallel_loop3A_438, %parallel_loop3A_439, %parallel_loop3A_440], %parallel_loop3A_434 {strides = array<i32>} : memref<2x16x1024xf32, #tpu.memory_space<vmem>>, vector<16xf32>,
        %parallel_loop3A_442 = arith.constant 384 : i32
        %parallel_loop3A_443 = vector.broadcast %parallel_loop3A_442 : i32 to vector<16xi32>
        %parallel_loop3A_444 = arith.addi %parallel_loop3A_408, %parallel_loop3A_443 : vector<16xi32>
        %parallel_loop3A_445 = tpu.vector_load_idx %arg6[%parallel_loop3A_444] : memref<65536xf32, #tpu.memory_space<vmem>>[vector<16xi32>], vector<16xf32>,
        %parallel_loop3A_446 = arith.constant 384 : i32
        %parallel_loop3A_447 = arith.addi %parallel_loop3A_446, %parallel_loop3A_385 : i32
        %parallel_loop3A_448 = arith.constant 0 : i32
        %parallel_loop3A_449 = arith.index_cast %parallel_loop3A_448 : i32 to index
        %parallel_loop3A_450 = arith.index_cast %parallel_loop3A_379 : i32 to index
        %parallel_loop3A_451 = arith.index_cast %parallel_loop3A_447 : i32 to index
        %parallel_loop3A_452 = tpu.vector_load %arg8[%parallel_loop3A_449, %parallel_loop3A_450, %parallel_loop3A_451] {strides = array<i32>} : memref<2x16x1024xf32, #tpu.memory_space<vmem>>, vector<16xf32>,
        tpu.vector_store %arg8[%parallel_loop3A_449, %parallel_loop3A_450, %parallel_loop3A_451], %parallel_loop3A_445 {strides = array<i32>} : memref<2x16x1024xf32, #tpu.memory_space<vmem>>, vector<16xf32>,
        %parallel_loop3A_453 = arith.constant 512 : i32
        %parallel_loop3A_454 = vector.broadcast %parallel_loop3A_453 : i32 to vector<16xi32>
        %parallel_loop3A_455 = arith.addi %parallel_loop3A_408, %parallel_loop3A_454 : vector<16xi32>
        %parallel_loop3A_456 = tpu.vector_load_idx %arg6[%parallel_loop3A_455] : memref<65536xf32, #tpu.memory_space<vmem>>[vector<16xi32>], vector<16xf32>,
        %parallel_loop3A_457 = arith.constant 512 : i32
        %parallel_loop3A_458 = arith.addi %parallel_loop3A_457, %parallel_loop3A_385 : i32
        %parallel_loop3A_459 = arith.constant 0 : i32
        %parallel_loop3A_460 = arith.index_cast %parallel_loop3A_459 : i32 to index
        %parallel_loop3A_461 = arith.index_cast %parallel_loop3A_379 : i32 to index
        %parallel_loop3A_462 = arith.index_cast %parallel_loop3A_458 : i32 to index
        %parallel_loop3A_463 = tpu.vector_load %arg8[%parallel_loop3A_460, %parallel_loop3A_461, %parallel_loop3A_462] {strides = array<i32>} : memref<2x16x1024xf32, #tpu.memory_space<vmem>>, vector<16xf32>,
        tpu.vector_store %arg8[%parallel_loop3A_460, %parallel_loop3A_461, %parallel_loop3A_462], %parallel_loop3A_456 {strides = array<i32>} : memref<2x16x1024xf32, #tpu.memory_space<vmem>>, vector<16xf32>,
        %parallel_loop3A_464 = arith.constant 640 : i32
        %parallel_loop3A_465 = vector.broadcast %parallel_loop3A_464 : i32 to vector<16xi32>
        %parallel_loop3A_466 = arith.addi %parallel_loop3A_408, %parallel_loop3A_465 : vector<16xi32>
        %parallel_loop3A_467 = tpu.vector_load_idx %arg6[%parallel_loop3A_466] : memref<65536xf32, #tpu.memory_space<vmem>>[vector<16xi32>], vector<16xf32>,
        %parallel_loop3A_468 = arith.constant 640 : i32
        %parallel_loop3A_469 = arith.addi %parallel_loop3A_468, %parallel_loop3A_385 : i32
        %parallel_loop3A_470 = arith.constant 0 : i32
        %parallel_loop3A_471 = arith.index_cast %parallel_loop3A_470 : i32 to index
        %parallel_loop3A_472 = arith.index_cast %parallel_loop3A_379 : i32 to index
        %parallel_loop3A_473 = arith.index_cast %parallel_loop3A_469 : i32 to index
        %parallel_loop3A_474 = tpu.vector_load %arg8[%parallel_loop3A_471, %parallel_loop3A_472, %parallel_loop3A_473] {strides = array<i32>} : memref<2x16x1024xf32, #tpu.memory_space<vmem>>, vector<16xf32>,
        tpu.vector_store %arg8[%parallel_loop3A_471, %parallel_loop3A_472, %parallel_loop3A_473], %parallel_loop3A_467 {strides = array<i32>} : memref<2x16x1024xf32, #tpu.memory_space<vmem>>, vector<16xf32>,
        %parallel_loop3A_475 = arith.constant 768 : i32
        %parallel_loop3A_476 = vector.broadcast %parallel_loop3A_475 : i32 to vector<16xi32>
        %parallel_loop3A_477 = arith.addi %parallel_loop3A_408, %parallel_loop3A_476 : vector<16xi32>
        %parallel_loop3A_478 = tpu.vector_load_idx %arg6[%parallel_loop3A_477] : memref<65536xf32, #tpu.memory_space<vmem>>[vector<16xi32>], vector<16xf32>,
        %parallel_loop3A_479 = arith.constant 768 : i32
        %parallel_loop3A_480 = arith.addi %parallel_loop3A_479, %parallel_loop3A_385 : i32
        %parallel_loop3A_481 = arith.constant 0 : i32
        %parallel_loop3A_482 = arith.index_cast %parallel_loop3A_481 : i32 to index
        %parallel_loop3A_483 = arith.index_cast %parallel_loop3A_379 : i32 to index
        %parallel_loop3A_484 = arith.index_cast %parallel_loop3A_480 : i32 to index
        %parallel_loop3A_485 = tpu.vector_load %arg8[%parallel_loop3A_482, %parallel_loop3A_483, %parallel_loop3A_484] {strides = array<i32>} : memref<2x16x1024xf32, #tpu.memory_space<vmem>>, vector<16xf32>,
        tpu.vector_store %arg8[%parallel_loop3A_482, %parallel_loop3A_483, %parallel_loop3A_484], %parallel_loop3A_478 {strides = array<i32>} : memref<2x16x1024xf32, #tpu.memory_space<vmem>>, vector<16xf32>,
        %parallel_loop3A_486 = arith.constant 896 : i32
        %parallel_loop3A_487 = vector.broadcast %parallel_loop3A_486 : i32 to vector<16xi32>
        %parallel_loop3A_488 = arith.addi %parallel_loop3A_408, %parallel_loop3A_487 : vector<16xi32>
        %parallel_loop3A_489 = tpu.vector_load_idx %arg6[%parallel_loop3A_488] : memref<65536xf32, #tpu.memory_space<vmem>>[vector<16xi32>], vector<16xf32>,
        %parallel_loop3A_490 = arith.constant 896 : i32
        %parallel_loop3A_491 = arith.addi %parallel_loop3A_490, %parallel_loop3A_385 : i32
        %parallel_loop3A_492 = arith.constant 0 : i32
        %parallel_loop3A_493 = arith.index_cast %parallel_loop3A_492 : i32 to index
        %parallel_loop3A_494 = arith.index_cast %parallel_loop3A_379 : i32 to index
        %parallel_loop3A_495 = arith.index_cast %parallel_loop3A_491 : i32 to index
        %parallel_loop3A_496 = tpu.vector_load %arg8[%parallel_loop3A_493, %parallel_loop3A_494, %parallel_loop3A_495] {strides = array<i32>} : memref<2x16x1024xf32, #tpu.memory_space<vmem>>, vector<16xf32>,
        tpu.vector_store %arg8[%parallel_loop3A_493, %parallel_loop3A_494, %parallel_loop3A_495], %parallel_loop3A_489 {strides = array<i32>} : memref<2x16x1024xf32, #tpu.memory_space<vmem>>, vector<16xf32>,
      } {sc.loop_unroll_factor = 8 : i64, sc.parallel_access}
      %dma_start3A_330 = arith.constant 0 : i32
      %dma_start3A_331 = arith.constant 0 : i32
      %dma_start3A_332 = arith.constant 0 : i32
      %dma_start3A_333 = arith.constant 0 : i32
      %dma_start3A_334 = arith.constant 0 : i32
      %dma_start3A_335 = tpu.memref_slice %arg8[%dma_start3A_330, %dma_start3A_333, %dma_start3A_334] : memref<2x16x1024xf32, #tpu.memory_space<vmem>> -> memref<1x16x1024xf32, #tpu.memory_space<vmem>>
      %dma_start3A_336 = tpu.memref_squeeze %dma_start3A_335 : memref<1x16x1024xf32, #tpu.memory_space<vmem>> -> memref<16x1024xf32, #tpu.memory_space<vmem>>
      %dma_start3A_337 = arith.constant 0 : i32
      %dma_start3A_338 = tpu.memref_slice %arg5[%add3A_242, %shift_right_arithmetic3A_1, %dma_start3A_331, %dma_start3A_337] : memref<200x8x32x1024xf32, #tpu.memory_space<hbm>> -> memref<1x1x16x1024xf32, #tpu.memory_space<hbm>>
      %dma_start3A_339 = tpu.memref_squeeze %dma_start3A_338 : memref<1x1x16x1024xf32, #tpu.memory_space<hbm>> -> memref<16x1024xf32, #tpu.memory_space<hbm>>
      %dma_start3A_340 = tpu.memref_slice %arg10[%dma_start3A_332] : memref<2x!tpu.dma_semaphore, #tpu.memory_space<semaphore_mem>> -> memref<1x!tpu.dma_semaphore, #tpu.memory_space<semaphore_mem>>
      %dma_start3A_341 = tpu.memref_squeeze %dma_start3A_340 : memref<1x!tpu.dma_semaphore, #tpu.memory_space<semaphore_mem>> -> memref<!tpu.dma_semaphore, #tpu.memory_space<semaphore_mem>>
      %dma_start3A_342 = arith.constant 0 : i32
      %dma_start3A_343 = tpu.memref_slice %arg5[%add3A_242, %shift_right_arithmetic3A_1, %dma_start3A_331, %dma_start3A_342] : memref<200x8x32x1024xf32, #tpu.memory_space<hbm>> -> memref<1x1x16x1024xf32, #tpu.memory_space<hbm>>
      %dma_start3A_344 = tpu.memref_squeeze %dma_start3A_343 : memref<1x1x16x1024xf32, #tpu.memory_space<hbm>> -> memref<16x1024xf32, #tpu.memory_space<hbm>>
      %dma_start3A_345 = arith.constant 0 : i32
      %dma_start3A_346 = arith.constant 0 : i32
      %dma_start3A_347 = tpu.memref_slice %arg8[%dma_start3A_330, %dma_start3A_345, %dma_start3A_346] : memref<2x16x1024xf32, #tpu.memory_space<vmem>> -> memref<1x16x1024xf32, #tpu.memory_space<vmem>>
      %dma_start3A_348 = tpu.memref_squeeze %dma_start3A_347 : memref<1x16x1024xf32, #tpu.memory_space<vmem>> -> memref<16x1024xf32, #tpu.memory_space<vmem>>
      tpu.enqueue_dma source(%dma_start3A_348 : memref<16x1024xf32, #tpu.memory_space<vmem>>) target(%dma_start3A_344 : memref<16x1024xf32, #tpu.memory_space<hbm>>) target_semaphore(%dma_start3A_341 : memref<!tpu.dma_semaphore, #tpu.memory_space<semaphore_mem>>)
      %ge3A_349 = arith.constant 1 : i32
      %ge3A_350 = arith.cmpi sge, %while3A_240, %ge3A_349 : i32
      %convert_element_type3A_351 = arith.extui %ge3A_350 : i1 to i32
      %cond3A_352 = arith.constant 0 : i32
      %cond3A_353 = arith.cmpi ne, %convert_element_type3A_351, %cond3A_352 : i32
      scf.if %cond3A_353 {
        %dma_wait3A_377 = arith.constant 1 : i32
        %dma_wait3A_378 = arith.constant 0 : i32
        %dma_wait3A_379 = arith.constant 0 : i32
        %dma_wait3A_380 = arith.constant 1 : i32
        %dma_wait3A_381 = arith.constant 0 : i32
        %dma_wait3A_382 = arith.constant 0 : i32
        %dma_wait3A_383 = tpu.memref_slice %arg8[%dma_wait3A_377, %dma_wait3A_381, %dma_wait3A_382] : memref<2x16x1024xf32, #tpu.memory_space<vmem>> -> memref<1x16x1024xf32, #tpu.memory_space<vmem>>
        %dma_wait3A_384 = tpu.memref_squeeze %dma_wait3A_383 : memref<1x16x1024xf32, #tpu.memory_space<vmem>> -> memref<16x1024xf32, #tpu.memory_space<vmem>>
        %dma_wait3A_385 = arith.constant 0 : i32
        %dma_wait3A_386 = arith.constant 0 : i32
        %dma_wait3A_387 = tpu.memref_slice %arg5[%dma_wait3A_378, %dma_wait3A_379, %dma_wait3A_385, %dma_wait3A_386] : memref<200x8x32x1024xf32, #tpu.memory_space<hbm>> -> memref<1x1x16x1024xf32, #tpu.memory_space<hbm>>
        %dma_wait3A_388 = tpu.memref_squeeze %dma_wait3A_387 : memref<1x1x16x1024xf32, #tpu.memory_space<hbm>> -> memref<16x1024xf32, #tpu.memory_space<hbm>>
        %dma_wait3A_389 = tpu.memref_slice %arg10[%dma_wait3A_380] : memref<2x!tpu.dma_semaphore, #tpu.memory_space<semaphore_mem>> -> memref<1x!tpu.dma_semaphore, #tpu.memory_space<semaphore_mem>>
        %dma_wait3A_390 = tpu.memref_squeeze %dma_wait3A_389 : memref<1x!tpu.dma_semaphore, #tpu.memory_space<semaphore_mem>> -> memref<!tpu.dma_semaphore, #tpu.memory_space<semaphore_mem>>
        %dma_wait3A_391 = arith.constant 0 : i32
        %dma_wait3A_392 = arith.constant 0 : i32
        %dma_wait3A_393 = tpu.memref_slice %arg5[%dma_wait3A_378, %dma_wait3A_379, %dma_wait3A_391, %dma_wait3A_392] : memref<200x8x32x1024xf32, #tpu.memory_space<hbm>> -> memref<1x1x16x1024xf32, #tpu.memory_space<hbm>>
        %dma_wait3A_394 = tpu.memref_squeeze %dma_wait3A_393 : memref<1x1x16x1024xf32, #tpu.memory_space<hbm>> -> memref<16x1024xf32, #tpu.memory_space<hbm>>
        %dma_wait3A_395 = arith.constant 0 : i32
        %dma_wait3A_396 = arith.constant 0 : i32
        %dma_wait3A_397 = tpu.memref_slice %arg8[%dma_wait3A_377, %dma_wait3A_395, %dma_wait3A_396] : memref<2x16x1024xf32, #tpu.memory_space<vmem>> -> memref<1x16x1024xf32, #tpu.memory_space<vmem>>
        %dma_wait3A_398 = tpu.memref_squeeze %dma_wait3A_397 : memref<1x16x1024xf32, #tpu.memory_space<vmem>> -> memref<16x1024xf32, #tpu.memory_space<vmem>>
        tpu.wait_dma2 semaphore(%dma_wait3A_390 : memref<!tpu.dma_semaphore, #tpu.memory_space<semaphore_mem>>) src(%dma_wait3A_398 : memref<16x1024xf32, #tpu.memory_space<vmem>>) dst(%dma_wait3A_394 : memref<16x1024xf32, #tpu.memory_space<hbm>>)
      } else {
      }
      %parallel_loop3A_354 = arith.constant 0 : i32
      %parallel_loop3A_355 = arith.constant 128 : i32
      %parallel_loop3A_356 = arith.constant 1 : i32
      scf.for %parallel_loop3A_377 = %parallel_loop3A_354 to %parallel_loop3A_355 step %parallel_loop3A_356  : i32 {
        %parallel_loop3A_378 = arith.constant 3 : i32
        %parallel_loop3A_379 = arith.shrsi %parallel_loop3A_377, %parallel_loop3A_378 : i32
        %parallel_loop3A_380 = arith.constant 16 : i32
        %parallel_loop3A_381 = arith.addi %parallel_loop3A_380, %parallel_loop3A_379 : i32
        %parallel_loop3A_382 = arith.constant 7 : i32
        %parallel_loop3A_383 = arith.andi %parallel_loop3A_377, %parallel_loop3A_382 : i32
        %parallel_loop3A_384 = arith.constant 16 : i32
        %parallel_loop3A_385 = arith.muli %parallel_loop3A_383, %parallel_loop3A_384 : i32
        %parallel_loop3A_386 = arith.index_cast %select_n3A_270 : i32 to index
        %parallel_loop3A_387 = arith.index_cast %parallel_loop3A_381 : i32 to index
        %parallel_loop3A_388 = arith.index_cast %parallel_loop3A_385 : i32 to index
        %parallel_loop3A_389 = tpu.vector_load %arg7[%parallel_loop3A_386, %parallel_loop3A_387, %parallel_loop3A_388] {strides = array<i32>} : memref<3x32x128xi32, #tpu.memory_space<vmem>>, vector<16xi32>,
        %parallel_loop3A_390 = arith.index_cast %select_n3A_252 : i32 to index
        %parallel_loop3A_391 = arith.index_cast %parallel_loop3A_381 : i32 to index
        %parallel_loop3A_392 = arith.index_cast %parallel_loop3A_385 : i32 to index
        %parallel_loop3A_393 = tpu.vector_load %arg7[%parallel_loop3A_390, %parallel_loop3A_391, %parallel_loop3A_392] {strides = array<i32>} : memref<3x32x128xi32, #tpu.memory_space<vmem>>, vector<16xi32>,
        %parallel_loop3A_394 = arith.muli %parallel_loop3A_393, %add3A_322 : vector<16xi32>
        %parallel_loop3A_395 = arith.addi %parallel_loop3A_394, %parallel_loop3A_389 : vector<16xi32>
        %parallel_loop3A_396 = arith.constant 8191 : i32
        %parallel_loop3A_397 = vector.broadcast %parallel_loop3A_396 : i32 to vector<16xi32>
        %parallel_loop3A_398 = arith.andi %parallel_loop3A_395, %parallel_loop3A_397 : vector<16xi32>
        %parallel_loop3A_399 = arith.constant 7 : i32
        %parallel_loop3A_400 = vector.broadcast %parallel_loop3A_399 : i32 to vector<16xi32>
        %parallel_loop3A_401 = arith.shrsi %parallel_loop3A_398, %parallel_loop3A_400 : vector<16xi32>
        %parallel_loop3A_402 = arith.constant 10 : i32
        %parallel_loop3A_403 = vector.broadcast %parallel_loop3A_402 : i32 to vector<16xi32>
        %parallel_loop3A_404 = arith.shli %parallel_loop3A_401, %parallel_loop3A_403 : vector<16xi32>
        %parallel_loop3A_405 = arith.constant 127 : i32
        %parallel_loop3A_406 = vector.broadcast %parallel_loop3A_405 : i32 to vector<16xi32>
        %parallel_loop3A_407 = arith.andi %parallel_loop3A_398, %parallel_loop3A_406 : vector<16xi32>
        %parallel_loop3A_408 = arith.ori %parallel_loop3A_404, %parallel_loop3A_407 : vector<16xi32>
        %parallel_loop3A_409 = arith.constant 0 : i32
        %parallel_loop3A_410 = vector.broadcast %parallel_loop3A_409 : i32 to vector<16xi32>
        %parallel_loop3A_411 = arith.addi %parallel_loop3A_408, %parallel_loop3A_410 : vector<16xi32>
        %parallel_loop3A_412 = tpu.vector_load_idx %arg6[%parallel_loop3A_411] : memref<65536xf32, #tpu.memory_space<vmem>>[vector<16xi32>], vector<16xf32>,
        %parallel_loop3A_413 = arith.constant 0 : i32
        %parallel_loop3A_414 = arith.addi %parallel_loop3A_413, %parallel_loop3A_385 : i32
        %parallel_loop3A_415 = arith.constant 1 : i32
        %parallel_loop3A_416 = arith.index_cast %parallel_loop3A_415 : i32 to index
        %parallel_loop3A_417 = arith.index_cast %parallel_loop3A_379 : i32 to index
        %parallel_loop3A_418 = arith.index_cast %parallel_loop3A_414 : i32 to index
        %parallel_loop3A_419 = tpu.vector_load %arg8[%parallel_loop3A_416, %parallel_loop3A_417, %parallel_loop3A_418] {strides = array<i32>} : memref<2x16x1024xf32, #tpu.memory_space<vmem>>, vector<16xf32>,
        tpu.vector_store %arg8[%parallel_loop3A_416, %parallel_loop3A_417, %parallel_loop3A_418], %parallel_loop3A_412 {strides = array<i32>} : memref<2x16x1024xf32, #tpu.memory_space<vmem>>, vector<16xf32>,
        %parallel_loop3A_420 = arith.constant 128 : i32
        %parallel_loop3A_421 = vector.broadcast %parallel_loop3A_420 : i32 to vector<16xi32>
        %parallel_loop3A_422 = arith.addi %parallel_loop3A_408, %parallel_loop3A_421 : vector<16xi32>
        %parallel_loop3A_423 = tpu.vector_load_idx %arg6[%parallel_loop3A_422] : memref<65536xf32, #tpu.memory_space<vmem>>[vector<16xi32>], vector<16xf32>,
        %parallel_loop3A_424 = arith.constant 128 : i32
        %parallel_loop3A_425 = arith.addi %parallel_loop3A_424, %parallel_loop3A_385 : i32
        %parallel_loop3A_426 = arith.constant 1 : i32
        %parallel_loop3A_427 = arith.index_cast %parallel_loop3A_426 : i32 to index
        %parallel_loop3A_428 = arith.index_cast %parallel_loop3A_379 : i32 to index
        %parallel_loop3A_429 = arith.index_cast %parallel_loop3A_425 : i32 to index
        %parallel_loop3A_430 = tpu.vector_load %arg8[%parallel_loop3A_427, %parallel_loop3A_428, %parallel_loop3A_429] {strides = array<i32>} : memref<2x16x1024xf32, #tpu.memory_space<vmem>>, vector<16xf32>,
        tpu.vector_store %arg8[%parallel_loop3A_427, %parallel_loop3A_428, %parallel_loop3A_429], %parallel_loop3A_423 {strides = array<i32>} : memref<2x16x1024xf32, #tpu.memory_space<vmem>>, vector<16xf32>,
        %parallel_loop3A_431 = arith.constant 256 : i32
        %parallel_loop3A_432 = vector.broadcast %parallel_loop3A_431 : i32 to vector<16xi32>
        %parallel_loop3A_433 = arith.addi %parallel_loop3A_408, %parallel_loop3A_432 : vector<16xi32>
        %parallel_loop3A_434 = tpu.vector_load_idx %arg6[%parallel_loop3A_433] : memref<65536xf32, #tpu.memory_space<vmem>>[vector<16xi32>], vector<16xf32>,
        %parallel_loop3A_435 = arith.constant 256 : i32
        %parallel_loop3A_436 = arith.addi %parallel_loop3A_435, %parallel_loop3A_385 : i32
        %parallel_loop3A_437 = arith.constant 1 : i32
        %parallel_loop3A_438 = arith.index_cast %parallel_loop3A_437 : i32 to index
        %parallel_loop3A_439 = arith.index_cast %parallel_loop3A_379 : i32 to index
        %parallel_loop3A_440 = arith.index_cast %parallel_loop3A_436 : i32 to index
        %parallel_loop3A_441 = tpu.vector_load %arg8[%parallel_loop3A_438, %parallel_loop3A_439, %parallel_loop3A_440] {strides = array<i32>} : memref<2x16x1024xf32, #tpu.memory_space<vmem>>, vector<16xf32>,
        tpu.vector_store %arg8[%parallel_loop3A_438, %parallel_loop3A_439, %parallel_loop3A_440], %parallel_loop3A_434 {strides = array<i32>} : memref<2x16x1024xf32, #tpu.memory_space<vmem>>, vector<16xf32>,
        %parallel_loop3A_442 = arith.constant 384 : i32
        %parallel_loop3A_443 = vector.broadcast %parallel_loop3A_442 : i32 to vector<16xi32>
        %parallel_loop3A_444 = arith.addi %parallel_loop3A_408, %parallel_loop3A_443 : vector<16xi32>
        %parallel_loop3A_445 = tpu.vector_load_idx %arg6[%parallel_loop3A_444] : memref<65536xf32, #tpu.memory_space<vmem>>[vector<16xi32>], vector<16xf32>,
        %parallel_loop3A_446 = arith.constant 384 : i32
        %parallel_loop3A_447 = arith.addi %parallel_loop3A_446, %parallel_loop3A_385 : i32
        %parallel_loop3A_448 = arith.constant 1 : i32
        %parallel_loop3A_449 = arith.index_cast %parallel_loop3A_448 : i32 to index
        %parallel_loop3A_450 = arith.index_cast %parallel_loop3A_379 : i32 to index
        %parallel_loop3A_451 = arith.index_cast %parallel_loop3A_447 : i32 to index
        %parallel_loop3A_452 = tpu.vector_load %arg8[%parallel_loop3A_449, %parallel_loop3A_450, %parallel_loop3A_451] {strides = array<i32>} : memref<2x16x1024xf32, #tpu.memory_space<vmem>>, vector<16xf32>,
        tpu.vector_store %arg8[%parallel_loop3A_449, %parallel_loop3A_450, %parallel_loop3A_451], %parallel_loop3A_445 {strides = array<i32>} : memref<2x16x1024xf32, #tpu.memory_space<vmem>>, vector<16xf32>,
        %parallel_loop3A_453 = arith.constant 512 : i32
        %parallel_loop3A_454 = vector.broadcast %parallel_loop3A_453 : i32 to vector<16xi32>
        %parallel_loop3A_455 = arith.addi %parallel_loop3A_408, %parallel_loop3A_454 : vector<16xi32>
        %parallel_loop3A_456 = tpu.vector_load_idx %arg6[%parallel_loop3A_455] : memref<65536xf32, #tpu.memory_space<vmem>>[vector<16xi32>], vector<16xf32>,
        %parallel_loop3A_457 = arith.constant 512 : i32
        %parallel_loop3A_458 = arith.addi %parallel_loop3A_457, %parallel_loop3A_385 : i32
        %parallel_loop3A_459 = arith.constant 1 : i32
        %parallel_loop3A_460 = arith.index_cast %parallel_loop3A_459 : i32 to index
        %parallel_loop3A_461 = arith.index_cast %parallel_loop3A_379 : i32 to index
        %parallel_loop3A_462 = arith.index_cast %parallel_loop3A_458 : i32 to index
        %parallel_loop3A_463 = tpu.vector_load %arg8[%parallel_loop3A_460, %parallel_loop3A_461, %parallel_loop3A_462] {strides = array<i32>} : memref<2x16x1024xf32, #tpu.memory_space<vmem>>, vector<16xf32>,
        tpu.vector_store %arg8[%parallel_loop3A_460, %parallel_loop3A_461, %parallel_loop3A_462], %parallel_loop3A_456 {strides = array<i32>} : memref<2x16x1024xf32, #tpu.memory_space<vmem>>, vector<16xf32>,
        %parallel_loop3A_464 = arith.constant 640 : i32
        %parallel_loop3A_465 = vector.broadcast %parallel_loop3A_464 : i32 to vector<16xi32>
        %parallel_loop3A_466 = arith.addi %parallel_loop3A_408, %parallel_loop3A_465 : vector<16xi32>
        %parallel_loop3A_467 = tpu.vector_load_idx %arg6[%parallel_loop3A_466] : memref<65536xf32, #tpu.memory_space<vmem>>[vector<16xi32>], vector<16xf32>,
        %parallel_loop3A_468 = arith.constant 640 : i32
        %parallel_loop3A_469 = arith.addi %parallel_loop3A_468, %parallel_loop3A_385 : i32
        %parallel_loop3A_470 = arith.constant 1 : i32
        %parallel_loop3A_471 = arith.index_cast %parallel_loop3A_470 : i32 to index
        %parallel_loop3A_472 = arith.index_cast %parallel_loop3A_379 : i32 to index
        %parallel_loop3A_473 = arith.index_cast %parallel_loop3A_469 : i32 to index
        %parallel_loop3A_474 = tpu.vector_load %arg8[%parallel_loop3A_471, %parallel_loop3A_472, %parallel_loop3A_473] {strides = array<i32>} : memref<2x16x1024xf32, #tpu.memory_space<vmem>>, vector<16xf32>,
        tpu.vector_store %arg8[%parallel_loop3A_471, %parallel_loop3A_472, %parallel_loop3A_473], %parallel_loop3A_467 {strides = array<i32>} : memref<2x16x1024xf32, #tpu.memory_space<vmem>>, vector<16xf32>,
        %parallel_loop3A_475 = arith.constant 768 : i32
        %parallel_loop3A_476 = vector.broadcast %parallel_loop3A_475 : i32 to vector<16xi32>
        %parallel_loop3A_477 = arith.addi %parallel_loop3A_408, %parallel_loop3A_476 : vector<16xi32>
        %parallel_loop3A_478 = tpu.vector_load_idx %arg6[%parallel_loop3A_477] : memref<65536xf32, #tpu.memory_space<vmem>>[vector<16xi32>], vector<16xf32>,
        %parallel_loop3A_479 = arith.constant 768 : i32
        %parallel_loop3A_480 = arith.addi %parallel_loop3A_479, %parallel_loop3A_385 : i32
        %parallel_loop3A_481 = arith.constant 1 : i32
        %parallel_loop3A_482 = arith.index_cast %parallel_loop3A_481 : i32 to index
        %parallel_loop3A_483 = arith.index_cast %parallel_loop3A_379 : i32 to index
        %parallel_loop3A_484 = arith.index_cast %parallel_loop3A_480 : i32 to index
        %parallel_loop3A_485 = tpu.vector_load %arg8[%parallel_loop3A_482, %parallel_loop3A_483, %parallel_loop3A_484] {strides = array<i32>} : memref<2x16x1024xf32, #tpu.memory_space<vmem>>, vector<16xf32>,
        tpu.vector_store %arg8[%parallel_loop3A_482, %parallel_loop3A_483, %parallel_loop3A_484], %parallel_loop3A_478 {strides = array<i32>} : memref<2x16x1024xf32, #tpu.memory_space<vmem>>, vector<16xf32>,
        %parallel_loop3A_486 = arith.constant 896 : i32
        %parallel_loop3A_487 = vector.broadcast %parallel_loop3A_486 : i32 to vector<16xi32>
        %parallel_loop3A_488 = arith.addi %parallel_loop3A_408, %parallel_loop3A_487 : vector<16xi32>
        %parallel_loop3A_489 = tpu.vector_load_idx %arg6[%parallel_loop3A_488] : memref<65536xf32, #tpu.memory_space<vmem>>[vector<16xi32>], vector<16xf32>,
        %parallel_loop3A_490 = arith.constant 896 : i32
        %parallel_loop3A_491 = arith.addi %parallel_loop3A_490, %parallel_loop3A_385 : i32
        %parallel_loop3A_492 = arith.constant 1 : i32
        %parallel_loop3A_493 = arith.index_cast %parallel_loop3A_492 : i32 to index
        %parallel_loop3A_494 = arith.index_cast %parallel_loop3A_379 : i32 to index
        %parallel_loop3A_495 = arith.index_cast %parallel_loop3A_491 : i32 to index
        %parallel_loop3A_496 = tpu.vector_load %arg8[%parallel_loop3A_493, %parallel_loop3A_494, %parallel_loop3A_495] {strides = array<i32>} : memref<2x16x1024xf32, #tpu.memory_space<vmem>>, vector<16xf32>,
        tpu.vector_store %arg8[%parallel_loop3A_493, %parallel_loop3A_494, %parallel_loop3A_495], %parallel_loop3A_489 {strides = array<i32>} : memref<2x16x1024xf32, #tpu.memory_space<vmem>>, vector<16xf32>,
      } {sc.loop_unroll_factor = 8 : i64, sc.parallel_access}
      %dma_start3A_357 = arith.constant 1 : i32
      %dma_start3A_358 = arith.constant 16 : i32
      %dma_start3A_359 = arith.constant 1 : i32
      %dma_start3A_360 = arith.constant 0 : i32
      %dma_start3A_361 = arith.constant 0 : i32
      %dma_start3A_362 = tpu.memref_slice %arg8[%dma_start3A_357, %dma_start3A_360, %dma_start3A_361] : memref<2x16x1024xf32, #tpu.memory_space<vmem>> -> memref<1x16x1024xf32, #tpu.memory_space<vmem>>
      %dma_start3A_363 = tpu.memref_squeeze %dma_start3A_362 : memref<1x16x1024xf32, #tpu.memory_space<vmem>> -> memref<16x1024xf32, #tpu.memory_space<vmem>>
      %dma_start3A_364 = arith.constant 0 : i32
      %dma_start3A_365 = tpu.memref_slice %arg5[%add3A_242, %shift_right_arithmetic3A_1, %dma_start3A_358, %dma_start3A_364] : memref<200x8x32x1024xf32, #tpu.memory_space<hbm>> -> memref<1x1x16x1024xf32, #tpu.memory_space<hbm>>
      %dma_start3A_366 = tpu.memref_squeeze %dma_start3A_365 : memref<1x1x16x1024xf32, #tpu.memory_space<hbm>> -> memref<16x1024xf32, #tpu.memory_space<hbm>>
      %dma_start3A_367 = tpu.memref_slice %arg10[%dma_start3A_359] : memref<2x!tpu.dma_semaphore, #tpu.memory_space<semaphore_mem>> -> memref<1x!tpu.dma_semaphore, #tpu.memory_space<semaphore_mem>>
      %dma_start3A_368 = tpu.memref_squeeze %dma_start3A_367 : memref<1x!tpu.dma_semaphore, #tpu.memory_space<semaphore_mem>> -> memref<!tpu.dma_semaphore, #tpu.memory_space<semaphore_mem>>
      %dma_start3A_369 = arith.constant 0 : i32
      %dma_start3A_370 = tpu.memref_slice %arg5[%add3A_242, %shift_right_arithmetic3A_1, %dma_start3A_358, %dma_start3A_369] : memref<200x8x32x1024xf32, #tpu.memory_space<hbm>> -> memref<1x1x16x1024xf32, #tpu.memory_space<hbm>>
      %dma_start3A_371 = tpu.memref_squeeze %dma_start3A_370 : memref<1x1x16x1024xf32, #tpu.memory_space<hbm>> -> memref<16x1024xf32, #tpu.memory_space<hbm>>
      %dma_start3A_372 = arith.constant 0 : i32
      %dma_start3A_373 = arith.constant 0 : i32
      %dma_start3A_374 = tpu.memref_slice %arg8[%dma_start3A_357, %dma_start3A_372, %dma_start3A_373] : memref<2x16x1024xf32, #tpu.memory_space<vmem>> -> memref<1x16x1024xf32, #tpu.memory_space<vmem>>
      %dma_start3A_375 = tpu.memref_squeeze %dma_start3A_374 : memref<1x16x1024xf32, #tpu.memory_space<vmem>> -> memref<16x1024xf32, #tpu.memory_space<vmem>>
      tpu.enqueue_dma source(%dma_start3A_375 : memref<16x1024xf32, #tpu.memory_space<vmem>>) target(%dma_start3A_371 : memref<16x1024xf32, #tpu.memory_space<hbm>>) target_semaphore(%dma_start3A_368 : memref<!tpu.dma_semaphore, #tpu.memory_space<semaphore_mem>>)
      %while3A_376 = arith.constant 0 : i64
      scf.yield %while3A_376 : i64
    }
    %while3A_195 = arith.constant 1 : i32
    %while3A_196 = scf.for %while3A_240 = %while3A_192 to %while3A_188 step %while3A_195 iter_args(%while3A_241 = %while3A_194) -> (i64)  : i32 {
      %add3A_242 = arith.addi %mul3A_4, %while3A_240 : i32
      %jit3A = arith.constant 3 : i32
      %eq3A = arith.constant 0 : i32
      %eq3A_243 = arith.cmpi eq, %jit3A, %eq3A : i32
      %jit3A_244 = arith.constant 1 : i32
      %select_n3A = arith.select %eq3A_243, %jit3A_244, %jit3A : i32
      %rem3A = arith.remsi %while3A_240, %select_n3A : i32
      %ne3A = arith.constant 0 : i32
      %ne3A_245 = arith.cmpi ne, %rem3A, %ne3A : i32
      %lt3A = arith.constant 0 : i32
      %lt3A_246 = arith.cmpi slt, %rem3A, %lt3A : i32
      %lt3A_247 = arith.constant 0 : i32
      %lt3A_248 = arith.cmpi slt, %select_n3A, %lt3A_247 : i32
      %ne3A_249 = arith.xori %lt3A_246, %lt3A_248 : i1
      %and3A_250 = arith.andi %ne3A_249, %ne3A_245 : i1
      %add3A_251 = arith.addi %rem3A, %select_n3A : i32
      %select_n3A_252 = arith.select %and3A_250, %add3A_251, %rem3A : i32
      %add3A_253 = arith.constant 1 : i32
      %add3A_254 = arith.addi %while3A_240, %add3A_253 : i32
      %jit3A_255 = arith.constant 3 : i32
      %eq3A_256 = arith.constant 0 : i32
      %eq3A_257 = arith.cmpi eq, %jit3A_255, %eq3A_256 : i32
      %jit3A_258 = arith.constant 1 : i32
      %select_n3A_259 = arith.select %eq3A_257, %jit3A_258, %jit3A_255 : i32
      %rem3A_260 = arith.remsi %add3A_254, %select_n3A_259 : i32
      %ne3A_261 = arith.constant 0 : i32
      %ne3A_262 = arith.cmpi ne, %rem3A_260, %ne3A_261 : i32
      %lt3A_263 = arith.constant 0 : i32
      %lt3A_264 = arith.cmpi slt, %rem3A_260, %lt3A_263 : i32
      %lt3A_265 = arith.constant 0 : i32
      %lt3A_266 = arith.cmpi slt, %select_n3A_259, %lt3A_265 : i32
      %ne3A_267 = arith.xori %lt3A_264, %lt3A_266 : i1
      %and3A_268 = arith.andi %ne3A_267, %ne3A_262 : i1
      %add3A_269 = arith.addi %rem3A_260, %select_n3A_259 : i32
      %select_n3A_270 = arith.select %and3A_268, %add3A_269, %rem3A_260 : i32
      %add3A_271 = arith.constant 2 : i32
      %add3A_272 = arith.addi %while3A_240, %add3A_271 : i32
      %jit3A_273 = arith.constant 3 : i32
      %eq3A_274 = arith.constant 0 : i32
      %eq3A_275 = arith.cmpi eq, %jit3A_273, %eq3A_274 : i32
      %jit3A_276 = arith.constant 1 : i32
      %select_n3A_277 = arith.select %eq3A_275, %jit3A_276, %jit3A_273 : i32
      %rem3A_278 = arith.remsi %add3A_272, %select_n3A_277 : i32
      %ne3A_279 = arith.constant 0 : i32
      %ne3A_280 = arith.cmpi ne, %rem3A_278, %ne3A_279 : i32
      %lt3A_281 = arith.constant 0 : i32
      %lt3A_282 = arith.cmpi slt, %rem3A_278, %lt3A_281 : i32
      %lt3A_283 = arith.constant 0 : i32
      %lt3A_284 = arith.cmpi slt, %select_n3A_277, %lt3A_283 : i32
      %ne3A_285 = arith.xori %lt3A_282, %lt3A_284 : i1
      %and3A_286 = arith.andi %ne3A_285, %ne3A_280 : i1
      %add3A_287 = arith.addi %rem3A_278, %select_n3A_277 : i32
      %select_n3A_288 = arith.select %and3A_286, %add3A_287, %rem3A_278 : i32
      %dma_wait3A_289 = arith.constant 0 : i32
      %dma_wait3A_290 = arith.constant 0 : i32
      %dma_wait3A_291 = arith.constant 0 : i32
      %dma_wait3A_292 = tpu.memref_slice %arg7[%select_n3A_270, %dma_wait3A_290, %dma_wait3A_291] : memref<3x32x128xi32, #tpu.memory_space<vmem>> -> memref<1x32x128xi32, #tpu.memory_space<vmem>>
      %dma_wait3A_293 = tpu.memref_squeeze %dma_wait3A_292 : memref<1x32x128xi32, #tpu.memory_space<vmem>> -> memref<32x128xi32, #tpu.memory_space<vmem>>
      %dma_wait3A_294 = arith.constant 0 : i32
      %dma_wait3A_295 = arith.constant 0 : i32
      %dma_wait3A_296 = tpu.memref_slice %arg2[%dma_wait3A_289, %dma_wait3A_294, %dma_wait3A_295] : memref<25x32x1024xi32, #tpu.memory_space<hbm>> -> memref<1x32x128xi32, #tpu.memory_space<hbm>>
      %dma_wait3A_297 = tpu.memref_squeeze %dma_wait3A_296 : memref<1x32x128xi32, #tpu.memory_space<hbm>> -> memref<32x128xi32, #tpu.memory_space<hbm>>
      %dma_wait3A_298 = arith.constant 0 : i32
      %dma_wait3A_299 = arith.constant 0 : i32
      %dma_wait3A_300 = tpu.memref_slice %arg7[%select_n3A_270, %dma_wait3A_298, %dma_wait3A_299] : memref<3x32x128xi32, #tpu.memory_space<vmem>> -> memref<1x32x128xi32, #tpu.memory_space<vmem>>
      %dma_wait3A_301 = tpu.memref_squeeze %dma_wait3A_300 : memref<1x32x128xi32, #tpu.memory_space<vmem>> -> memref<32x128xi32, #tpu.memory_space<vmem>>
      %dma_wait3A_302 = arith.constant 0 : i32
      %dma_wait3A_303 = arith.constant 0 : i32
      %dma_wait3A_304 = tpu.memref_slice %arg2[%dma_wait3A_289, %dma_wait3A_302, %dma_wait3A_303] : memref<25x32x1024xi32, #tpu.memory_space<hbm>> -> memref<1x32x128xi32, #tpu.memory_space<hbm>>
      %dma_wait3A_305 = tpu.memref_squeeze %dma_wait3A_304 : memref<1x32x128xi32, #tpu.memory_space<hbm>> -> memref<32x128xi32, #tpu.memory_space<hbm>>
      tpu.wait_dma2 semaphore(%arg11 : memref<!tpu.dma_semaphore, #tpu.memory_space<semaphore_mem>>) src(%dma_wait3A_305 : memref<32x128xi32, #tpu.memory_space<hbm>>) dst(%dma_wait3A_301 : memref<32x128xi32, #tpu.memory_space<vmem>>)
      %add3A_306 = arith.constant 1 : i32
      %add3A_307 = arith.addi %while3A_240, %add3A_306 : i32
      %lt3A_308 = arith.constant 50 : i32
      %lt3A_309 = arith.cmpi slt, %add3A_307, %lt3A_308 : i32
      %convert_element_type3A_310 = arith.extui %lt3A_309 : i1 to i32
      %cond3A_311 = arith.constant 0 : i32
      %cond3A_312 = arith.cmpi ne, %convert_element_type3A_310, %cond3A_311 : i32
      scf.if %cond3A_312 {
        %add3A_377 = arith.constant 1 : i32
        %add3A_378 = arith.addi %add3A_242, %add3A_377 : i32
        %shift_right_arithmetic3A_379 = arith.constant 3 : i32
        %shift_right_arithmetic3A_380 = arith.shrsi %add3A_378, %shift_right_arithmetic3A_379 : i32
        %and3A_381 = arith.constant 7 : i32
        %and3A_382 = arith.andi %add3A_378, %and3A_381 : i32
        %mul3A_383 = arith.constant 128 : i32
        %mul3A_384 = arith.muli %and3A_382, %mul3A_383 : i32
        %dma_start3A_385 = arith.constant 0 : i32
        %dma_start3A_386 = arith.constant 0 : i32
        %dma_start3A_387 = tpu.memref_slice %arg7[%select_n3A_288, %dma_start3A_385, %dma_start3A_386] : memref<3x32x128xi32, #tpu.memory_space<vmem>> -> memref<1x32x128xi32, #tpu.memory_space<vmem>>
        %dma_start3A_388 = tpu.memref_squeeze %dma_start3A_387 : memref<1x32x128xi32, #tpu.memory_space<vmem>> -> memref<32x128xi32, #tpu.memory_space<vmem>>
        %dma_start3A_389 = arith.constant 0 : i32
        %dma_start3A_390 = tpu.memref_slice %arg2[%shift_right_arithmetic3A_380, %dma_start3A_389, %mul3A_384] : memref<25x32x1024xi32, #tpu.memory_space<hbm>> -> memref<1x32x128xi32, #tpu.memory_space<hbm>>
        %dma_start3A_391 = tpu.memref_squeeze %dma_start3A_390 : memref<1x32x128xi32, #tpu.memory_space<hbm>> -> memref<32x128xi32, #tpu.memory_space<hbm>>
        %dma_start3A_392 = arith.constant 0 : i32
        %dma_start3A_393 = arith.constant 0 : i32
        %dma_start3A_394 = tpu.memref_slice %arg7[%select_n3A_288, %dma_start3A_392, %dma_start3A_393] : memref<3x32x128xi32, #tpu.memory_space<vmem>> -> memref<1x32x128xi32, #tpu.memory_space<vmem>>
        %dma_start3A_395 = tpu.memref_squeeze %dma_start3A_394 : memref<1x32x128xi32, #tpu.memory_space<vmem>> -> memref<32x128xi32, #tpu.memory_space<vmem>>
        %dma_start3A_396 = arith.constant 0 : i32
        %dma_start3A_397 = tpu.memref_slice %arg2[%shift_right_arithmetic3A_380, %dma_start3A_396, %mul3A_384] : memref<25x32x1024xi32, #tpu.memory_space<hbm>> -> memref<1x32x128xi32, #tpu.memory_space<hbm>>
        %dma_start3A_398 = tpu.memref_squeeze %dma_start3A_397 : memref<1x32x128xi32, #tpu.memory_space<hbm>> -> memref<32x128xi32, #tpu.memory_space<hbm>>
        tpu.enqueue_dma source(%dma_start3A_398 : memref<32x128xi32, #tpu.memory_space<hbm>>) target(%dma_start3A_395 : memref<32x128xi32, #tpu.memory_space<vmem>>) target_semaphore(%arg11 : memref<!tpu.dma_semaphore, #tpu.memory_space<semaphore_mem>>)
      } else {
      }
      %gt3A_313 = arith.constant 0 : i32
      %gt3A_314 = arith.cmpi sgt, %add3A_242, %gt3A_313 : i32
      %jit3A_315 = arith.constant 1315423911 : i32
      %jit3A_316 = arith.constant 0 : i32
      %select_n3A_317 = arith.select %gt3A_314, %jit3A_315, %jit3A_316 : i32
      %mul3A_318 = arith.constant 0 : i32
      %mul3A_319 = vector.broadcast %mul3A_318 : i32 to vector<16xi32>
      %mul3A_320 = arith.muli %mul3A_319, %iota3A : vector<16xi32>
      %add3A_321 = vector.broadcast %select_n3A_317 : i32 to vector<16xi32>
      %add3A_322 = arith.addi %add3A_321, %mul3A_320 : vector<16xi32>
      %ge3A = arith.constant 1 : i32
      %ge3A_323 = arith.cmpi sge, %while3A_240, %ge3A : i32
      %convert_element_type3A_324 = arith.extui %ge3A_323 : i1 to i32
      %cond3A_325 = arith.constant 0 : i32
      %cond3A_326 = arith.cmpi ne, %convert_element_type3A_324, %cond3A_325 : i32
      scf.if %cond3A_326 {
        %dma_wait3A_377 = arith.constant 0 : i32
        %dma_wait3A_378 = arith.constant 0 : i32
        %dma_wait3A_379 = arith.constant 0 : i32
        %dma_wait3A_380 = arith.constant 0 : i32
        %dma_wait3A_381 = arith.constant 0 : i32
        %dma_wait3A_382 = arith.constant 0 : i32
        %dma_wait3A_383 = tpu.memref_slice %arg8[%dma_wait3A_377, %dma_wait3A_381, %dma_wait3A_382] : memref<2x16x1024xf32, #tpu.memory_space<vmem>> -> memref<1x16x1024xf32, #tpu.memory_space<vmem>>
        %dma_wait3A_384 = tpu.memref_squeeze %dma_wait3A_383 : memref<1x16x1024xf32, #tpu.memory_space<vmem>> -> memref<16x1024xf32, #tpu.memory_space<vmem>>
        %dma_wait3A_385 = arith.constant 0 : i32
        %dma_wait3A_386 = arith.constant 0 : i32
        %dma_wait3A_387 = tpu.memref_slice %arg5[%dma_wait3A_378, %dma_wait3A_379, %dma_wait3A_385, %dma_wait3A_386] : memref<200x8x32x1024xf32, #tpu.memory_space<hbm>> -> memref<1x1x16x1024xf32, #tpu.memory_space<hbm>>
        %dma_wait3A_388 = tpu.memref_squeeze %dma_wait3A_387 : memref<1x1x16x1024xf32, #tpu.memory_space<hbm>> -> memref<16x1024xf32, #tpu.memory_space<hbm>>
        %dma_wait3A_389 = tpu.memref_slice %arg10[%dma_wait3A_380] : memref<2x!tpu.dma_semaphore, #tpu.memory_space<semaphore_mem>> -> memref<1x!tpu.dma_semaphore, #tpu.memory_space<semaphore_mem>>
        %dma_wait3A_390 = tpu.memref_squeeze %dma_wait3A_389 : memref<1x!tpu.dma_semaphore, #tpu.memory_space<semaphore_mem>> -> memref<!tpu.dma_semaphore, #tpu.memory_space<semaphore_mem>>
        %dma_wait3A_391 = arith.constant 0 : i32
        %dma_wait3A_392 = arith.constant 0 : i32
        %dma_wait3A_393 = tpu.memref_slice %arg5[%dma_wait3A_378, %dma_wait3A_379, %dma_wait3A_391, %dma_wait3A_392] : memref<200x8x32x1024xf32, #tpu.memory_space<hbm>> -> memref<1x1x16x1024xf32, #tpu.memory_space<hbm>>
        %dma_wait3A_394 = tpu.memref_squeeze %dma_wait3A_393 : memref<1x1x16x1024xf32, #tpu.memory_space<hbm>> -> memref<16x1024xf32, #tpu.memory_space<hbm>>
        %dma_wait3A_395 = arith.constant 0 : i32
        %dma_wait3A_396 = arith.constant 0 : i32
        %dma_wait3A_397 = tpu.memref_slice %arg8[%dma_wait3A_377, %dma_wait3A_395, %dma_wait3A_396] : memref<2x16x1024xf32, #tpu.memory_space<vmem>> -> memref<1x16x1024xf32, #tpu.memory_space<vmem>>
        %dma_wait3A_398 = tpu.memref_squeeze %dma_wait3A_397 : memref<1x16x1024xf32, #tpu.memory_space<vmem>> -> memref<16x1024xf32, #tpu.memory_space<vmem>>
        tpu.wait_dma2 semaphore(%dma_wait3A_390 : memref<!tpu.dma_semaphore, #tpu.memory_space<semaphore_mem>>) src(%dma_wait3A_398 : memref<16x1024xf32, #tpu.memory_space<vmem>>) dst(%dma_wait3A_394 : memref<16x1024xf32, #tpu.memory_space<hbm>>)
      } else {
      }
      %parallel_loop3A_327 = arith.constant 0 : i32
      %parallel_loop3A_328 = arith.constant 128 : i32
      %parallel_loop3A_329 = arith.constant 1 : i32
      scf.for %parallel_loop3A_377 = %parallel_loop3A_327 to %parallel_loop3A_328 step %parallel_loop3A_329  : i32 {
        %parallel_loop3A_378 = arith.constant 3 : i32
        %parallel_loop3A_379 = arith.shrsi %parallel_loop3A_377, %parallel_loop3A_378 : i32
        %parallel_loop3A_380 = arith.constant 0 : i32
        %parallel_loop3A_381 = arith.addi %parallel_loop3A_380, %parallel_loop3A_379 : i32
        %parallel_loop3A_382 = arith.constant 7 : i32
        %parallel_loop3A_383 = arith.andi %parallel_loop3A_377, %parallel_loop3A_382 : i32
        %parallel_loop3A_384 = arith.constant 16 : i32
        %parallel_loop3A_385 = arith.muli %parallel_loop3A_383, %parallel_loop3A_384 : i32
        %parallel_loop3A_386 = arith.index_cast %select_n3A_270 : i32 to index
        %parallel_loop3A_387 = arith.index_cast %parallel_loop3A_381 : i32 to index
        %parallel_loop3A_388 = arith.index_cast %parallel_loop3A_385 : i32 to index
        %parallel_loop3A_389 = tpu.vector_load %arg7[%parallel_loop3A_386, %parallel_loop3A_387, %parallel_loop3A_388] {strides = array<i32>} : memref<3x32x128xi32, #tpu.memory_space<vmem>>, vector<16xi32>,
        %parallel_loop3A_390 = arith.index_cast %select_n3A_252 : i32 to index
        %parallel_loop3A_391 = arith.index_cast %parallel_loop3A_381 : i32 to index
        %parallel_loop3A_392 = arith.index_cast %parallel_loop3A_385 : i32 to index
        %parallel_loop3A_393 = tpu.vector_load %arg7[%parallel_loop3A_390, %parallel_loop3A_391, %parallel_loop3A_392] {strides = array<i32>} : memref<3x32x128xi32, #tpu.memory_space<vmem>>, vector<16xi32>,
        %parallel_loop3A_394 = arith.muli %parallel_loop3A_393, %add3A_322 : vector<16xi32>
        %parallel_loop3A_395 = arith.addi %parallel_loop3A_394, %parallel_loop3A_389 : vector<16xi32>
        %parallel_loop3A_396 = arith.constant 8191 : i32
        %parallel_loop3A_397 = vector.broadcast %parallel_loop3A_396 : i32 to vector<16xi32>
        %parallel_loop3A_398 = arith.andi %parallel_loop3A_395, %parallel_loop3A_397 : vector<16xi32>
        %parallel_loop3A_399 = arith.constant 7 : i32
        %parallel_loop3A_400 = vector.broadcast %parallel_loop3A_399 : i32 to vector<16xi32>
        %parallel_loop3A_401 = arith.shrsi %parallel_loop3A_398, %parallel_loop3A_400 : vector<16xi32>
        %parallel_loop3A_402 = arith.constant 10 : i32
        %parallel_loop3A_403 = vector.broadcast %parallel_loop3A_402 : i32 to vector<16xi32>
        %parallel_loop3A_404 = arith.shli %parallel_loop3A_401, %parallel_loop3A_403 : vector<16xi32>
        %parallel_loop3A_405 = arith.constant 127 : i32
        %parallel_loop3A_406 = vector.broadcast %parallel_loop3A_405 : i32 to vector<16xi32>
        %parallel_loop3A_407 = arith.andi %parallel_loop3A_398, %parallel_loop3A_406 : vector<16xi32>
        %parallel_loop3A_408 = arith.ori %parallel_loop3A_404, %parallel_loop3A_407 : vector<16xi32>
        %parallel_loop3A_409 = arith.constant 0 : i32
        %parallel_loop3A_410 = vector.broadcast %parallel_loop3A_409 : i32 to vector<16xi32>
        %parallel_loop3A_411 = arith.addi %parallel_loop3A_408, %parallel_loop3A_410 : vector<16xi32>
        %parallel_loop3A_412 = tpu.vector_load_idx %arg6[%parallel_loop3A_411] : memref<65536xf32, #tpu.memory_space<vmem>>[vector<16xi32>], vector<16xf32>,
        %parallel_loop3A_413 = arith.constant 0 : i32
        %parallel_loop3A_414 = arith.addi %parallel_loop3A_413, %parallel_loop3A_385 : i32
        %parallel_loop3A_415 = arith.constant 0 : i32
        %parallel_loop3A_416 = arith.index_cast %parallel_loop3A_415 : i32 to index
        %parallel_loop3A_417 = arith.index_cast %parallel_loop3A_379 : i32 to index
        %parallel_loop3A_418 = arith.index_cast %parallel_loop3A_414 : i32 to index
        %parallel_loop3A_419 = tpu.vector_load %arg8[%parallel_loop3A_416, %parallel_loop3A_417, %parallel_loop3A_418] {strides = array<i32>} : memref<2x16x1024xf32, #tpu.memory_space<vmem>>, vector<16xf32>,
        tpu.vector_store %arg8[%parallel_loop3A_416, %parallel_loop3A_417, %parallel_loop3A_418], %parallel_loop3A_412 {strides = array<i32>} : memref<2x16x1024xf32, #tpu.memory_space<vmem>>, vector<16xf32>,
        %parallel_loop3A_420 = arith.constant 128 : i32
        %parallel_loop3A_421 = vector.broadcast %parallel_loop3A_420 : i32 to vector<16xi32>
        %parallel_loop3A_422 = arith.addi %parallel_loop3A_408, %parallel_loop3A_421 : vector<16xi32>
        %parallel_loop3A_423 = tpu.vector_load_idx %arg6[%parallel_loop3A_422] : memref<65536xf32, #tpu.memory_space<vmem>>[vector<16xi32>], vector<16xf32>,
        %parallel_loop3A_424 = arith.constant 128 : i32
        %parallel_loop3A_425 = arith.addi %parallel_loop3A_424, %parallel_loop3A_385 : i32
        %parallel_loop3A_426 = arith.constant 0 : i32
        %parallel_loop3A_427 = arith.index_cast %parallel_loop3A_426 : i32 to index
        %parallel_loop3A_428 = arith.index_cast %parallel_loop3A_379 : i32 to index
        %parallel_loop3A_429 = arith.index_cast %parallel_loop3A_425 : i32 to index
        %parallel_loop3A_430 = tpu.vector_load %arg8[%parallel_loop3A_427, %parallel_loop3A_428, %parallel_loop3A_429] {strides = array<i32>} : memref<2x16x1024xf32, #tpu.memory_space<vmem>>, vector<16xf32>,
        tpu.vector_store %arg8[%parallel_loop3A_427, %parallel_loop3A_428, %parallel_loop3A_429], %parallel_loop3A_423 {strides = array<i32>} : memref<2x16x1024xf32, #tpu.memory_space<vmem>>, vector<16xf32>,
        %parallel_loop3A_431 = arith.constant 256 : i32
        %parallel_loop3A_432 = vector.broadcast %parallel_loop3A_431 : i32 to vector<16xi32>
        %parallel_loop3A_433 = arith.addi %parallel_loop3A_408, %parallel_loop3A_432 : vector<16xi32>
        %parallel_loop3A_434 = tpu.vector_load_idx %arg6[%parallel_loop3A_433] : memref<65536xf32, #tpu.memory_space<vmem>>[vector<16xi32>], vector<16xf32>,
        %parallel_loop3A_435 = arith.constant 256 : i32
        %parallel_loop3A_436 = arith.addi %parallel_loop3A_435, %parallel_loop3A_385 : i32
        %parallel_loop3A_437 = arith.constant 0 : i32
        %parallel_loop3A_438 = arith.index_cast %parallel_loop3A_437 : i32 to index
        %parallel_loop3A_439 = arith.index_cast %parallel_loop3A_379 : i32 to index
        %parallel_loop3A_440 = arith.index_cast %parallel_loop3A_436 : i32 to index
        %parallel_loop3A_441 = tpu.vector_load %arg8[%parallel_loop3A_438, %parallel_loop3A_439, %parallel_loop3A_440] {strides = array<i32>} : memref<2x16x1024xf32, #tpu.memory_space<vmem>>, vector<16xf32>,
        tpu.vector_store %arg8[%parallel_loop3A_438, %parallel_loop3A_439, %parallel_loop3A_440], %parallel_loop3A_434 {strides = array<i32>} : memref<2x16x1024xf32, #tpu.memory_space<vmem>>, vector<16xf32>,
        %parallel_loop3A_442 = arith.constant 384 : i32
        %parallel_loop3A_443 = vector.broadcast %parallel_loop3A_442 : i32 to vector<16xi32>
        %parallel_loop3A_444 = arith.addi %parallel_loop3A_408, %parallel_loop3A_443 : vector<16xi32>
        %parallel_loop3A_445 = tpu.vector_load_idx %arg6[%parallel_loop3A_444] : memref<65536xf32, #tpu.memory_space<vmem>>[vector<16xi32>], vector<16xf32>,
        %parallel_loop3A_446 = arith.constant 384 : i32
        %parallel_loop3A_447 = arith.addi %parallel_loop3A_446, %parallel_loop3A_385 : i32
        %parallel_loop3A_448 = arith.constant 0 : i32
        %parallel_loop3A_449 = arith.index_cast %parallel_loop3A_448 : i32 to index
        %parallel_loop3A_450 = arith.index_cast %parallel_loop3A_379 : i32 to index
        %parallel_loop3A_451 = arith.index_cast %parallel_loop3A_447 : i32 to index
        %parallel_loop3A_452 = tpu.vector_load %arg8[%parallel_loop3A_449, %parallel_loop3A_450, %parallel_loop3A_451] {strides = array<i32>} : memref<2x16x1024xf32, #tpu.memory_space<vmem>>, vector<16xf32>,
        tpu.vector_store %arg8[%parallel_loop3A_449, %parallel_loop3A_450, %parallel_loop3A_451], %parallel_loop3A_445 {strides = array<i32>} : memref<2x16x1024xf32, #tpu.memory_space<vmem>>, vector<16xf32>,
        %parallel_loop3A_453 = arith.constant 512 : i32
        %parallel_loop3A_454 = vector.broadcast %parallel_loop3A_453 : i32 to vector<16xi32>
        %parallel_loop3A_455 = arith.addi %parallel_loop3A_408, %parallel_loop3A_454 : vector<16xi32>
        %parallel_loop3A_456 = tpu.vector_load_idx %arg6[%parallel_loop3A_455] : memref<65536xf32, #tpu.memory_space<vmem>>[vector<16xi32>], vector<16xf32>,
        %parallel_loop3A_457 = arith.constant 512 : i32
        %parallel_loop3A_458 = arith.addi %parallel_loop3A_457, %parallel_loop3A_385 : i32
        %parallel_loop3A_459 = arith.constant 0 : i32
        %parallel_loop3A_460 = arith.index_cast %parallel_loop3A_459 : i32 to index
        %parallel_loop3A_461 = arith.index_cast %parallel_loop3A_379 : i32 to index
        %parallel_loop3A_462 = arith.index_cast %parallel_loop3A_458 : i32 to index
        %parallel_loop3A_463 = tpu.vector_load %arg8[%parallel_loop3A_460, %parallel_loop3A_461, %parallel_loop3A_462] {strides = array<i32>} : memref<2x16x1024xf32, #tpu.memory_space<vmem>>, vector<16xf32>,
        tpu.vector_store %arg8[%parallel_loop3A_460, %parallel_loop3A_461, %parallel_loop3A_462], %parallel_loop3A_456 {strides = array<i32>} : memref<2x16x1024xf32, #tpu.memory_space<vmem>>, vector<16xf32>,
        %parallel_loop3A_464 = arith.constant 640 : i32
        %parallel_loop3A_465 = vector.broadcast %parallel_loop3A_464 : i32 to vector<16xi32>
        %parallel_loop3A_466 = arith.addi %parallel_loop3A_408, %parallel_loop3A_465 : vector<16xi32>
        %parallel_loop3A_467 = tpu.vector_load_idx %arg6[%parallel_loop3A_466] : memref<65536xf32, #tpu.memory_space<vmem>>[vector<16xi32>], vector<16xf32>,
        %parallel_loop3A_468 = arith.constant 640 : i32
        %parallel_loop3A_469 = arith.addi %parallel_loop3A_468, %parallel_loop3A_385 : i32
        %parallel_loop3A_470 = arith.constant 0 : i32
        %parallel_loop3A_471 = arith.index_cast %parallel_loop3A_470 : i32 to index
        %parallel_loop3A_472 = arith.index_cast %parallel_loop3A_379 : i32 to index
        %parallel_loop3A_473 = arith.index_cast %parallel_loop3A_469 : i32 to index
        %parallel_loop3A_474 = tpu.vector_load %arg8[%parallel_loop3A_471, %parallel_loop3A_472, %parallel_loop3A_473] {strides = array<i32>} : memref<2x16x1024xf32, #tpu.memory_space<vmem>>, vector<16xf32>,
        tpu.vector_store %arg8[%parallel_loop3A_471, %parallel_loop3A_472, %parallel_loop3A_473], %parallel_loop3A_467 {strides = array<i32>} : memref<2x16x1024xf32, #tpu.memory_space<vmem>>, vector<16xf32>,
        %parallel_loop3A_475 = arith.constant 768 : i32
        %parallel_loop3A_476 = vector.broadcast %parallel_loop3A_475 : i32 to vector<16xi32>
        %parallel_loop3A_477 = arith.addi %parallel_loop3A_408, %parallel_loop3A_476 : vector<16xi32>
        %parallel_loop3A_478 = tpu.vector_load_idx %arg6[%parallel_loop3A_477] : memref<65536xf32, #tpu.memory_space<vmem>>[vector<16xi32>], vector<16xf32>,
        %parallel_loop3A_479 = arith.constant 768 : i32
        %parallel_loop3A_480 = arith.addi %parallel_loop3A_479, %parallel_loop3A_385 : i32
        %parallel_loop3A_481 = arith.constant 0 : i32
        %parallel_loop3A_482 = arith.index_cast %parallel_loop3A_481 : i32 to index
        %parallel_loop3A_483 = arith.index_cast %parallel_loop3A_379 : i32 to index
        %parallel_loop3A_484 = arith.index_cast %parallel_loop3A_480 : i32 to index
        %parallel_loop3A_485 = tpu.vector_load %arg8[%parallel_loop3A_482, %parallel_loop3A_483, %parallel_loop3A_484] {strides = array<i32>} : memref<2x16x1024xf32, #tpu.memory_space<vmem>>, vector<16xf32>,
        tpu.vector_store %arg8[%parallel_loop3A_482, %parallel_loop3A_483, %parallel_loop3A_484], %parallel_loop3A_478 {strides = array<i32>} : memref<2x16x1024xf32, #tpu.memory_space<vmem>>, vector<16xf32>,
        %parallel_loop3A_486 = arith.constant 896 : i32
        %parallel_loop3A_487 = vector.broadcast %parallel_loop3A_486 : i32 to vector<16xi32>
        %parallel_loop3A_488 = arith.addi %parallel_loop3A_408, %parallel_loop3A_487 : vector<16xi32>
        %parallel_loop3A_489 = tpu.vector_load_idx %arg6[%parallel_loop3A_488] : memref<65536xf32, #tpu.memory_space<vmem>>[vector<16xi32>], vector<16xf32>,
        %parallel_loop3A_490 = arith.constant 896 : i32
        %parallel_loop3A_491 = arith.addi %parallel_loop3A_490, %parallel_loop3A_385 : i32
        %parallel_loop3A_492 = arith.constant 0 : i32
        %parallel_loop3A_493 = arith.index_cast %parallel_loop3A_492 : i32 to index
        %parallel_loop3A_494 = arith.index_cast %parallel_loop3A_379 : i32 to index
        %parallel_loop3A_495 = arith.index_cast %parallel_loop3A_491 : i32 to index
        %parallel_loop3A_496 = tpu.vector_load %arg8[%parallel_loop3A_493, %parallel_loop3A_494, %parallel_loop3A_495] {strides = array<i32>} : memref<2x16x1024xf32, #tpu.memory_space<vmem>>, vector<16xf32>,
        tpu.vector_store %arg8[%parallel_loop3A_493, %parallel_loop3A_494, %parallel_loop3A_495], %parallel_loop3A_489 {strides = array<i32>} : memref<2x16x1024xf32, #tpu.memory_space<vmem>>, vector<16xf32>,
      } {sc.loop_unroll_factor = 8 : i64, sc.parallel_access}
      %dma_start3A_330 = arith.constant 0 : i32
      %dma_start3A_331 = arith.constant 0 : i32
      %dma_start3A_332 = arith.constant 0 : i32
      %dma_start3A_333 = arith.constant 0 : i32
      %dma_start3A_334 = arith.constant 0 : i32
      %dma_start3A_335 = tpu.memref_slice %arg8[%dma_start3A_330, %dma_start3A_333, %dma_start3A_334] : memref<2x16x1024xf32, #tpu.memory_space<vmem>> -> memref<1x16x1024xf32, #tpu.memory_space<vmem>>
      %dma_start3A_336 = tpu.memref_squeeze %dma_start3A_335 : memref<1x16x1024xf32, #tpu.memory_space<vmem>> -> memref<16x1024xf32, #tpu.memory_space<vmem>>
      %dma_start3A_337 = arith.constant 0 : i32
      %dma_start3A_338 = tpu.memref_slice %arg5[%add3A_242, %shift_right_arithmetic3A_1, %dma_start3A_331, %dma_start3A_337] : memref<200x8x32x1024xf32, #tpu.memory_space<hbm>> -> memref<1x1x16x1024xf32, #tpu.memory_space<hbm>>
      %dma_start3A_339 = tpu.memref_squeeze %dma_start3A_338 : memref<1x1x16x1024xf32, #tpu.memory_space<hbm>> -> memref<16x1024xf32, #tpu.memory_space<hbm>>
      %dma_start3A_340 = tpu.memref_slice %arg10[%dma_start3A_332] : memref<2x!tpu.dma_semaphore, #tpu.memory_space<semaphore_mem>> -> memref<1x!tpu.dma_semaphore, #tpu.memory_space<semaphore_mem>>
      %dma_start3A_341 = tpu.memref_squeeze %dma_start3A_340 : memref<1x!tpu.dma_semaphore, #tpu.memory_space<semaphore_mem>> -> memref<!tpu.dma_semaphore, #tpu.memory_space<semaphore_mem>>
      %dma_start3A_342 = arith.constant 0 : i32
      %dma_start3A_343 = tpu.memref_slice %arg5[%add3A_242, %shift_right_arithmetic3A_1, %dma_start3A_331, %dma_start3A_342] : memref<200x8x32x1024xf32, #tpu.memory_space<hbm>> -> memref<1x1x16x1024xf32, #tpu.memory_space<hbm>>
      %dma_start3A_344 = tpu.memref_squeeze %dma_start3A_343 : memref<1x1x16x1024xf32, #tpu.memory_space<hbm>> -> memref<16x1024xf32, #tpu.memory_space<hbm>>
      %dma_start3A_345 = arith.constant 0 : i32
      %dma_start3A_346 = arith.constant 0 : i32
      %dma_start3A_347 = tpu.memref_slice %arg8[%dma_start3A_330, %dma_start3A_345, %dma_start3A_346] : memref<2x16x1024xf32, #tpu.memory_space<vmem>> -> memref<1x16x1024xf32, #tpu.memory_space<vmem>>
      %dma_start3A_348 = tpu.memref_squeeze %dma_start3A_347 : memref<1x16x1024xf32, #tpu.memory_space<vmem>> -> memref<16x1024xf32, #tpu.memory_space<vmem>>
      tpu.enqueue_dma source(%dma_start3A_348 : memref<16x1024xf32, #tpu.memory_space<vmem>>) target(%dma_start3A_344 : memref<16x1024xf32, #tpu.memory_space<hbm>>) target_semaphore(%dma_start3A_341 : memref<!tpu.dma_semaphore, #tpu.memory_space<semaphore_mem>>)
      %ge3A_349 = arith.constant 1 : i32
      %ge3A_350 = arith.cmpi sge, %while3A_240, %ge3A_349 : i32
      %convert_element_type3A_351 = arith.extui %ge3A_350 : i1 to i32
      %cond3A_352 = arith.constant 0 : i32
      %cond3A_353 = arith.cmpi ne, %convert_element_type3A_351, %cond3A_352 : i32
      scf.if %cond3A_353 {
        %dma_wait3A_377 = arith.constant 1 : i32
        %dma_wait3A_378 = arith.constant 0 : i32
        %dma_wait3A_379 = arith.constant 0 : i32
        %dma_wait3A_380 = arith.constant 1 : i32
        %dma_wait3A_381 = arith.constant 0 : i32
        %dma_wait3A_382 = arith.constant 0 : i32
        %dma_wait3A_383 = tpu.memref_slice %arg8[%dma_wait3A_377, %dma_wait3A_381, %dma_wait3A_382] : memref<2x16x1024xf32, #tpu.memory_space<vmem>> -> memref<1x16x1024xf32, #tpu.memory_space<vmem>>
        %dma_wait3A_384 = tpu.memref_squeeze %dma_wait3A_383 : memref<1x16x1024xf32, #tpu.memory_space<vmem>> -> memref<16x1024xf32, #tpu.memory_space<vmem>>
        %dma_wait3A_385 = arith.constant 0 : i32
        %dma_wait3A_386 = arith.constant 0 : i32
        %dma_wait3A_387 = tpu.memref_slice %arg5[%dma_wait3A_378, %dma_wait3A_379, %dma_wait3A_385, %dma_wait3A_386] : memref<200x8x32x1024xf32, #tpu.memory_space<hbm>> -> memref<1x1x16x1024xf32, #tpu.memory_space<hbm>>
        %dma_wait3A_388 = tpu.memref_squeeze %dma_wait3A_387 : memref<1x1x16x1024xf32, #tpu.memory_space<hbm>> -> memref<16x1024xf32, #tpu.memory_space<hbm>>
        %dma_wait3A_389 = tpu.memref_slice %arg10[%dma_wait3A_380] : memref<2x!tpu.dma_semaphore, #tpu.memory_space<semaphore_mem>> -> memref<1x!tpu.dma_semaphore, #tpu.memory_space<semaphore_mem>>
        %dma_wait3A_390 = tpu.memref_squeeze %dma_wait3A_389 : memref<1x!tpu.dma_semaphore, #tpu.memory_space<semaphore_mem>> -> memref<!tpu.dma_semaphore, #tpu.memory_space<semaphore_mem>>
        %dma_wait3A_391 = arith.constant 0 : i32
        %dma_wait3A_392 = arith.constant 0 : i32
        %dma_wait3A_393 = tpu.memref_slice %arg5[%dma_wait3A_378, %dma_wait3A_379, %dma_wait3A_391, %dma_wait3A_392] : memref<200x8x32x1024xf32, #tpu.memory_space<hbm>> -> memref<1x1x16x1024xf32, #tpu.memory_space<hbm>>
        %dma_wait3A_394 = tpu.memref_squeeze %dma_wait3A_393 : memref<1x1x16x1024xf32, #tpu.memory_space<hbm>> -> memref<16x1024xf32, #tpu.memory_space<hbm>>
        %dma_wait3A_395 = arith.constant 0 : i32
        %dma_wait3A_396 = arith.constant 0 : i32
        %dma_wait3A_397 = tpu.memref_slice %arg8[%dma_wait3A_377, %dma_wait3A_395, %dma_wait3A_396] : memref<2x16x1024xf32, #tpu.memory_space<vmem>> -> memref<1x16x1024xf32, #tpu.memory_space<vmem>>
        %dma_wait3A_398 = tpu.memref_squeeze %dma_wait3A_397 : memref<1x16x1024xf32, #tpu.memory_space<vmem>> -> memref<16x1024xf32, #tpu.memory_space<vmem>>
        tpu.wait_dma2 semaphore(%dma_wait3A_390 : memref<!tpu.dma_semaphore, #tpu.memory_space<semaphore_mem>>) src(%dma_wait3A_398 : memref<16x1024xf32, #tpu.memory_space<vmem>>) dst(%dma_wait3A_394 : memref<16x1024xf32, #tpu.memory_space<hbm>>)
      } else {
      }
      %parallel_loop3A_354 = arith.constant 0 : i32
      %parallel_loop3A_355 = arith.constant 128 : i32
      %parallel_loop3A_356 = arith.constant 1 : i32
      scf.for %parallel_loop3A_377 = %parallel_loop3A_354 to %parallel_loop3A_355 step %parallel_loop3A_356  : i32 {
        %parallel_loop3A_378 = arith.constant 3 : i32
        %parallel_loop3A_379 = arith.shrsi %parallel_loop3A_377, %parallel_loop3A_378 : i32
        %parallel_loop3A_380 = arith.constant 16 : i32
        %parallel_loop3A_381 = arith.addi %parallel_loop3A_380, %parallel_loop3A_379 : i32
        %parallel_loop3A_382 = arith.constant 7 : i32
        %parallel_loop3A_383 = arith.andi %parallel_loop3A_377, %parallel_loop3A_382 : i32
        %parallel_loop3A_384 = arith.constant 16 : i32
        %parallel_loop3A_385 = arith.muli %parallel_loop3A_383, %parallel_loop3A_384 : i32
        %parallel_loop3A_386 = arith.index_cast %select_n3A_270 : i32 to index
        %parallel_loop3A_387 = arith.index_cast %parallel_loop3A_381 : i32 to index
        %parallel_loop3A_388 = arith.index_cast %parallel_loop3A_385 : i32 to index
        %parallel_loop3A_389 = tpu.vector_load %arg7[%parallel_loop3A_386, %parallel_loop3A_387, %parallel_loop3A_388] {strides = array<i32>} : memref<3x32x128xi32, #tpu.memory_space<vmem>>, vector<16xi32>,
        %parallel_loop3A_390 = arith.index_cast %select_n3A_252 : i32 to index
        %parallel_loop3A_391 = arith.index_cast %parallel_loop3A_381 : i32 to index
        %parallel_loop3A_392 = arith.index_cast %parallel_loop3A_385 : i32 to index
        %parallel_loop3A_393 = tpu.vector_load %arg7[%parallel_loop3A_390, %parallel_loop3A_391, %parallel_loop3A_392] {strides = array<i32>} : memref<3x32x128xi32, #tpu.memory_space<vmem>>, vector<16xi32>,
        %parallel_loop3A_394 = arith.muli %parallel_loop3A_393, %add3A_322 : vector<16xi32>
        %parallel_loop3A_395 = arith.addi %parallel_loop3A_394, %parallel_loop3A_389 : vector<16xi32>
        %parallel_loop3A_396 = arith.constant 8191 : i32
        %parallel_loop3A_397 = vector.broadcast %parallel_loop3A_396 : i32 to vector<16xi32>
        %parallel_loop3A_398 = arith.andi %parallel_loop3A_395, %parallel_loop3A_397 : vector<16xi32>
        %parallel_loop3A_399 = arith.constant 7 : i32
        %parallel_loop3A_400 = vector.broadcast %parallel_loop3A_399 : i32 to vector<16xi32>
        %parallel_loop3A_401 = arith.shrsi %parallel_loop3A_398, %parallel_loop3A_400 : vector<16xi32>
        %parallel_loop3A_402 = arith.constant 10 : i32
        %parallel_loop3A_403 = vector.broadcast %parallel_loop3A_402 : i32 to vector<16xi32>
        %parallel_loop3A_404 = arith.shli %parallel_loop3A_401, %parallel_loop3A_403 : vector<16xi32>
        %parallel_loop3A_405 = arith.constant 127 : i32
        %parallel_loop3A_406 = vector.broadcast %parallel_loop3A_405 : i32 to vector<16xi32>
        %parallel_loop3A_407 = arith.andi %parallel_loop3A_398, %parallel_loop3A_406 : vector<16xi32>
        %parallel_loop3A_408 = arith.ori %parallel_loop3A_404, %parallel_loop3A_407 : vector<16xi32>
        %parallel_loop3A_409 = arith.constant 0 : i32
        %parallel_loop3A_410 = vector.broadcast %parallel_loop3A_409 : i32 to vector<16xi32>
        %parallel_loop3A_411 = arith.addi %parallel_loop3A_408, %parallel_loop3A_410 : vector<16xi32>
        %parallel_loop3A_412 = tpu.vector_load_idx %arg6[%parallel_loop3A_411] : memref<65536xf32, #tpu.memory_space<vmem>>[vector<16xi32>], vector<16xf32>,
        %parallel_loop3A_413 = arith.constant 0 : i32
        %parallel_loop3A_414 = arith.addi %parallel_loop3A_413, %parallel_loop3A_385 : i32
        %parallel_loop3A_415 = arith.constant 1 : i32
        %parallel_loop3A_416 = arith.index_cast %parallel_loop3A_415 : i32 to index
        %parallel_loop3A_417 = arith.index_cast %parallel_loop3A_379 : i32 to index
        %parallel_loop3A_418 = arith.index_cast %parallel_loop3A_414 : i32 to index
        %parallel_loop3A_419 = tpu.vector_load %arg8[%parallel_loop3A_416, %parallel_loop3A_417, %parallel_loop3A_418] {strides = array<i32>} : memref<2x16x1024xf32, #tpu.memory_space<vmem>>, vector<16xf32>,
        tpu.vector_store %arg8[%parallel_loop3A_416, %parallel_loop3A_417, %parallel_loop3A_418], %parallel_loop3A_412 {strides = array<i32>} : memref<2x16x1024xf32, #tpu.memory_space<vmem>>, vector<16xf32>,
        %parallel_loop3A_420 = arith.constant 128 : i32
        %parallel_loop3A_421 = vector.broadcast %parallel_loop3A_420 : i32 to vector<16xi32>
        %parallel_loop3A_422 = arith.addi %parallel_loop3A_408, %parallel_loop3A_421 : vector<16xi32>
        %parallel_loop3A_423 = tpu.vector_load_idx %arg6[%parallel_loop3A_422] : memref<65536xf32, #tpu.memory_space<vmem>>[vector<16xi32>], vector<16xf32>,
        %parallel_loop3A_424 = arith.constant 128 : i32
        %parallel_loop3A_425 = arith.addi %parallel_loop3A_424, %parallel_loop3A_385 : i32
        %parallel_loop3A_426 = arith.constant 1 : i32
        %parallel_loop3A_427 = arith.index_cast %parallel_loop3A_426 : i32 to index
        %parallel_loop3A_428 = arith.index_cast %parallel_loop3A_379 : i32 to index
        %parallel_loop3A_429 = arith.index_cast %parallel_loop3A_425 : i32 to index
        %parallel_loop3A_430 = tpu.vector_load %arg8[%parallel_loop3A_427, %parallel_loop3A_428, %parallel_loop3A_429] {strides = array<i32>} : memref<2x16x1024xf32, #tpu.memory_space<vmem>>, vector<16xf32>,
        tpu.vector_store %arg8[%parallel_loop3A_427, %parallel_loop3A_428, %parallel_loop3A_429], %parallel_loop3A_423 {strides = array<i32>} : memref<2x16x1024xf32, #tpu.memory_space<vmem>>, vector<16xf32>,
        %parallel_loop3A_431 = arith.constant 256 : i32
        %parallel_loop3A_432 = vector.broadcast %parallel_loop3A_431 : i32 to vector<16xi32>
        %parallel_loop3A_433 = arith.addi %parallel_loop3A_408, %parallel_loop3A_432 : vector<16xi32>
        %parallel_loop3A_434 = tpu.vector_load_idx %arg6[%parallel_loop3A_433] : memref<65536xf32, #tpu.memory_space<vmem>>[vector<16xi32>], vector<16xf32>,
        %parallel_loop3A_435 = arith.constant 256 : i32
        %parallel_loop3A_436 = arith.addi %parallel_loop3A_435, %parallel_loop3A_385 : i32
        %parallel_loop3A_437 = arith.constant 1 : i32
        %parallel_loop3A_438 = arith.index_cast %parallel_loop3A_437 : i32 to index
        %parallel_loop3A_439 = arith.index_cast %parallel_loop3A_379 : i32 to index
        %parallel_loop3A_440 = arith.index_cast %parallel_loop3A_436 : i32 to index
        %parallel_loop3A_441 = tpu.vector_load %arg8[%parallel_loop3A_438, %parallel_loop3A_439, %parallel_loop3A_440] {strides = array<i32>} : memref<2x16x1024xf32, #tpu.memory_space<vmem>>, vector<16xf32>,
        tpu.vector_store %arg8[%parallel_loop3A_438, %parallel_loop3A_439, %parallel_loop3A_440], %parallel_loop3A_434 {strides = array<i32>} : memref<2x16x1024xf32, #tpu.memory_space<vmem>>, vector<16xf32>,
        %parallel_loop3A_442 = arith.constant 384 : i32
        %parallel_loop3A_443 = vector.broadcast %parallel_loop3A_442 : i32 to vector<16xi32>
        %parallel_loop3A_444 = arith.addi %parallel_loop3A_408, %parallel_loop3A_443 : vector<16xi32>
        %parallel_loop3A_445 = tpu.vector_load_idx %arg6[%parallel_loop3A_444] : memref<65536xf32, #tpu.memory_space<vmem>>[vector<16xi32>], vector<16xf32>,
        %parallel_loop3A_446 = arith.constant 384 : i32
        %parallel_loop3A_447 = arith.addi %parallel_loop3A_446, %parallel_loop3A_385 : i32
        %parallel_loop3A_448 = arith.constant 1 : i32
        %parallel_loop3A_449 = arith.index_cast %parallel_loop3A_448 : i32 to index
        %parallel_loop3A_450 = arith.index_cast %parallel_loop3A_379 : i32 to index
        %parallel_loop3A_451 = arith.index_cast %parallel_loop3A_447 : i32 to index
        %parallel_loop3A_452 = tpu.vector_load %arg8[%parallel_loop3A_449, %parallel_loop3A_450, %parallel_loop3A_451] {strides = array<i32>} : memref<2x16x1024xf32, #tpu.memory_space<vmem>>, vector<16xf32>,
        tpu.vector_store %arg8[%parallel_loop3A_449, %parallel_loop3A_450, %parallel_loop3A_451], %parallel_loop3A_445 {strides = array<i32>} : memref<2x16x1024xf32, #tpu.memory_space<vmem>>, vector<16xf32>,
        %parallel_loop3A_453 = arith.constant 512 : i32
        %parallel_loop3A_454 = vector.broadcast %parallel_loop3A_453 : i32 to vector<16xi32>
        %parallel_loop3A_455 = arith.addi %parallel_loop3A_408, %parallel_loop3A_454 : vector<16xi32>
        %parallel_loop3A_456 = tpu.vector_load_idx %arg6[%parallel_loop3A_455] : memref<65536xf32, #tpu.memory_space<vmem>>[vector<16xi32>], vector<16xf32>,
        %parallel_loop3A_457 = arith.constant 512 : i32
        %parallel_loop3A_458 = arith.addi %parallel_loop3A_457, %parallel_loop3A_385 : i32
        %parallel_loop3A_459 = arith.constant 1 : i32
        %parallel_loop3A_460 = arith.index_cast %parallel_loop3A_459 : i32 to index
        %parallel_loop3A_461 = arith.index_cast %parallel_loop3A_379 : i32 to index
        %parallel_loop3A_462 = arith.index_cast %parallel_loop3A_458 : i32 to index
        %parallel_loop3A_463 = tpu.vector_load %arg8[%parallel_loop3A_460, %parallel_loop3A_461, %parallel_loop3A_462] {strides = array<i32>} : memref<2x16x1024xf32, #tpu.memory_space<vmem>>, vector<16xf32>,
        tpu.vector_store %arg8[%parallel_loop3A_460, %parallel_loop3A_461, %parallel_loop3A_462], %parallel_loop3A_456 {strides = array<i32>} : memref<2x16x1024xf32, #tpu.memory_space<vmem>>, vector<16xf32>,
        %parallel_loop3A_464 = arith.constant 640 : i32
        %parallel_loop3A_465 = vector.broadcast %parallel_loop3A_464 : i32 to vector<16xi32>
        %parallel_loop3A_466 = arith.addi %parallel_loop3A_408, %parallel_loop3A_465 : vector<16xi32>
        %parallel_loop3A_467 = tpu.vector_load_idx %arg6[%parallel_loop3A_466] : memref<65536xf32, #tpu.memory_space<vmem>>[vector<16xi32>], vector<16xf32>,
        %parallel_loop3A_468 = arith.constant 640 : i32
        %parallel_loop3A_469 = arith.addi %parallel_loop3A_468, %parallel_loop3A_385 : i32
        %parallel_loop3A_470 = arith.constant 1 : i32
        %parallel_loop3A_471 = arith.index_cast %parallel_loop3A_470 : i32 to index
        %parallel_loop3A_472 = arith.index_cast %parallel_loop3A_379 : i32 to index
        %parallel_loop3A_473 = arith.index_cast %parallel_loop3A_469 : i32 to index
        %parallel_loop3A_474 = tpu.vector_load %arg8[%parallel_loop3A_471, %parallel_loop3A_472, %parallel_loop3A_473] {strides = array<i32>} : memref<2x16x1024xf32, #tpu.memory_space<vmem>>, vector<16xf32>,
        tpu.vector_store %arg8[%parallel_loop3A_471, %parallel_loop3A_472, %parallel_loop3A_473], %parallel_loop3A_467 {strides = array<i32>} : memref<2x16x1024xf32, #tpu.memory_space<vmem>>, vector<16xf32>,
        %parallel_loop3A_475 = arith.constant 768 : i32
        %parallel_loop3A_476 = vector.broadcast %parallel_loop3A_475 : i32 to vector<16xi32>
        %parallel_loop3A_477 = arith.addi %parallel_loop3A_408, %parallel_loop3A_476 : vector<16xi32>
        %parallel_loop3A_478 = tpu.vector_load_idx %arg6[%parallel_loop3A_477] : memref<65536xf32, #tpu.memory_space<vmem>>[vector<16xi32>], vector<16xf32>,
        %parallel_loop3A_479 = arith.constant 768 : i32
        %parallel_loop3A_480 = arith.addi %parallel_loop3A_479, %parallel_loop3A_385 : i32
        %parallel_loop3A_481 = arith.constant 1 : i32
        %parallel_loop3A_482 = arith.index_cast %parallel_loop3A_481 : i32 to index
        %parallel_loop3A_483 = arith.index_cast %parallel_loop3A_379 : i32 to index
        %parallel_loop3A_484 = arith.index_cast %parallel_loop3A_480 : i32 to index
        %parallel_loop3A_485 = tpu.vector_load %arg8[%parallel_loop3A_482, %parallel_loop3A_483, %parallel_loop3A_484] {strides = array<i32>} : memref<2x16x1024xf32, #tpu.memory_space<vmem>>, vector<16xf32>,
        tpu.vector_store %arg8[%parallel_loop3A_482, %parallel_loop3A_483, %parallel_loop3A_484], %parallel_loop3A_478 {strides = array<i32>} : memref<2x16x1024xf32, #tpu.memory_space<vmem>>, vector<16xf32>,
        %parallel_loop3A_486 = arith.constant 896 : i32
        %parallel_loop3A_487 = vector.broadcast %parallel_loop3A_486 : i32 to vector<16xi32>
        %parallel_loop3A_488 = arith.addi %parallel_loop3A_408, %parallel_loop3A_487 : vector<16xi32>
        %parallel_loop3A_489 = tpu.vector_load_idx %arg6[%parallel_loop3A_488] : memref<65536xf32, #tpu.memory_space<vmem>>[vector<16xi32>], vector<16xf32>,
        %parallel_loop3A_490 = arith.constant 896 : i32
        %parallel_loop3A_491 = arith.addi %parallel_loop3A_490, %parallel_loop3A_385 : i32
        %parallel_loop3A_492 = arith.constant 1 : i32
        %parallel_loop3A_493 = arith.index_cast %parallel_loop3A_492 : i32 to index
        %parallel_loop3A_494 = arith.index_cast %parallel_loop3A_379 : i32 to index
        %parallel_loop3A_495 = arith.index_cast %parallel_loop3A_491 : i32 to index
        %parallel_loop3A_496 = tpu.vector_load %arg8[%parallel_loop3A_493, %parallel_loop3A_494, %parallel_loop3A_495] {strides = array<i32>} : memref<2x16x1024xf32, #tpu.memory_space<vmem>>, vector<16xf32>,
        tpu.vector_store %arg8[%parallel_loop3A_493, %parallel_loop3A_494, %parallel_loop3A_495], %parallel_loop3A_489 {strides = array<i32>} : memref<2x16x1024xf32, #tpu.memory_space<vmem>>, vector<16xf32>,
      } {sc.loop_unroll_factor = 8 : i64, sc.parallel_access}
      %dma_start3A_357 = arith.constant 1 : i32
      %dma_start3A_358 = arith.constant 16 : i32
      %dma_start3A_359 = arith.constant 1 : i32
      %dma_start3A_360 = arith.constant 0 : i32
      %dma_start3A_361 = arith.constant 0 : i32
      %dma_start3A_362 = tpu.memref_slice %arg8[%dma_start3A_357, %dma_start3A_360, %dma_start3A_361] : memref<2x16x1024xf32, #tpu.memory_space<vmem>> -> memref<1x16x1024xf32, #tpu.memory_space<vmem>>
      %dma_start3A_363 = tpu.memref_squeeze %dma_start3A_362 : memref<1x16x1024xf32, #tpu.memory_space<vmem>> -> memref<16x1024xf32, #tpu.memory_space<vmem>>
      %dma_start3A_364 = arith.constant 0 : i32
      %dma_start3A_365 = tpu.memref_slice %arg5[%add3A_242, %shift_right_arithmetic3A_1, %dma_start3A_358, %dma_start3A_364] : memref<200x8x32x1024xf32, #tpu.memory_space<hbm>> -> memref<1x1x16x1024xf32, #tpu.memory_space<hbm>>
      %dma_start3A_366 = tpu.memref_squeeze %dma_start3A_365 : memref<1x1x16x1024xf32, #tpu.memory_space<hbm>> -> memref<16x1024xf32, #tpu.memory_space<hbm>>
      %dma_start3A_367 = tpu.memref_slice %arg10[%dma_start3A_359] : memref<2x!tpu.dma_semaphore, #tpu.memory_space<semaphore_mem>> -> memref<1x!tpu.dma_semaphore, #tpu.memory_space<semaphore_mem>>
      %dma_start3A_368 = tpu.memref_squeeze %dma_start3A_367 : memref<1x!tpu.dma_semaphore, #tpu.memory_space<semaphore_mem>> -> memref<!tpu.dma_semaphore, #tpu.memory_space<semaphore_mem>>
      %dma_start3A_369 = arith.constant 0 : i32
      %dma_start3A_370 = tpu.memref_slice %arg5[%add3A_242, %shift_right_arithmetic3A_1, %dma_start3A_358, %dma_start3A_369] : memref<200x8x32x1024xf32, #tpu.memory_space<hbm>> -> memref<1x1x16x1024xf32, #tpu.memory_space<hbm>>
      %dma_start3A_371 = tpu.memref_squeeze %dma_start3A_370 : memref<1x1x16x1024xf32, #tpu.memory_space<hbm>> -> memref<16x1024xf32, #tpu.memory_space<hbm>>
      %dma_start3A_372 = arith.constant 0 : i32
      %dma_start3A_373 = arith.constant 0 : i32
      %dma_start3A_374 = tpu.memref_slice %arg8[%dma_start3A_357, %dma_start3A_372, %dma_start3A_373] : memref<2x16x1024xf32, #tpu.memory_space<vmem>> -> memref<1x16x1024xf32, #tpu.memory_space<vmem>>
      %dma_start3A_375 = tpu.memref_squeeze %dma_start3A_374 : memref<1x16x1024xf32, #tpu.memory_space<vmem>> -> memref<16x1024xf32, #tpu.memory_space<vmem>>
      tpu.enqueue_dma source(%dma_start3A_375 : memref<16x1024xf32, #tpu.memory_space<vmem>>) target(%dma_start3A_371 : memref<16x1024xf32, #tpu.memory_space<hbm>>) target_semaphore(%dma_start3A_368 : memref<!tpu.dma_semaphore, #tpu.memory_space<semaphore_mem>>)
      %while3A_376 = arith.constant 0 : i64
      scf.yield %while3A_376 : i64
    }
    %dma_wait3A = arith.constant 0 : i32
    %dma_wait3A_197 = arith.constant 0 : i32
    %dma_wait3A_198 = arith.constant 0 : i32
    %dma_wait3A_199 = arith.constant 0 : i32
    %dma_wait3A_200 = arith.constant 0 : i32
    %dma_wait3A_201 = arith.constant 0 : i32
    %dma_wait3A_202 = tpu.memref_slice %arg8[%dma_wait3A, %dma_wait3A_200, %dma_wait3A_201] : memref<2x16x1024xf32, #tpu.memory_space<vmem>> -> memref<1x16x1024xf32, #tpu.memory_space<vmem>>
    %dma_wait3A_203 = tpu.memref_squeeze %dma_wait3A_202 : memref<1x16x1024xf32, #tpu.memory_space<vmem>> -> memref<16x1024xf32, #tpu.memory_space<vmem>>
    %dma_wait3A_204 = arith.constant 0 : i32
    %dma_wait3A_205 = arith.constant 0 : i32
    %dma_wait3A_206 = tpu.memref_slice %arg5[%dma_wait3A_197, %dma_wait3A_198, %dma_wait3A_204, %dma_wait3A_205] : memref<200x8x32x1024xf32, #tpu.memory_space<hbm>> -> memref<1x1x16x1024xf32, #tpu.memory_space<hbm>>
    %dma_wait3A_207 = tpu.memref_squeeze %dma_wait3A_206 : memref<1x1x16x1024xf32, #tpu.memory_space<hbm>> -> memref<16x1024xf32, #tpu.memory_space<hbm>>
    %dma_wait3A_208 = tpu.memref_slice %arg10[%dma_wait3A_199] : memref<2x!tpu.dma_semaphore, #tpu.memory_space<semaphore_mem>> -> memref<1x!tpu.dma_semaphore, #tpu.memory_space<semaphore_mem>>
    %dma_wait3A_209 = tpu.memref_squeeze %dma_wait3A_208 : memref<1x!tpu.dma_semaphore, #tpu.memory_space<semaphore_mem>> -> memref<!tpu.dma_semaphore, #tpu.memory_space<semaphore_mem>>
    %dma_wait3A_210 = arith.constant 0 : i32
    %dma_wait3A_211 = arith.constant 0 : i32
    %dma_wait3A_212 = tpu.memref_slice %arg5[%dma_wait3A_197, %dma_wait3A_198, %dma_wait3A_210, %dma_wait3A_211] : memref<200x8x32x1024xf32, #tpu.memory_space<hbm>> -> memref<1x1x16x1024xf32, #tpu.memory_space<hbm>>
    %dma_wait3A_213 = tpu.memref_squeeze %dma_wait3A_212 : memref<1x1x16x1024xf32, #tpu.memory_space<hbm>> -> memref<16x1024xf32, #tpu.memory_space<hbm>>
    %dma_wait3A_214 = arith.constant 0 : i32
    %dma_wait3A_215 = arith.constant 0 : i32
    %dma_wait3A_216 = tpu.memref_slice %arg8[%dma_wait3A, %dma_wait3A_214, %dma_wait3A_215] : memref<2x16x1024xf32, #tpu.memory_space<vmem>> -> memref<1x16x1024xf32, #tpu.memory_space<vmem>>
    %dma_wait3A_217 = tpu.memref_squeeze %dma_wait3A_216 : memref<1x16x1024xf32, #tpu.memory_space<vmem>> -> memref<16x1024xf32, #tpu.memory_space<vmem>>
    tpu.wait_dma2 semaphore(%dma_wait3A_209 : memref<!tpu.dma_semaphore, #tpu.memory_space<semaphore_mem>>) src(%dma_wait3A_217 : memref<16x1024xf32, #tpu.memory_space<vmem>>) dst(%dma_wait3A_213 : memref<16x1024xf32, #tpu.memory_space<hbm>>)
    %dma_wait3A_218 = arith.constant 1 : i32
    %dma_wait3A_219 = arith.constant 0 : i32
    %dma_wait3A_220 = arith.constant 0 : i32
    %dma_wait3A_221 = arith.constant 1 : i32
    %dma_wait3A_222 = arith.constant 0 : i32
    %dma_wait3A_223 = arith.constant 0 : i32
    %dma_wait3A_224 = tpu.memref_slice %arg8[%dma_wait3A_218, %dma_wait3A_222, %dma_wait3A_223] : memref<2x16x1024xf32, #tpu.memory_space<vmem>> -> memref<1x16x1024xf32, #tpu.memory_space<vmem>>
    %dma_wait3A_225 = tpu.memref_squeeze %dma_wait3A_224 : memref<1x16x1024xf32, #tpu.memory_space<vmem>> -> memref<16x1024xf32, #tpu.memory_space<vmem>>
    %dma_wait3A_226 = arith.constant 0 : i32
    %dma_wait3A_227 = arith.constant 0 : i32
    %dma_wait3A_228 = tpu.memref_slice %arg5[%dma_wait3A_219, %dma_wait3A_220, %dma_wait3A_226, %dma_wait3A_227] : memref<200x8x32x1024xf32, #tpu.memory_space<hbm>> -> memref<1x1x16x1024xf32, #tpu.memory_space<hbm>>
    %dma_wait3A_229 = tpu.memref_squeeze %dma_wait3A_228 : memref<1x1x16x1024xf32, #tpu.memory_space<hbm>> -> memref<16x1024xf32, #tpu.memory_space<hbm>>
    %dma_wait3A_230 = tpu.memref_slice %arg10[%dma_wait3A_221] : memref<2x!tpu.dma_semaphore, #tpu.memory_space<semaphore_mem>> -> memref<1x!tpu.dma_semaphore, #tpu.memory_space<semaphore_mem>>
    %dma_wait3A_231 = tpu.memref_squeeze %dma_wait3A_230 : memref<1x!tpu.dma_semaphore, #tpu.memory_space<semaphore_mem>> -> memref<!tpu.dma_semaphore, #tpu.memory_space<semaphore_mem>>
    %dma_wait3A_232 = arith.constant 0 : i32
    %dma_wait3A_233 = arith.constant 0 : i32
    %dma_wait3A_234 = tpu.memref_slice %arg5[%dma_wait3A_219, %dma_wait3A_220, %dma_wait3A_232, %dma_wait3A_233] : memref<200x8x32x1024xf32, #tpu.memory_space<hbm>> -> memref<1x1x16x1024xf32, #tpu.memory_space<hbm>>
    %dma_wait3A_235 = tpu.memref_squeeze %dma_wait3A_234 : memref<1x1x16x1024xf32, #tpu.memory_space<hbm>> -> memref<16x1024xf32, #tpu.memory_space<hbm>>
    %dma_wait3A_236 = arith.constant 0 : i32
    %dma_wait3A_237 = arith.constant 0 : i32
    %dma_wait3A_238 = tpu.memref_slice %arg8[%dma_wait3A_218, %dma_wait3A_236, %dma_wait3A_237] : memref<2x16x1024xf32, #tpu.memory_space<vmem>> -> memref<1x16x1024xf32, #tpu.memory_space<vmem>>
    %dma_wait3A_239 = tpu.memref_squeeze %dma_wait3A_238 : memref<1x16x1024xf32, #tpu.memory_space<vmem>> -> memref<16x1024xf32, #tpu.memory_space<vmem>>
    tpu.wait_dma2 semaphore(%dma_wait3A_231 : memref<!tpu.dma_semaphore, #tpu.memory_space<semaphore_mem>>) src(%dma_wait3A_239 : memref<16x1024xf32, #tpu.memory_space<vmem>>) dst(%dma_wait3A_235 : memref<16x1024xf32, #tpu.memory_space<hbm>>)
    return
  }
}

</mosaic_0001>

<sc_bundles>
// kernel: kernel.3.cloned.1.call-start
scs
__scs_entry_jumppad:
0x0: {  	(pc) =	sbr.rel $0x88, $3  }
0x1: {  	(tag) =	ssettag $0x0;
	lr =	simm.s32 $0x1  }
0x2: {  	[smem:$0x3F9E] =	sst lr;
	_ =	strace $0xD0000000  }
0x3: {  	_ = 	snop  }
0x4: {  	_ = 	snop  }
0x5: {  	_ = 	snop  }
0x6: {  	_ = 	snop  }
0x7: {  	_ = 	snop  }
__scs_overlays_trampoline_lowered:
0x8: {  	[smem:$0x3FAD] =	sst s0  }
0x9: {  	[smem:$0x3FAE] =	sst s1  }
0xa: {  	[smem:$0x3FAF] =	sst s2  }
0xb: {  	[smem:$0x3FB0] =	sst s3  }
0xc: {  	[smem:$0x3FB1] =	sst s4  }
0xd: {  	[smem:$0x3FB2] =	sst s5  }
0xe: {  	[smem:$0x3FB3] =	sst s6  }
0xf: {  	[smem:$0x3FB4] =	sst s7  }
0x10: {  	[smem:$0x3FB5] =	sst s8  }
0x11: {  	[smem:$0x3FB6] =	sst s9;
	s0 =	simm.s32 @!p0 $0x0  }
0x12: {  	s1 =	sld [smem:$0x3F9C];
	s0 =	simm.s32 @p0 $0x1  }
0x13: {  	[smem:$0x3FB7] =	sst s0;
	s0 =	simm.s32 @!p1 $0x0  }
0x14: {  	s2 =	sld [smem:$0x3F9B];
	s0 =	simm.s32 @p1 $0x1  }
0x15: {  	[smem:$0x3FB8] =	sst s0;
	s0 =	simm.s32 @!p2 $0x0  }
0x16: {  	s3 =	sld [smem:$0x3FDB];
	s0 =	simm.s32 @p2 $0x1  }
0x17: {  	s4 =	simm.s32 $0x1BF5;
	[smem:$0x3FBA] =	sst s0  }
0x18: {  	s0 =	sld [smem:$0x3F9D];
	_ =	swait.ge [sflag:s4], $0x0  }
0x19: {  	s7 =	sld [smem:$0x3F9E]  }
0x1a: {  	s8 =	sadd.s32 $0xFFFFE003, lr  }
0x1b: {  	s9 =	sadd.s32 $0xFFFFFEF7, lr;
	s5 =	simm.s32 $0xFFFFFFFF;
	p2 =	slt.u32 s8, $0xFFFFF086  }
0x1c: {  	p1 =	slt.u32 s9, $0xF7A;
	s5 =	simm.s32 @!p2 $0x0  }
0x1d: {  	s5 =	simm.s32 @p1 $0x1;
	p0 =	seq.s32 s7, s2  }
0x1e: {  	s7 =	smul.u32 @!p0 $0xF7A, s2;
	p2 =	seq.s32 @!p0 s5, $0x0  }
0x1f: {  	s9 =	smul.u32 $0xF7A, s1;
	s8 =	simm.s32 @!p0 $0x1BF5;
	p2 =	por !p2, p0  }
0x20: {  	[sflag:s8] =	ssyncset.s32 @!p0 $0xFFFFF086;
	s6 =	sadd.s32 @!p0 s3, s7;
	s7 =	simm.s32 @!p0 $0x108  }
0x21: {  	s3 =	sadd.s32 s3, s9;
	s6 =	sadd.s32 @!p0 $0x88, s6;
	s7 =	simm.s32 @p2 $0x1082  }
0x22: {  	[simem:s7], [sflag:s8] =	dma.local @!p0 [hbm:s6], $0xF7A  }
0x23: {  	s9 =	sor.u32 $0xD0000000, s2;
	s6 =	simm.s32 $0x108;
	_ =	swait.ge @!p0 [sflag:s8], $0x0  }
0x24: {  	s3 =	sadd.s32 $0x88, s3;
	s6 =	simm.s32 @!p1 $0x1082;
	[sflag:s4] =	ssyncset.s32 $0xFFFFF086  }
0x25: {  	[simem:s6], [sflag:s4] =	dma.local [hbm:s3], $0xF7A  }
0x26: {  	[smem:$0x3F9E] =	sst s1;
	(tag) =	ssettag s2;
	_ =	strace s9  }
0x27: {  	s1 =	sld [smem:$0x3FAE]  }
0x28: {  	s2 =	sld [smem:$0x3FAF]  }
0x29: {  	s4 =	sld [smem:$0x3FB1]  }
0x2a: {  	p0 =	seq.s32 s5, $0x0;
	s5 =	sld [smem:$0x3FB2]  }
0x2b: {  	s6 =	sld [smem:$0x3FB3]  }
0x2c: {  	s7 =	sld [smem:$0x3FB4]  }
0x2d: {  	s3 =	simm.s32 $0x108;
	s8 =	sld [smem:$0x3FB5]  }
0x2e: {  	s3 =	simm.s32 @!p0 $0x1082;
	s9 =	sld [smem:$0x3FB6]  }
0x2f: {  	lr =	sadd.s32 s0, s3;
	s0 =	sld [smem:$0x3FAD]  }
0x30: {  	s3 =	sld [smem:$0x3FB0]  }
0x31: {  	[smem:$0x3FB9] =	sst s10  }
0x32: {  	s10 =	sld [smem:$0x3FB7];
	_ =	sdelay $0x3  }
0x33: {  	p0 =	seq.s32 s10, $0x1;
	s10 =	sld [smem:$0x3FB9];
	_ =	sdelay $0x3  }
0x34: {  	[smem:$0x3FB9] =	sst s10  }
0x35: {  	s10 =	sld [smem:$0x3FB8];
	_ =	sdelay $0x3  }
0x36: {  	p1 =	seq.s32 s10, $0x1;
	s10 =	sld [smem:$0x3FB9];
	_ =	sdelay $0x3  }
0x37: {  	[smem:$0x3FB9] =	sst s10  }
0x38: {  	s10 =	sld [smem:$0x3FBA]  }
0x39: {  	_ = 	snop;
	(pc) =	sbr.ind lr, $3  }
0x3a: {  	_ = 	snop  }
0x3b: {  	_ = 	snop  }
0x3c: {  	p2 =	seq.s32 s10, $0x1;
	s10 =	sld [smem:$0x3FB9]  }
0x3d: {  	_ =	shalt  }
0x3e: {  	_ =	shalt  }
0x3f: {  	_ =	shalt  }
0x40: {  	_ =	shalt  }
0x41: {  	_ =	shalt  }
0x42: {  	_ =	shalt  }
0x43: {  	_ =	shalt  }
0x44: {  	_ =	shalt  }
0x45: {  	_ =	shalt  }
0x46: {  	_ =	shalt  }
0x47: {  	_ =	shalt  }
0x48: {  	_ =	shalt  }
0x49: {  	_ =	shalt  }
0x4a: {  	_ =	shalt  }
0x4b: {  	_ =	shalt  }
0x4c: {  	_ =	shalt  }
0x4d: {  	_ =	shalt  }
0x4e: {  	_ =	shalt  }
0x4f: {  	_ =	shalt  }
0x50: {  	_ =	shalt  }
0x51: {  	_ =	shalt  }
0x52: {  	_ =	shalt  }
0x53: {  	_ =	shalt  }
0x54: {  	_ =	shalt  }
0x55: {  	_ =	shalt  }
0x56: {  	_ =	shalt  }
0x57: {  	_ =	shalt  }
0x58: {  	_ =	shalt  }
0x59: {  	_ =	shalt  }
0x5a: {  	_ =	shalt  }
0x5b: {  	_ =	shalt  }
0x5c: {  	_ =	shalt  }
0x5d: {  	_ =	shalt  }
0x5e: {  	_ =	shalt  }
0x5f: {  	_ =	shalt  }
0x60: {  	_ =	shalt  }
0x61: {  	_ =	shalt  }
0x62: {  	_ =	shalt  }
0x63: {  	_ =	shalt  }
0x64: {  	_ =	shalt  }
0x65: {  	_ =	shalt  }
0x66: {  	_ =	shalt  }
0x67: {  	_ =	shalt  }
0x68: {  	_ =	shalt  }
0x69: {  	_ =	shalt  }
0x6a: {  	_ =	shalt  }
0x6b: {  	_ =	shalt  }
0x6c: {  	_ =	shalt  }
0x6d: {  	_ =	shalt  }
0x6e: {  	_ =	shalt  }
0x6f: {  	_ =	shalt  }
0x70: {  	_ =	shalt  }
0x71: {  	_ =	shalt  }
0x72: {  	_ =	shalt  }
0x73: {  	_ =	shalt  }
0x74: {  	_ =	shalt  }
0x75: {  	_ =	shalt  }
0x76: {  	_ =	shalt  }
0x77: {  	_ =	shalt  }
0x78: {  	_ =	shalt  }
0x79: {  	_ =	shalt  }
0x7a: {  	_ =	shalt  }
0x7b: {  	_ =	shalt  }
0x7c: {  	_ =	shalt  }
0x7d: {  	_ =	shalt  }
0x7e: {  	_ =	shalt  }
0x7f: {  	_ =	shalt  }
0x80: {  	_ =	shalt  }
0x81: {  	_ =	shalt  }
0x82: {  	_ =	shalt  }
0x83: {  	_ =	shalt  }
0x84: {  	_ =	shalt  }
0x85: {  	_ =	shalt  }
0x86: {  	_ =	shalt  }
0x87: {  	_ =	shalt  }
.Lfunc_end0:
.L_simem_size_0:
called_computation_lowered:
.L_overlay_start_0:
0x88: {  	s2 =	sld [smem:$0x3FD9]  }
0x89: {  	s3 =	sld [smem:$0x3FFE];
	_ =	sdelay $0x1  }
0x8a: {  	s1 =	srdreg.scid  }
0x8b: {  	s0 =	sand.u32 $0x1, s1  }
0x8c: {  	s17 =	sshll.u32 s0, $0xA;
	s2 =	sadd.s32 s3, s2  }
0x8d: {  	s2 =	sadd.s32 s2, s17  }
0x8e: {  	[smem:$0x3FC5] =	sst s2  }
0x8f: {  	_ = 	snop  }
0x90: {  	s2 =	sld [smem:$0x3FC7]  }
0x91: {  	s18 =	sld [smem:$0x3FD0];
	(tm) =	ssettm $0x1  }
0x92: {  	s4 =	sld [smem:$0x3FFB];
	_ =	sdelay $0x3  }
0x93: {  	_ =	strace s4  }
0x94: {  	s4 =	sld [smem:$0x3FFC];
	_ =	sdelay $0x3  }
0x95: {  	_ =	strace s4  }
0x96: {  	s4 =	sld [smem:$0x3FFD];
	_ =	sdelay $0x3  }
0x97: {  	_ =	strace s4  }
0x98: {  	_ =	strace $0x8FFFFFFF  }
0x99: {  	s19 =	sld [smem:$0x3FDB];
	_ =	sdelay $0x1  }
0x9a: {  	s5 =	simm.s32 $_scs_section_size  }
0x9b: {  	s6 =	simm.s32 $_size__tile_overlayer_lowered;
	s7 =	simm.s32 $_tile_overlayer_lowered  }
0x9c: {  	s22 =	simm.s32 $0x1BFF;
	s21 =	sshll.u32 s7, $0x1;
	s4 =	sadd.s32 s5, s19  }
0x9d: {  	s8 =	simm.s32 $0x0;
	s20 =	sshll.u32 s6, $0x1;
	s6 =	sadd.s32 s21, s4  }
0x9e: {  	[timem:s8], [sflag:s22] =	dma.local [hbm:s6], s20  }
0x9f: {  	_ =	swait.ge [sflag:s22], s20  }
0xa0: {  	s5 =	ssub.s32 $0x0, s20;
	[sflag:s22] =	ssyncset.done $0x0  }
0xa1: {  	[sflag:s22] =	ssyncadd.s32 s5;
	_ =	sdelay $0x1  }
0xa2: {  	s23 =	simm.s32 $0x1B8B  }
0xa3: {  	_ =	swait.ge [sflag:s23], $0x1  }
0xa4: {  	[sflag:s23] =	ssyncset.done $0x0  }
0xa5: {  	s25 =	simm.s32 $0x1B8E;
	s24 =	sld [smem:$0x3FFE];
	[sflag:s23] =	ssyncadd.s32 $0xFFFFFFFF  }
0xa6: {  	s26 =	simm.s32 $execute0_lowered;
	[smem:$0x3FD2] =	sst s25  }
0xa7: {  	s6 =	sshll.u32 s26, $0x1;
	_ =	strace $0x80000046;
	[dreg:$0x1] =	wrdreg $0xFFFFFFFF  }
0xa8: {  	s28 =	simm.s32 $_size_execute0_lowered;
	s4 =	sadd.s32 s4, s6;
	[dreg:$0x0] =	wrdreg $0x0  }
0xa9: {  	s6 =	sshll.u32 s28, $0x1;
	[dreg:$0x2] =	wrdreg s4  }
0xaa: {  	[dreg:$0x3] =	wrdreg s6  }
0xab: {  	[dreg:$0x4] =	wrdreg $0xC0  }
0xac: {  	_ =	task [dreg:s8], $0x5FFFF  }
0xad: {  	[dreg:$0x1] =	wrdreg $0xFFFFFFFF  }
0xae: {  	[dreg:$0x0] =	wrdreg $0x60  }
0xaf: {  	[dreg:$0x2] =	wrdreg s24  }
0xb0: {  	[dreg:$0x3] =	wrdreg s2  }
0xb1: {  	[dreg:$0x4] =	wrdreg s18  }
0xb2: {  	[dreg:$0x5] =	wrdreg $0x9  }
0xb3: {  	_ =	task.clear_ibuf [dreg:s8], $0x6FFFF;
	_ =	strace $0x90000046  }
0xb4: {  	s29 =	simm.s32 $0x9;
	_ =	strace $0x80000048  }
0xb5: {  	_ =	swait.ge [sflag:s29], $0x1  }
0xb6: {  	[sflag:s29] =	ssyncadd.s32 $0xFFFFFFFF  }
0xb7: {  	_ =	strace $0x90000048  }
0xb8: {  	_ =	sfence  }
0xb9: {  	s30 =	sld [smem:$0x0];
	_ =	sdelay $0x2  }
0xba: {  	s31 =	sshll.u32 s1, $0xD;
	s1 =	sshrl.u32 s1, $0x2  }
0xbb: {  	s3 =	sand.u32 $0x4000, s31;
	s1 =	sadd.s32 s1, s30  }
0xbc: {  	s0 =	sor.u32 s3, s0;
	s1 =	sshll.u32 s1, $0x11  }
0xbd: {  	s0 =	sor.u32 s1, s0  }
0xbe: {  	s0 =	sadd.s32 $0x8F2B, s0  }
0xbf: {  	[sflag:s0] =	ssyncadd.remote.s32 $0x1  }
0xc0: {  	_ =	sfence.sel $0xFFFF  }
0xc1: {  	[dreg:$0x0] =	wrdreg $0xFFFFFFFF;
	(pc) =	sbr.abs _section_cstart, $3  }
0xc2: {  	[dreg:$0x1] =	wrdreg $0xFFFFFFFF  }
0xc3: {  	_ =	task.clear_ibuf [dreg:s8], $0x2FFFF;
	_ =	strace $0x9FFFFFFF  }
0xc4: {  	(tm) =	ssettm $0x7FFFFFFF  }
0xc5: {  	_ =	shalt  }
tec
execute0_lowered:
.L_overlay_start_1:
0x0: {  	(tag) =	ssettag $0x1  }
0x1: {  	s0 =	rddreg [dreg:$0x0]  }
0x2: {  	s11 =	stileid.u32;
	s1 =	srdreg.scid  }
0x3: {  	s3 =	rddreg [dreg:$0x2];
	s4 =	simm.s32 $0x0;
	s13 =	simm.s32 $0x4  }
0x4: {  	s14 =	simm.s32 $0x1B000;
	s17 =	simm.s32 $0x11000;
	s18 =	simm.s32 $0x3  }
0x5: {  	s19 =	simm.s32 $0x13000;
	s20 =	simm.s32 $0x17000;
	s21 =	simm.s32 $0x1  }
0x6: {  	s2 =	sshll.u32 s11, $0x1;
	s10 =	sshrl.u32 s11, $0x1;
	s11 =	sshll.u32 s11, $0x2  }
0x7: {  	v1 =	vimm.s32 $0x0;
	vm0 =	vcmask $0x300;
	s22 =	simm.s32 $0x2;
	s23 =	simm.s32 $0x0;
	s1 =	sand.u32 $0x1, s1;
	v0 =	vmov s11  }
0x8: {  	[smem:$0x7FF] =	sst s4;
	s6 =	sadd.s32 $0x10400, s0;
	v1 =	vsel vm0, $0x3, v1;
	s2 =	sand.u32 $0x2, s2;
	v0 =	vshrl.u32 v0, $0x3  }
0x9: {  	_ =	strace $0x80000047;
	s7 =	sshll.u32 s10, $0xD;
	s2 =	sor.u32 s1, s2;
	v6 =	vshll.u32 v0, v1  }
0xa: {  	s10 =	sshll.u32 s10, $0xC;
	s0 =	sadd.s32 s7, s0;
	s5 =	smul.u32 $0x32, s2;
	v1 =	vadd.s32 $0x1, v6;
	v0 =	vbroadcast v6, $0x0  }
0xb: {  	s1 =	ssub.s32 $0x2, s1;
	s9 =	smul.u32 $0x32000, s2;
	s29 =	sshll.u32 s2, $0x8;
	v2 =	vadd.s32 $0x2, v6;
	v59 =	vbroadcast v1, $0x0  }
0xc: {  	s12 =	sshrl.u32 s1, $0x1;
	p0 =	seq.s32 s2, $0x0;
	v3 =	vadd.s32 $0x3, v6;
	s28 =	sadd.s32 $0xFFFFFFFF, s5;
	v60 =	vbroadcast v2, $0x0;
	[tilespmem:$0x1FFA0] =	vst v0  }
0xd: {  	v4 =	vadd.s32 $0x4, v6;
	s9 =	sand.u32 $0xF8000, s9;
	v61 =	vbroadcast v3, $0x0;
	s8 =	sshll.u32 s28, $0xC;
	s7 =	sshll.u32 s28, $0x7;
	[tilespmem:$0x1FFB0] =	vst v59  }
0xe: {  	v5 =	vadd.s32 $0x5, v6;
	v62 =	vbroadcast v4, $0x0;
	s30 =	sor.u32 s29, s9;
	s8 =	sand.u32 $0xFFFF8000, s8;
	s7 =	sand.u32 $0x380, s7;
	[tilespmem:$0x1FFC0] =	vst v60  }
0xf: {  	s1 =	ssub.s32 s1, s12;
	v63 =	vbroadcast v5, $0x0;
	s11 =	sshrl.u32 s30, $0x3;
	[tilespmem:$0x1FFD0] =	vst v61;
	s7 =	sor.u32 s7, s8  }
0x10: {  	v7 =	vadd.s32 $0x6, v6;
	v8 =	vadd.s32 $0x7, v6;
	s12 =	smax.u32 s1, $0x1;
	[tilespmem:$0x1FFE0] =	vst v62;
	s9 =	sadd.s32 s6, s11;
	s31 =	sshrl.u32 s7, $0x3  }
0x11: {  	v6 =	vbroadcast v7, $0x0;
	v7 =	vbroadcast v8, $0x0;
	[tilespmem:$0x1FFF0] =	vst v63;
	s11 =	sadd.s32 $0x800, s3;
	s7 =	sadd.s32 $0x400, s0;
	s8 =	sadd.s32 s6, s31  }
.LBB2_1:
0x12: {  	[tilespmem:s4], [sflag:$0x4] =	stream.linear.gather [hbm4b:s7+s4], $0x10000, $0x38;
	[tilespmem:$0x1B040] =	vst v63  }
0x13: {  	_ =	swait.ge [sflag:s13], $0x10000  }
0x14: {  	[sflag:s13] =	ssyncset.done $0x0  }
0x15: {  	[sflag:s13] =	ssyncadd.s32 $0xFFFF0000  }
0x16: {  	s0 =	rddreg [dreg:$0x1]  }
0x17: {  	[tilespmem:s14], [sflag:$0x4] =	stream.linear.gather [hbm4b:s0+s4], $0x40, $0x38;
	[tilespmem:$0x1B040] =	vst v63  }
0x18: {  	_ =	swait.ge [sflag:s13], $0x40  }
0x19: {  	v0 =	vld [tilespmem:$0x1FFA0];
	_ =	sdelay $0x5  }
0x1a: {  	[sflag:s13] =	ssyncset.done $0x0  }
0x1b: {  	[sflag:s13] =	ssyncadd.s32 $0xFFFFFFC0  }
0x1c: {  	v8 =	vld.idx.msk [tilespmem:v0+s14+$0x0], $0xffff;
	_ =	sdelay $0x4  }
0x1d: {  	v57 =	vld [tilespmem:$0x1FFB0];
	v8 =	vsub.f32 $0.0e+00, v8;
	_ =	sdelay $0x1  }
0x1e: {  	v8 =	vmul.f32 $1.442695020e+00, v8;
	_ =	sdelay $0x1  }
0x1f: {  	(erf) = vpow2.f32 v8;
	_ =	sdelay $0x3  }
0x20: {  	v8 =	vld.idx.msk [tilespmem:v57+s14+$0x0], $0xffff;
	_ =	sdelay $0x4  }
0x21: {  	v58 =	vld [tilespmem:$0x1FFC0];
	v8 =	vsub.f32 $0.0e+00, v8;
	v9 =	vpop (erf)  }
0x22: {  	v9 =	vadd.f32 $1.000000000e+00, v9  }
0x23: {  	v8 =	vmul.f32 $1.442695020e+00, v8  }
0x24: {  	(erf) = vrcp.f32 v9  }
0x25: {  	(erf) = vpow2.f32 v8;
	_ =	sdelay $0x3  }
0x26: {  	v9 =	vld.idx.msk [tilespmem:v58+s14+$0x0], $0xffff;
	_ =	sdelay $0x3  }
0x27: {  	v8 =	vpop (erf)  }
0x28: {  	v59 =	vld [tilespmem:$0x1FFD0];
	v9 =	vsub.f32 $0.0e+00, v9;
	v10 =	vpop (erf)  }
0x29: {  	v10 =	vadd.f32 $1.000000000e+00, v10  }
0x2a: {  	v9 =	vmul.f32 $1.442695020e+00, v9  }
0x2b: {  	(erf) = vrcp.f32 v10  }
0x2c: {  	(erf) = vpow2.f32 v9;
	_ =	sdelay $0x3  }
0x2d: {  	v10 =	vld.idx.msk [tilespmem:v59+s14+$0x0], $0xffff;
	_ =	sdelay $0x3  }
0x2e: {  	v9 =	vpop (erf)  }
0x2f: {  	v60 =	vld [tilespmem:$0x1FFE0];
	v10 =	vsub.f32 $0.0e+00, v10;
	v11 =	vpop (erf)  }
0x30: {  	v11 =	vadd.f32 $1.000000000e+00, v11  }
0x31: {  	v10 =	vmul.f32 $1.442695020e+00, v10  }
0x32: {  	(erf) = vrcp.f32 v11  }
0x33: {  	(erf) = vpow2.f32 v10;
	_ =	sdelay $0x3  }
0x34: {  	v11 =	vld.idx.msk [tilespmem:v60+s14+$0x0], $0xffff;
	_ =	sdelay $0x3  }
0x35: {  	v10 =	vpop (erf)  }
0x36: {  	v61 =	vld [tilespmem:$0x1FFF0];
	v11 =	vsub.f32 $0.0e+00, v11;
	v12 =	vpop (erf)  }
0x37: {  	v12 =	vadd.f32 $1.000000000e+00, v12  }
0x38: {  	v11 =	vmul.f32 $1.442695020e+00, v11  }
0x39: {  	(erf) = vrcp.f32 v12  }
0x3a: {  	(erf) = vpow2.f32 v11;
	_ =	sdelay $0x3  }
0x3b: {  	v12 =	vld.idx.msk [tilespmem:v61+s14+$0x0], $0xffff;
	_ =	sdelay $0x3  }
0x3c: {  	v11 =	vpop (erf)  }
0x3d: {  	v12 =	vsub.f32 $0.0e+00, v12;
	v13 =	vpop (erf)  }
0x3e: {  	v13 =	vadd.f32 $1.000000000e+00, v13  }
0x3f: {  	v12 =	vmul.f32 $1.442695020e+00, v12  }
0x40: {  	s31 =	simm.s32 $0x0;
	(erf) = vrcp.f32 v13  }
0x41: {  	s24 =	sand.u32 $0x3FFFFC00, s31;
	(erf) = vpow2.f32 v12  }
0x42: {  	v16 =	vld [tilespmem:s24+$0x20]  }
0x43: {  	v17 =	vld [tilespmem:s24+$0x30]  }
0x44: {  	v18 =	vld [tilespmem:s24+$0x40]  }
0x45: {  	v24 =	vld [tilespmem:s24+$0x410]  }
0x46: {  	v25 =	vld [tilespmem:s24+$0x420]  }
0x47: {  	v26 =	vld [tilespmem:s24+$0x430]  }
0x48: {  	v27 =	vld [tilespmem:s24+$0x440]  }
0x49: {  	v28 =	vld [tilespmem:s24+$0x450];
	v12 =	vpop (erf)  }
0x4a: {  	v62 =	vld [tilespmem:s24+$0x110];
	v14 =	vpop (erf)  }
0x4b: {  	v63 =	vld [tilespmem:s24+$0x120];
	v16 =	vmul.f32 v16, v8;
	v14 =	vadd.f32 $1.000000000e+00, v14  }
0x4c: {  	v17 =	vmul.f32 v17, v8;
	v13 =	vld.idx.msk [tilespmem:v6+s14+$0x0], $0xffff  }
0x4d: {  	v24 =	vmul.f32 v24, v8;
	(erf) = vrcp.f32 v14;
	v14 =	vld.idx.msk [tilespmem:v7+s14+$0x0], $0xffff;
	[tilespmem:s24+$0x20] =	vst v16  }
0x4e: {  	v1 =	vld [tilespmem:s24+$0x140];
	v25 =	vmul.f32 v25, v8;
	[tilespmem:s24+$0x30] =	vst v17  }
0x4f: {  	v0 =	vld [tilespmem:s24+$0x130];
	v26 =	vmul.f32 v26, v8;
	[tilespmem:s24+$0x410] =	vst v24  }
0x50: {  	v2 =	vld [tilespmem:s24+$0x150];
	v27 =	vmul.f32 v27, v8;
	[tilespmem:s24+$0x420] =	vst v25  }
0x51: {  	v3 =	vld [tilespmem:s24+$0x4E0];
	v28 =	vmul.f32 v28, v8;
	[tilespmem:s24+$0x430] =	vst v26  }
0x52: {  	v32 =	vld [tilespmem:s24+$0x4F0];
	[tilespmem:s24+$0x440] =	vst v27;
	v24 =	vmul.f32 v62, v10  }
0x53: {  	v33 =	vld [tilespmem:s24+$0x500];
	[tilespmem:s24+$0x450] =	vst v28;
	v25 =	vmul.f32 v63, v10  }
0x54: {  	v34 =	vld [tilespmem:s24+$0x510];
	v26 =	vmul.f32 v0, v10;
	[tilespmem:s24+$0x110] =	vst v24  }
0x55: {  	v35 =	vld [tilespmem:s24+$0x520];
	v27 =	vmul.f32 v1, v10;
	[tilespmem:s24+$0x120] =	vst v25  }
0x56: {  	v36 =	vld [tilespmem:s24+$0x1E0];
	v13 =	vsub.f32 $0.0e+00, v13;
	v28 =	vmul.f32 v2, v10;
	[tilespmem:s24+$0x130] =	vst v26  }
0x57: {  	v37 =	vld [tilespmem:s24+$0x1F0];
	[tilespmem:s24+$0x140] =	vst v27;
	v24 =	vmul.f32 v3, v9  }
0x58: {  	v38 =	vld [tilespmem:s24+$0x200];
	v13 =	vmul.f32 $1.442695020e+00, v13;
	[tilespmem:s24+$0x150] =	vst v28;
	v25 =	vmul.f32 v32, v9  }
0x59: {  	v39 =	vld [tilespmem:s24+$0x210];
	v26 =	vmul.f32 v33, v10;
	[tilespmem:s24+$0x4E0] =	vst v24  }
0x5a: {  	v16 =	vld [tilespmem:s24+$0x90];
	(erf) = vpow2.f32 v13;
	v27 =	vmul.f32 v34, v10;
	[tilespmem:s24+$0x4F0] =	vst v25  }
0x5b: {  	v17 =	vld [tilespmem:s24+$0xA0];
	v28 =	vmul.f32 v35, v10;
	[tilespmem:s24+$0x500] =	vst v26  }
0x5c: {  	v40 =	vld [tilespmem:s24+$0x220];
	[tilespmem:s24+$0x510] =	vst v27;
	v24 =	vmul.f32 v36, v11  }
0x5d: {  	v41 =	vld [tilespmem:s24+$0x5B0];
	[tilespmem:s24+$0x520] =	vst v28;
	v25 =	vmul.f32 v37, v11  }
0x5e: {  	v42 =	vld [tilespmem:s24+$0x5C0];
	v26 =	vmul.f32 v38, v12;
	[tilespmem:s24+$0x1E0] =	vst v24  }
0x5f: {  	v43 =	vld [tilespmem:s24+$0x5D0];
	v16 =	vmul.f32 v16, v9;
	[tilespmem:s24+$0x1F0] =	vst v25  }
0x60: {  	v44 =	vld [tilespmem:s24+$0x5E0];
	v17 =	vmul.f32 v17, v9;
	[tilespmem:s24+$0x200] =	vst v26  }
0x61: {  	v27 =	vmul.f32 v39, v12;
	[tilespmem:s24+$0x90] =	vst v16;
	v16 =	vld [tilespmem:s24+$0x460]  }
0x62: {  	v28 =	vmul.f32 v40, v12;
	[tilespmem:s24+$0xA0] =	vst v17;
	v17 =	vld [tilespmem:s24+$0x470];
	v13 =	vpop (erf)  }
0x63: {  	v45 =	vld [tilespmem:s24+$0x5F0];
	v14 =	vsub.f32 $0.0e+00, v14;
	[tilespmem:s24+$0x210] =	vst v27;
	v24 =	vmul.f32 v41, v11;
	v15 =	vpop (erf)  }
0x64: {  	v46 =	vld [tilespmem:s24+$0x2B0];
	[tilespmem:s24+$0x220] =	vst v28;
	v25 =	vmul.f32 v42, v11;
	v15 =	vadd.f32 $1.000000000e+00, v15  }
0x65: {  	v47 =	vld [tilespmem:s24+$0x2C0];
	v26 =	vmul.f32 v43, v11;
	v14 =	vmul.f32 $1.442695020e+00, v14;
	[tilespmem:s24+$0x5B0] =	vst v24  }
0x66: {  	v51 =	vld [tilespmem:s24+$0x680];
	[tilespmem:s24+$0x5C0] =	vst v25;
	v16 =	vmul.f32 v16, v8;
	(erf) = vrcp.f32 v15  }
0x67: {  	[tilespmem:s24+$0x5D0] =	vst v26;
	v17 =	vmul.f32 v17, v8;
	(erf) = vpow2.f32 v14;
	v14 =	vld [tilespmem:s24+$0x0]  }
0x68: {  	v27 =	vmul.f32 v44, v11;
	[tilespmem:s24+$0x460] =	vst v16;
	v16 =	vld [tilespmem:s24+$0x160]  }
0x69: {  	v28 =	vmul.f32 v45, v11;
	[tilespmem:s24+$0x470] =	vst v17;
	v17 =	vld [tilespmem:s24+$0x170]  }
0x6a: {  	v23 =	vld [tilespmem:s24+$0x7F0];
	[tilespmem:s24+$0x5E0] =	vst v27;
	v24 =	vmul.f32 v46, v13  }
0x6b: {  	[tilespmem:s24+$0x5F0] =	vst v28;
	v25 =	vmul.f32 v47, v13;
	v15 =	vld [tilespmem:s24+$0x10]  }
0x6c: {  	v48 =	vld [tilespmem:s24+$0x2D0];
	[tilespmem:s24+$0x2B0] =	vst v24;
	v24 =	vmul.f32 v51, v13  }
0x6d: {  	v49 =	vld [tilespmem:s24+$0x2E0];
	[tilespmem:s24+$0x2C0] =	vst v25;
	v14 =	vmul.f32 v14, v8;
	v16 =	vmul.f32 v16, v10  }
0x6e: {  	v50 =	vld [tilespmem:s24+$0x2F0];
	[tilespmem:s24+$0x680] =	vst v24;
	v17 =	vmul.f32 v17, v10  }
0x6f: {  	[tilespmem:s24+$0x160] =	vst v16;
	v16 =	vld [tilespmem:s24+$0x530]  }
0x70: {  	v15 =	vmul.f32 v15, v8;
	[tilespmem:s24+$0x170] =	vst v17;
	v17 =	vld [tilespmem:s24+$0x540]  }
0x71: {  	v19 =	vld [tilespmem:s24+$0x50];
	v26 =	vmul.f32 v48, v13;
	[tilespmem:s24+$0x0] =	vst v14;
	v14 =	vpop (erf)  }
0x72: {  	v20 =	vld [tilespmem:s24+$0x60];
	v27 =	vmul.f32 v49, v13;
	[tilespmem:s24+$0x10] =	vst v15;
	v22 =	vpop (erf)  }
0x73: {  	v21 =	vld [tilespmem:s24+$0x70];
	v28 =	vmul.f32 v50, v13;
	[tilespmem:s24+$0x2D0] =	vst v26;
	v15 =	vadd.f32 $1.000000000e+00, v22  }
0x74: {  	v22 =	vld [tilespmem:s24+$0x80];
	[tilespmem:s24+$0x2E0] =	vst v27;
	v16 =	vmul.f32 v16, v10  }
0x75: {  	[tilespmem:s24+$0x2F0] =	vst v28;
	v17 =	vmul.f32 v17, v10;
	(erf) = vrcp.f32 v15  }
0x76: {  	v15 =	vmul.f32 v18, v8;
	v18 =	vmul.f32 v19, v8;
	v19 =	vld [tilespmem:s24+$0xB0];
	[tilespmem:s24+$0x530] =	vst v16  }
0x77: {  	v16 =	vld [tilespmem:s24+$0x230];
	[tilespmem:s24+$0x540] =	vst v17  }
0x78: {  	v17 =	vld [tilespmem:s24+$0x240];
	[tilespmem:s24+$0x40] =	vst v15;
	v15 =	vmul.f32 v20, v8  }
0x79: {  	[tilespmem:s24+$0x50] =	vst v18;
	v18 =	vld [tilespmem:s24+$0xC0];
	v20 =	vmul.f32 v21, v8  }
0x7a: {  	v21 =	vld [tilespmem:s24+$0xD0];
	v22 =	vmul.f32 v22, v9;
	[tilespmem:s24+$0x60] =	vst v15  }
0x7b: {  	[tilespmem:s24+$0x70] =	vst v20;
	v19 =	vmul.f32 v19, v9  }
0x7c: {  	[tilespmem:s24+$0x80] =	vst v22;
	v22 =	vld [tilespmem:s24+$0x400];
	v16 =	vmul.f32 v16, v12  }
0x7d: {  	v52 =	vld [tilespmem:s24+$0x690];
	v17 =	vmul.f32 v17, v12;
	[tilespmem:s24+$0xB0] =	vst v19  }
0x7e: {  	v53 =	vld [tilespmem:s24+$0x6A0];
	v18 =	vmul.f32 v18, v9;
	[tilespmem:s24+$0x230] =	vst v16  }
0x7f: {  	v54 =	vld [tilespmem:s24+$0x6B0];
	v21 =	vmul.f32 v21, v9;
	[tilespmem:s24+$0x240] =	vst v17;
	v15 =	vpop (erf)  }
0x80: {  	v55 =	vld [tilespmem:s24+$0x6C0];
	[tilespmem:s24+$0xC0] =	vst v18;
	v20 =	vmul.f32 v23, v15  }
0x81: {  	v19 =	vld [tilespmem:s24+$0x480];
	[tilespmem:s24+$0xD0] =	vst v21;
	v22 =	vmul.f32 v22, v8  }
0x82: {  	v25 =	vmul.f32 v52, v13;
	v16 =	vld [tilespmem:s24+$0x600];
	[tilespmem:s24+$0x7F0] =	vst v20  }
0x83: {  	v26 =	vmul.f32 v53, v13;
	v17 =	vld [tilespmem:s24+$0x610];
	[tilespmem:s24+$0x400] =	vst v22  }
0x84: {  	v27 =	vmul.f32 v54, v13;
	v18 =	vld [tilespmem:s24+$0x490];
	[tilespmem:s24+$0x690] =	vst v25  }
0x85: {  	v28 =	vmul.f32 v55, v13;
	v23 =	vld [tilespmem:s24+$0xE0];
	[tilespmem:s24+$0x6A0] =	vst v26  }
0x86: {  	v21 =	vld [tilespmem:s24+$0x4A0];
	v19 =	vmul.f32 v19, v9;
	[tilespmem:s24+$0x6B0] =	vst v27  }
0x87: {  	v20 =	vld [tilespmem:s24+$0xF0];
	v16 =	vmul.f32 v16, v12;
	[tilespmem:s24+$0x6C0] =	vst v28  }
0x88: {  	v22 =	vld [tilespmem:s24+$0x100];
	v17 =	vmul.f32 v17, v12;
	[tilespmem:s24+$0x480] =	vst v19  }
0x89: {  	v19 =	vld [tilespmem:s24+$0x180];
	v18 =	vmul.f32 v18, v9;
	[tilespmem:s24+$0x600] =	vst v16  }
0x8a: {  	v23 =	vmul.f32 v23, v9;
	v16 =	vld [tilespmem:s24+$0x300];
	[tilespmem:s24+$0x610] =	vst v17  }
0x8b: {  	v21 =	vmul.f32 v21, v9;
	v17 =	vld [tilespmem:s24+$0x310];
	[tilespmem:s24+$0x490] =	vst v18  }
0x8c: {  	v20 =	vmul.f32 v20, v9;
	[tilespmem:s24+$0xE0] =	vst v23;
	v23 =	vld [tilespmem:s24+$0x4B0]  }
0x8d: {  	v18 =	vld [tilespmem:s24+$0x190];
	[tilespmem:s24+$0x4A0] =	vst v21;
	v22 =	vmul.f32 v22, v10  }
0x8e: {  	[tilespmem:s24+$0xF0] =	vst v20;
	v20 =	vld [tilespmem:s24+$0x4C0];
	v19 =	vmul.f32 v19, v11  }
0x8f: {  	v21 =	vld [tilespmem:s24+$0x1A0];
	[tilespmem:s24+$0x100] =	vst v22;
	v16 =	vmul.f32 v16, v14  }
0x90: {  	v22 =	vld [tilespmem:s24+$0x4D0];
	v17 =	vmul.f32 v17, v14;
	[tilespmem:s24+$0x180] =	vst v19  }
0x91: {  	v19 =	vld [tilespmem:s24+$0x550];
	v23 =	vmul.f32 v23, v9;
	[tilespmem:s24+$0x300] =	vst v16  }
0x92: {  	v18 =	vmul.f32 v18, v11;
	v16 =	vld [tilespmem:s24+$0x6D0];
	[tilespmem:s24+$0x310] =	vst v17  }
0x93: {  	[tilespmem:s24+$0x4B0] =	vst v23;
	v23 =	vld [tilespmem:s24+$0x1B0];
	v20 =	vmul.f32 v20, v9  }
0x94: {  	v21 =	vmul.f32 v21, v11;
	[tilespmem:s24+$0x190] =	vst v18;
	v18 =	vld [tilespmem:s24+$0x560]  }
0x95: {  	v22 =	vmul.f32 v22, v9;
	[tilespmem:s24+$0x4C0] =	vst v20;
	v20 =	vld [tilespmem:s24+$0x1C0]  }
0x96: {  	[tilespmem:s24+$0x1A0] =	vst v21;
	v21 =	vld [tilespmem:s24+$0x570];
	v19 =	vmul.f32 v19, v10  }
0x97: {  	[tilespmem:s24+$0x4D0] =	vst v22;
	v22 =	vld [tilespmem:s24+$0x1D0];
	v16 =	vmul.f32 v16, v13  }
0x98: {  	[tilespmem:s24+$0x550] =	vst v19;
	v19 =	vld [tilespmem:s24+$0x250];
	v23 =	vmul.f32 v23, v11  }
0x99: {  	v17 =	vld [tilespmem:s24+$0x6E0];
	v18 =	vmul.f32 v18, v10;
	[tilespmem:s24+$0x6D0] =	vst v16  }
0x9a: {  	v20 =	vmul.f32 v20, v11;
	[tilespmem:s24+$0x1B0] =	vst v23;
	v23 =	vld [tilespmem:s24+$0x580]  }
0x9b: {  	v21 =	vmul.f32 v21, v10;
	[tilespmem:s24+$0x560] =	vst v18;
	v18 =	vld [tilespmem:s24+$0x260]  }
0x9c: {  	v22 =	vmul.f32 v22, v11;
	[tilespmem:s24+$0x1C0] =	vst v20;
	v20 =	vld [tilespmem:s24+$0x590]  }
0x9d: {  	[tilespmem:s24+$0x570] =	vst v21;
	v21 =	vld [tilespmem:s24+$0x270];
	v19 =	vmul.f32 v19, v12  }
0x9e: {  	v16 =	vmul.f32 v17, v13;
	[tilespmem:s24+$0x1D0] =	vst v22;
	v22 =	vld [tilespmem:s24+$0x5A0]  }
0x9f: {  	[tilespmem:s24+$0x250] =	vst v19;
	v19 =	vld [tilespmem:s24+$0x620];
	v23 =	vmul.f32 v23, v11  }
0xa0: {  	v56 =	vld [tilespmem:s24+$0x380];
	[tilespmem:s24+$0x6E0] =	vst v16;
	v18 =	vmul.f32 v18, v12  }
0xa1: {  	[tilespmem:s24+$0x580] =	vst v23;
	v23 =	vld [tilespmem:s24+$0x280];
	v20 =	vmul.f32 v20, v11  }
0xa2: {  	v21 =	vmul.f32 v21, v12;
	[tilespmem:s24+$0x260] =	vst v18;
	v18 =	vld [tilespmem:s24+$0x630]  }
0xa3: {  	v22 =	vmul.f32 v22, v11;
	[tilespmem:s24+$0x590] =	vst v20;
	v20 =	vld [tilespmem:s24+$0x290]  }
0xa4: {  	[tilespmem:s24+$0x270] =	vst v21;
	v21 =	vld [tilespmem:s24+$0x640];
	v19 =	vmul.f32 v19, v12  }
0xa5: {  	v17 =	vmul.f32 v56, v15;
	[tilespmem:s24+$0x5A0] =	vst v22;
	v22 =	vld [tilespmem:s24+$0x2A0]  }
0xa6: {  	[tilespmem:s24+$0x620] =	vst v19;
	v19 =	vld [tilespmem:s24+$0x320];
	v23 =	vmul.f32 v23, v13  }
0xa7: {  	v58 =	vld [tilespmem:s24+$0x3A0];
	[tilespmem:s24+$0x380] =	vst v17;
	v18 =	vmul.f32 v18, v12  }
0xa8: {  	v20 =	vmul.f32 v20, v13;
	[tilespmem:s24+$0x280] =	vst v23;
	v23 =	vld [tilespmem:s24+$0x650]  }
0xa9: {  	v21 =	vmul.f32 v21, v12;
	[tilespmem:s24+$0x630] =	vst v18;
	v18 =	vld [tilespmem:s24+$0x330]  }
0xaa: {  	v22 =	vmul.f32 v22, v13;
	[tilespmem:s24+$0x290] =	vst v20;
	v20 =	vld [tilespmem:s24+$0x660]  }
0xab: {  	[tilespmem:s24+$0x640] =	vst v21;
	v21 =	vld [tilespmem:s24+$0x340];
	v19 =	vmul.f32 v19, v14  }
0xac: {  	v17 =	vmul.f32 v58, v15;
	[tilespmem:s24+$0x2A0] =	vst v22;
	v22 =	vld [tilespmem:s24+$0x670]  }
0xad: {  	[tilespmem:s24+$0x320] =	vst v19;
	v19 =	vld [tilespmem:s24+$0x6F0];
	v23 =	vmul.f32 v23, v12  }
0xae: {  	v57 =	vld [tilespmem:s24+$0x390];
	[tilespmem:s24+$0x3A0] =	vst v17;
	v18 =	vmul.f32 v18, v14  }
0xaf: {  	[tilespmem:s24+$0x650] =	vst v23;
	v23 =	vld [tilespmem:s24+$0x350];
	v20 =	vmul.f32 v20, v12  }
0xb0: {  	v21 =	vmul.f32 v21, v14;
	[tilespmem:s24+$0x330] =	vst v18;
	v18 =	vld [tilespmem:s24+$0x700]  }
0xb1: {  	v22 =	vmul.f32 v22, v12;
	[tilespmem:s24+$0x660] =	vst v20;
	v20 =	vld [tilespmem:s24+$0x360]  }
0xb2: {  	v59 =	vld [tilespmem:s24+$0x3B0];
	[tilespmem:s24+$0x340] =	vst v21;
	v16 =	vmul.f32 v19, v13  }
0xb3: {  	[tilespmem:s24+$0x670] =	vst v22;
	v22 =	vld [tilespmem:s24+$0x370];
	v19 =	vmul.f32 v57, v15  }
0xb4: {  	v60 =	vld [tilespmem:s24+$0x3C0];
	[tilespmem:s24+$0x6F0] =	vst v16;
	v23 =	vmul.f32 v23, v14  }
0xb5: {  	v21 =	vld [tilespmem:s24+$0x710];
	v16 =	vmul.f32 v18, v14;
	[tilespmem:s24+$0x390] =	vst v19  }
0xb6: {  	v20 =	vmul.f32 v20, v14;
	[tilespmem:s24+$0x350] =	vst v23;
	v23 =	vld [tilespmem:s24+$0x720]  }
0xb7: {  	v30 =	vld [tilespmem:s24+$0x3F0];
	v18 =	vmul.f32 v59, v15;
	[tilespmem:s24+$0x700] =	vst v16  }
0xb8: {  	v22 =	vmul.f32 v22, v14;
	[tilespmem:s24+$0x360] =	vst v20;
	v20 =	vld [tilespmem:s24+$0x730]  }
0xb9: {  	v29 =	vld [tilespmem:s24+$0x3D0];
	v19 =	vmul.f32 v60, v15;
	[tilespmem:s24+$0x3B0] =	vst v18  }
0xba: {  	v16 =	vmul.f32 v21, v14;
	[tilespmem:s24+$0x370] =	vst v22;
	v22 =	vld [tilespmem:s24+$0x740]  }
0xbb: {  	v61 =	vld [tilespmem:s24+$0x3E0];
	[tilespmem:s24+$0x3C0] =	vst v19;
	v17 =	vmul.f32 v23, v14  }
0xbc: {  	v62 =	vld [tilespmem:s24+$0x750];
	[tilespmem:s24+$0x710] =	vst v16;
	v23 =	vmul.f32 v30, v15  }
0xbd: {  	v63 =	vld [tilespmem:s24+$0x760];
	[tilespmem:s24+$0x720] =	vst v17;
	v18 =	vmul.f32 v20, v14  }
0xbe: {  	v21 =	vld [tilespmem:s24+$0x770];
	v20 =	vmul.f32 v29, v15;
	[tilespmem:s24+$0x3F0] =	vst v23  }
0xbf: {  	v16 =	vld [tilespmem:s24+$0x780];
	v19 =	vmul.f32 v22, v14;
	[tilespmem:s24+$0x730] =	vst v18  }
0xc0: {  	v17 =	vld [tilespmem:s24+$0x790];
	v22 =	vmul.f32 v61, v15;
	[tilespmem:s24+$0x3D0] =	vst v20  }
0xc1: {  	v18 =	vld [tilespmem:s24+$0x7A0];
	[tilespmem:s24+$0x740] =	vst v19;
	v20 =	vmul.f32 v62, v14  }
0xc2: {  	[tilespmem:s24+$0x3E0] =	vst v22;
	v19 =	vld [tilespmem:s24+$0x7B0];
	v22 =	vmul.f32 v63, v14  }
0xc3: {  	s25 =	simm.s32 $0x2;
	v21 =	vmul.f32 v21, v14;
	[tilespmem:s24+$0x750] =	vst v20;
	v20 =	vld [tilespmem:s24+$0x7C0]  }
.LBB2_2:
0xc4: {  	s0 =	sshll.u32 s25, $0xA;
	p1 =	slt.u32 s25, $0x3E;
	[tilespmem:s24+$0x760] =	vst v22;
	v16 =	vmul.f32 v16, v15;
	v22 =	vld [tilespmem:s24+$0x7D0]  }
0xc5: {  	s0 =	sand.u32 $0x3FFFFC00, s0;
	[tilespmem:s24+$0x770] =	vst v21;
	v17 =	vmul.f32 v17, v15;
	v21 =	vld [tilespmem:s24+$0x7E0]  }
0xc6: {  	v23 =	vld [tilespmem:s0+$0x7F0];
	[tilespmem:s24+$0x780] =	vst v16;
	v16 =	vmul.f32 v18, v15  }
0xc7: {  	v18 =	vld [tilespmem:s0+$0x0];
	[tilespmem:s24+$0x790] =	vst v17;
	v17 =	vmul.f32 v19, v15  }
0xc8: {  	v19 =	vld [tilespmem:s0+$0x10];
	[tilespmem:s24+$0x7A0] =	vst v16;
	v16 =	vmul.f32 v20, v15  }
0xc9: {  	v20 =	vld [tilespmem:s0+$0x20];
	[tilespmem:s24+$0x7B0] =	vst v17;
	v17 =	vmul.f32 v22, v15  }
0xca: {  	v22 =	vld [tilespmem:s0+$0x30];
	[tilespmem:s24+$0x7C0] =	vst v16;
	v16 =	vmul.f32 v21, v15  }
0xcb: {  	v21 =	vld [tilespmem:s0+$0x40];
	v23 =	vmul.f32 v23, v15;
	[tilespmem:s24+$0x7D0] =	vst v17  }
0xcc: {  	v17 =	vmul.f32 v18, v8;
	v18 =	vld [tilespmem:s0+$0x50];
	[tilespmem:s24+$0x7E0] =	vst v16;
	s24 =	smov.u32 s0  }
0xcd: {  	v16 =	vmul.f32 v19, v8;
	v19 =	vld [tilespmem:s24+$0x60];
	[tilespmem:s24+$0x7F0] =	vst v23  }
0xce: {  	[tilespmem:s24+$0x0] =	vst v17;
	v17 =	vmul.f32 v20, v8;
	v20 =	vld [tilespmem:s24+$0x70]  }
0xcf: {  	[tilespmem:s24+$0x10] =	vst v16;
	v16 =	vmul.f32 v22, v8;
	v22 =	vld [tilespmem:s24+$0x80]  }
0xd0: {  	[tilespmem:s24+$0x20] =	vst v17;
	v17 =	vmul.f32 v21, v8;
	v21 =	vld [tilespmem:s24+$0x90]  }
0xd1: {  	[tilespmem:s24+$0x30] =	vst v16;
	v16 =	vmul.f32 v18, v8;
	v18 =	vld [tilespmem:s24+$0xA0]  }
0xd2: {  	[tilespmem:s24+$0x40] =	vst v17;
	v17 =	vmul.f32 v19, v8;
	v19 =	vld [tilespmem:s24+$0xB0]  }
0xd3: {  	[tilespmem:s24+$0x50] =	vst v16;
	v16 =	vmul.f32 v20, v8;
	v20 =	vld [tilespmem:s24+$0xC0]  }
0xd4: {  	[tilespmem:s24+$0x60] =	vst v17;
	v17 =	vmul.f32 v22, v9;
	v22 =	vld [tilespmem:s24+$0xD0]  }
0xd5: {  	[tilespmem:s24+$0x70] =	vst v16;
	v16 =	vmul.f32 v21, v9;
	v21 =	vld [tilespmem:s24+$0xE0]  }
0xd6: {  	[tilespmem:s24+$0x80] =	vst v17;
	v17 =	vmul.f32 v18, v9;
	v18 =	vld [tilespmem:s24+$0xF0]  }
0xd7: {  	[tilespmem:s24+$0x90] =	vst v16;
	v16 =	vmul.f32 v19, v9;
	v19 =	vld [tilespmem:s24+$0x100]  }
0xd8: {  	[tilespmem:s24+$0xA0] =	vst v17;
	v17 =	vmul.f32 v20, v9;
	v20 =	vld [tilespmem:s24+$0x110]  }
0xd9: {  	[tilespmem:s24+$0xB0] =	vst v16;
	v16 =	vmul.f32 v22, v9;
	v22 =	vld [tilespmem:s24+$0x120]  }
0xda: {  	[tilespmem:s24+$0xC0] =	vst v17;
	v17 =	vmul.f32 v21, v9;
	v21 =	vld [tilespmem:s24+$0x130]  }
0xdb: {  	[tilespmem:s24+$0xD0] =	vst v16;
	v16 =	vmul.f32 v18, v9;
	v18 =	vld [tilespmem:s24+$0x140]  }
0xdc: {  	[tilespmem:s24+$0xE0] =	vst v17;
	v17 =	vmul.f32 v19, v10;
	v19 =	vld [tilespmem:s24+$0x150]  }
0xdd: {  	[tilespmem:s24+$0xF0] =	vst v16;
	v16 =	vmul.f32 v20, v10;
	v20 =	vld [tilespmem:s24+$0x160]  }
0xde: {  	[tilespmem:s24+$0x100] =	vst v17;
	v17 =	vmul.f32 v22, v10;
	v22 =	vld [tilespmem:s24+$0x170]  }
0xdf: {  	[tilespmem:s24+$0x110] =	vst v16;
	v16 =	vmul.f32 v21, v10;
	v21 =	vld [tilespmem:s24+$0x180]  }
0xe0: {  	[tilespmem:s24+$0x120] =	vst v17;
	v17 =	vmul.f32 v18, v10;
	v18 =	vld [tilespmem:s24+$0x190]  }
0xe1: {  	[tilespmem:s24+$0x130] =	vst v16;
	v16 =	vmul.f32 v19, v10;
	v19 =	vld [tilespmem:s24+$0x1A0]  }
0xe2: {  	[tilespmem:s24+$0x140] =	vst v17;
	v17 =	vmul.f32 v20, v10;
	v20 =	vld [tilespmem:s24+$0x1B0]  }
0xe3: {  	[tilespmem:s24+$0x150] =	vst v16;
	v16 =	vmul.f32 v22, v10;
	v22 =	vld [tilespmem:s24+$0x1C0]  }
0xe4: {  	[tilespmem:s24+$0x160] =	vst v17;
	v17 =	vmul.f32 v21, v11;
	v21 =	vld [tilespmem:s24+$0x1D0]  }
0xe5: {  	[tilespmem:s24+$0x170] =	vst v16;
	v16 =	vmul.f32 v18, v11;
	v18 =	vld [tilespmem:s24+$0x1E0]  }
0xe6: {  	[tilespmem:s24+$0x180] =	vst v17;
	v17 =	vmul.f32 v19, v11;
	v19 =	vld [tilespmem:s24+$0x1F0]  }
0xe7: {  	[tilespmem:s24+$0x190] =	vst v16;
	v16 =	vmul.f32 v20, v11;
	v20 =	vld [tilespmem:s24+$0x200]  }
0xe8: {  	[tilespmem:s24+$0x1A0] =	vst v17;
	v17 =	vmul.f32 v22, v11;
	v22 =	vld [tilespmem:s24+$0x210]  }
0xe9: {  	[tilespmem:s24+$0x1B0] =	vst v16;
	v16 =	vmul.f32 v21, v11;
	v21 =	vld [tilespmem:s24+$0x220]  }
0xea: {  	[tilespmem:s24+$0x1C0] =	vst v17;
	v17 =	vmul.f32 v18, v11;
	v18 =	vld [tilespmem:s24+$0x230]  }
0xeb: {  	[tilespmem:s24+$0x1D0] =	vst v16;
	v16 =	vmul.f32 v19, v11;
	v19 =	vld [tilespmem:s24+$0x240]  }
0xec: {  	[tilespmem:s24+$0x1E0] =	vst v17;
	v17 =	vmul.f32 v20, v12;
	v20 =	vld [tilespmem:s24+$0x250]  }
0xed: {  	[tilespmem:s24+$0x1F0] =	vst v16;
	v16 =	vmul.f32 v22, v12;
	v22 =	vld [tilespmem:s24+$0x260]  }
0xee: {  	[tilespmem:s24+$0x200] =	vst v17;
	v17 =	vmul.f32 v21, v12;
	v21 =	vld [tilespmem:s24+$0x270]  }
0xef: {  	[tilespmem:s24+$0x210] =	vst v16;
	v16 =	vmul.f32 v18, v12;
	v18 =	vld [tilespmem:s24+$0x280]  }
0xf0: {  	[tilespmem:s24+$0x220] =	vst v17;
	v17 =	vmul.f32 v19, v12;
	v19 =	vld [tilespmem:s24+$0x290]  }
0xf1: {  	[tilespmem:s24+$0x230] =	vst v16;
	v16 =	vmul.f32 v20, v12;
	v20 =	vld [tilespmem:s24+$0x2A0]  }
0xf2: {  	[tilespmem:s24+$0x240] =	vst v17;
	v17 =	vmul.f32 v22, v12;
	v22 =	vld [tilespmem:s24+$0x2B0]  }
0xf3: {  	[tilespmem:s24+$0x250] =	vst v16;
	v16 =	vmul.f32 v21, v12;
	v21 =	vld [tilespmem:s24+$0x2C0]  }
0xf4: {  	[tilespmem:s24+$0x260] =	vst v17;
	v17 =	vmul.f32 v18, v13;
	v18 =	vld [tilespmem:s24+$0x2D0]  }
0xf5: {  	[tilespmem:s24+$0x270] =	vst v16;
	v16 =	vmul.f32 v19, v13;
	v19 =	vld [tilespmem:s24+$0x2E0]  }
0xf6: {  	[tilespmem:s24+$0x280] =	vst v17;
	v17 =	vmul.f32 v20, v13;
	v20 =	vld [tilespmem:s24+$0x2F0]  }
0xf7: {  	[tilespmem:s24+$0x290] =	vst v16;
	v16 =	vmul.f32 v22, v13;
	v22 =	vld [tilespmem:s24+$0x300]  }
0xf8: {  	[tilespmem:s24+$0x2A0] =	vst v17;
	v17 =	vmul.f32 v21, v13;
	v21 =	vld [tilespmem:s24+$0x310]  }
0xf9: {  	[tilespmem:s24+$0x2B0] =	vst v16;
	v16 =	vmul.f32 v18, v13;
	v18 =	vld [tilespmem:s24+$0x320]  }
0xfa: {  	[tilespmem:s24+$0x2C0] =	vst v17;
	v17 =	vmul.f32 v19, v13;
	v19 =	vld [tilespmem:s24+$0x330]  }
0xfb: {  	[tilespmem:s24+$0x2D0] =	vst v16;
	v16 =	vmul.f32 v20, v13;
	v20 =	vld [tilespmem:s24+$0x340]  }
0xfc: {  	[tilespmem:s24+$0x2E0] =	vst v17;
	v17 =	vmul.f32 v22, v14;
	v22 =	vld [tilespmem:s24+$0x350]  }
0xfd: {  	[tilespmem:s24+$0x2F0] =	vst v16;
	v16 =	vmul.f32 v21, v14;
	v21 =	vld [tilespmem:s24+$0x360]  }
0xfe: {  	[tilespmem:s24+$0x300] =	vst v17;
	v17 =	vmul.f32 v18, v14;
	v18 =	vld [tilespmem:s24+$0x370]  }
0xff: {  	[tilespmem:s24+$0x310] =	vst v16;
	v16 =	vmul.f32 v19, v14;
	v19 =	vld [tilespmem:s24+$0x380]  }
0x100: {  	[tilespmem:s24+$0x320] =	vst v17;
	v17 =	vmul.f32 v20, v14;
	v20 =	vld [tilespmem:s24+$0x390]  }
0x101: {  	[tilespmem:s24+$0x330] =	vst v16;
	v16 =	vmul.f32 v22, v14;
	v22 =	vld [tilespmem:s24+$0x3A0]  }
0x102: {  	[tilespmem:s24+$0x340] =	vst v17;
	v17 =	vmul.f32 v21, v14;
	v21 =	vld [tilespmem:s24+$0x3B0]  }
0x103: {  	[tilespmem:s24+$0x350] =	vst v16;
	v16 =	vmul.f32 v18, v14;
	v18 =	vld [tilespmem:s24+$0x3C0]  }
0x104: {  	[tilespmem:s24+$0x360] =	vst v17;
	v17 =	vmul.f32 v19, v15;
	v19 =	vld [tilespmem:s24+$0x3D0]  }
0x105: {  	[tilespmem:s24+$0x370] =	vst v16;
	v16 =	vmul.f32 v20, v15;
	v20 =	vld [tilespmem:s24+$0x3E0]  }
0x106: {  	[tilespmem:s24+$0x380] =	vst v17;
	v17 =	vmul.f32 v22, v15;
	v22 =	vld [tilespmem:s24+$0x3F0]  }
0x107: {  	[tilespmem:s24+$0x390] =	vst v16;
	v16 =	vmul.f32 v21, v15;
	v21 =	vld [tilespmem:s24+$0x400]  }
0x108: {  	[tilespmem:s24+$0x3A0] =	vst v17;
	v17 =	vmul.f32 v18, v15;
	v18 =	vld [tilespmem:s24+$0x410]  }
0x109: {  	[tilespmem:s24+$0x3B0] =	vst v16;
	v16 =	vmul.f32 v19, v15;
	v19 =	vld [tilespmem:s24+$0x420]  }
0x10a: {  	[tilespmem:s24+$0x3C0] =	vst v17;
	v17 =	vmul.f32 v20, v15;
	v20 =	vld [tilespmem:s24+$0x430]  }
0x10b: {  	[tilespmem:s24+$0x3D0] =	vst v16;
	v16 =	vmul.f32 v22, v15;
	v22 =	vld [tilespmem:s24+$0x440]  }
0x10c: {  	[tilespmem:s24+$0x3E0] =	vst v17;
	v17 =	vmul.f32 v21, v8;
	v21 =	vld [tilespmem:s24+$0x450]  }
0x10d: {  	[tilespmem:s24+$0x3F0] =	vst v16;
	v16 =	vmul.f32 v18, v8;
	v18 =	vld [tilespmem:s24+$0x460]  }
0x10e: {  	[tilespmem:s24+$0x400] =	vst v17;
	v17 =	vmul.f32 v19, v8;
	v19 =	vld [tilespmem:s24+$0x470]  }
0x10f: {  	[tilespmem:s24+$0x410] =	vst v16;
	v16 =	vmul.f32 v20, v8;
	v20 =	vld [tilespmem:s24+$0x480]  }
0x110: {  	[tilespmem:s24+$0x420] =	vst v17;
	v17 =	vmul.f32 v22, v8;
	v22 =	vld [tilespmem:s24+$0x490]  }
0x111: {  	[tilespmem:s24+$0x430] =	vst v16;
	v16 =	vmul.f32 v21, v8;
	v21 =	vld [tilespmem:s24+$0x4A0]  }
0x112: {  	[tilespmem:s24+$0x440] =	vst v17;
	v17 =	vmul.f32 v18, v8;
	v18 =	vld [tilespmem:s24+$0x4B0]  }
0x113: {  	[tilespmem:s24+$0x450] =	vst v16;
	v16 =	vmul.f32 v19, v8;
	v19 =	vld [tilespmem:s24+$0x4C0]  }
0x114: {  	[tilespmem:s24+$0x460] =	vst v17;
	v17 =	vmul.f32 v20, v9;
	v20 =	vld [tilespmem:s24+$0x4D0]  }
0x115: {  	[tilespmem:s24+$0x470] =	vst v16;
	v16 =	vmul.f32 v22, v9;
	v22 =	vld [tilespmem:s24+$0x4E0]  }
0x116: {  	[tilespmem:s24+$0x480] =	vst v17;
	v17 =	vmul.f32 v21, v9;
	v21 =	vld [tilespmem:s24+$0x4F0]  }
0x117: {  	[tilespmem:s24+$0x490] =	vst v16;
	v16 =	vmul.f32 v18, v9;
	v18 =	vld [tilespmem:s24+$0x500]  }
0x118: {  	[tilespmem:s24+$0x4A0] =	vst v17;
	v17 =	vmul.f32 v19, v9;
	v19 =	vld [tilespmem:s24+$0x510]  }
0x119: {  	[tilespmem:s24+$0x4B0] =	vst v16;
	v16 =	vmul.f32 v20, v9;
	v20 =	vld [tilespmem:s24+$0x520]  }
0x11a: {  	[tilespmem:s24+$0x4C0] =	vst v17;
	v17 =	vmul.f32 v22, v9;
	v22 =	vld [tilespmem:s24+$0x530]  }
0x11b: {  	[tilespmem:s24+$0x4D0] =	vst v16;
	v16 =	vmul.f32 v21, v9;
	v21 =	vld [tilespmem:s24+$0x540]  }
0x11c: {  	[tilespmem:s24+$0x4E0] =	vst v17;
	v17 =	vmul.f32 v18, v10;
	v18 =	vld [tilespmem:s24+$0x550]  }
0x11d: {  	[tilespmem:s24+$0x4F0] =	vst v16;
	v16 =	vmul.f32 v19, v10;
	v19 =	vld [tilespmem:s24+$0x560]  }
0x11e: {  	[tilespmem:s24+$0x500] =	vst v17;
	v17 =	vmul.f32 v20, v10;
	v20 =	vld [tilespmem:s24+$0x570]  }
0x11f: {  	[tilespmem:s24+$0x510] =	vst v16;
	v16 =	vmul.f32 v22, v10;
	v22 =	vld [tilespmem:s24+$0x580]  }
0x120: {  	[tilespmem:s24+$0x520] =	vst v17;
	v17 =	vmul.f32 v21, v10;
	v21 =	vld [tilespmem:s24+$0x590]  }
0x121: {  	[tilespmem:s24+$0x530] =	vst v16;
	v16 =	vmul.f32 v18, v10;
	v18 =	vld [tilespmem:s24+$0x5A0]  }
0x122: {  	[tilespmem:s24+$0x540] =	vst v17;
	v17 =	vmul.f32 v19, v10;
	v19 =	vld [tilespmem:s24+$0x5B0]  }
0x123: {  	[tilespmem:s24+$0x550] =	vst v16;
	v16 =	vmul.f32 v20, v10;
	v20 =	vld [tilespmem:s24+$0x5C0]  }
0x124: {  	[tilespmem:s24+$0x560] =	vst v17;
	v17 =	vmul.f32 v22, v11;
	v22 =	vld [tilespmem:s24+$0x5D0]  }
0x125: {  	[tilespmem:s24+$0x570] =	vst v16;
	v16 =	vmul.f32 v21, v11;
	v21 =	vld [tilespmem:s24+$0x5E0]  }
0x126: {  	[tilespmem:s24+$0x580] =	vst v17;
	v17 =	vmul.f32 v18, v11;
	v18 =	vld [tilespmem:s24+$0x5F0]  }
0x127: {  	[tilespmem:s24+$0x590] =	vst v16;
	v16 =	vmul.f32 v19, v11;
	v19 =	vld [tilespmem:s24+$0x600]  }
0x128: {  	[tilespmem:s24+$0x5A0] =	vst v17;
	v17 =	vmul.f32 v20, v11;
	v20 =	vld [tilespmem:s24+$0x610]  }
0x129: {  	[tilespmem:s24+$0x5B0] =	vst v16;
	v16 =	vmul.f32 v22, v11;
	v22 =	vld [tilespmem:s24+$0x620]  }
0x12a: {  	[tilespmem:s24+$0x5C0] =	vst v17;
	v17 =	vmul.f32 v21, v11;
	v21 =	vld [tilespmem:s24+$0x630]  }
0x12b: {  	[tilespmem:s24+$0x5D0] =	vst v16;
	v16 =	vmul.f32 v18, v11;
	v18 =	vld [tilespmem:s24+$0x640]  }
0x12c: {  	[tilespmem:s24+$0x5E0] =	vst v17;
	v17 =	vmul.f32 v19, v12;
	v19 =	vld [tilespmem:s24+$0x650]  }
0x12d: {  	[tilespmem:s24+$0x5F0] =	vst v16;
	v16 =	vmul.f32 v20, v12;
	v20 =	vld [tilespmem:s24+$0x660]  }
0x12e: {  	[tilespmem:s24+$0x600] =	vst v17;
	v17 =	vmul.f32 v22, v12;
	v22 =	vld [tilespmem:s24+$0x670]  }
0x12f: {  	[tilespmem:s24+$0x610] =	vst v16;
	v16 =	vmul.f32 v21, v12;
	v21 =	vld [tilespmem:s24+$0x680]  }
0x130: {  	[tilespmem:s24+$0x620] =	vst v17;
	v17 =	vmul.f32 v18, v12;
	v18 =	vld [tilespmem:s24+$0x690]  }
0x131: {  	[tilespmem:s24+$0x630] =	vst v16;
	v16 =	vmul.f32 v19, v12;
	v19 =	vld [tilespmem:s24+$0x6A0]  }
0x132: {  	[tilespmem:s24+$0x640] =	vst v17;
	v17 =	vmul.f32 v20, v12;
	v20 =	vld [tilespmem:s24+$0x6B0]  }
0x133: {  	[tilespmem:s24+$0x650] =	vst v16;
	v16 =	vmul.f32 v22, v12;
	v22 =	vld [tilespmem:s24+$0x6C0]  }
0x134: {  	[tilespmem:s24+$0x660] =	vst v17;
	v17 =	vmul.f32 v21, v13;
	v21 =	vld [tilespmem:s24+$0x6D0]  }
0x135: {  	[tilespmem:s24+$0x670] =	vst v16;
	v16 =	vmul.f32 v18, v13;
	v18 =	vld [tilespmem:s24+$0x6E0]  }
0x136: {  	[tilespmem:s24+$0x680] =	vst v17;
	v17 =	vmul.f32 v19, v13;
	v19 =	vld [tilespmem:s24+$0x6F0]  }
0x137: {  	[tilespmem:s24+$0x690] =	vst v16;
	v16 =	vmul.f32 v20, v13;
	v20 =	vld [tilespmem:s24+$0x700]  }
0x138: {  	[tilespmem:s24+$0x6A0] =	vst v17;
	v17 =	vmul.f32 v22, v13;
	v22 =	vld [tilespmem:s24+$0x710]  }
0x139: {  	[tilespmem:s24+$0x6B0] =	vst v16;
	v16 =	vmul.f32 v21, v13;
	v21 =	vld [tilespmem:s24+$0x720]  }
0x13a: {  	[tilespmem:s24+$0x6C0] =	vst v17;
	v17 =	vmul.f32 v18, v13;
	v18 =	vld [tilespmem:s24+$0x730]  }
0x13b: {  	[tilespmem:s24+$0x6D0] =	vst v16;
	v16 =	vmul.f32 v19, v13;
	v19 =	vld [tilespmem:s24+$0x740]  }
0x13c: {  	[tilespmem:s24+$0x6E0] =	vst v17;
	v17 =	vmul.f32 v20, v14;
	v20 =	vld [tilespmem:s24+$0x750]  }
0x13d: {  	[tilespmem:s24+$0x6F0] =	vst v16;
	v16 =	vmul.f32 v22, v14;
	v22 =	vld [tilespmem:s24+$0x760]  }
0x13e: {  	[tilespmem:s24+$0x700] =	vst v17;
	v17 =	vmul.f32 v21, v14;
	v21 =	vld [tilespmem:s24+$0x770]  }
.Ltmp0:
0x13f: {  	[tilespmem:s24+$0x710] =	vst v16;
	v18 =	vmul.f32 v18, v14;
	v16 =	vld [tilespmem:s24+$0x780];
	(pc) =	sbr.rel @p1 .LBB2_2-.Ltmp0, $4  }
0x140: {  	[tilespmem:s24+$0x720] =	vst v17;
	v19 =	vmul.f32 v19, v14;
	v17 =	vld [tilespmem:s24+$0x790]  }
0x141: {  	[tilespmem:s24+$0x730] =	vst v18;
	v20 =	vmul.f32 v20, v14;
	v18 =	vld [tilespmem:s24+$0x7A0]  }
0x142: {  	[tilespmem:s24+$0x740] =	vst v19;
	v22 =	vmul.f32 v22, v14;
	v19 =	vld [tilespmem:s24+$0x7B0]  }
0x143: {  	s25 =	sadd.s32 $0x2, s25;
	[tilespmem:s24+$0x750] =	vst v20;
	v21 =	vmul.f32 v21, v14;
	v20 =	vld [tilespmem:s24+$0x7C0]  }
0x144: {  	[tilespmem:s24+$0x760] =	vst v22;
	v8 =	vld [tilespmem:s24+$0x7D0];
	v9 =	vmul.f32 v16, v15  }
0x145: {  	v11 =	vld [tilespmem:s24+$0x7E0];
	[tilespmem:s24+$0x770] =	vst v21;
	v10 =	vmul.f32 v17, v15  }
0x146: {  	[tilespmem:s24+$0x780] =	vst v9;
	v60 =	vmul.f32 v18, v15  }
0x147: {  	[tilespmem:s24+$0x790] =	vst v10;
	v61 =	vmul.f32 v19, v15  }
0x148: {  	[tilespmem:s24+$0x7A0] =	vst v60;
	v62 =	vmul.f32 v20, v15  }
0x149: {  	[tilespmem:s24+$0x7B0] =	vst v61;
	v8 =	vmul.f32 v8, v15  }
0x14a: {  	v63 =	vmul.f32 v11, v15;
	[tilespmem:s24+$0x7C0] =	vst v62  }
0x14b: {  	[tilespmem:s24+$0x7D0] =	vst v8  }
0x14c: {  	s0 =	simm.s32 @!p0 $0x80;
	s1 =	simm.s32 @!p0 $0x400;
	s2 =	simm.s32 @!p0 $0x10000;
	[tilespmem:s24+$0x7E0] =	vst v63  }
0x14d: {  	[tilespmem:s2], [sflag:$0x4] =	stream.strided.gather @!p0 [hbm4b:s8+s0], $0x1000, s1, s0, $0x38;
	[tilespmem:$0x1B040] =	vst v63  }
0x14e: {  	s0 =	simm.s32 @!p0 $0x4  }
0x14f: {  	s30 =	simm.s32 $0x80;
	_ =	swait.ge @!p0 [sflag:s0], $0x1000  }
0x150: {  	s31 =	simm.s32 $0x400;
	s25 =	simm.s32 $0x1;
	[sflag:s0] =	ssyncset.done @!p0 $0x0  }
0x151: {  	s26 =	simm.s32 $0x10000;
	s24 =	simm.s32 $0x0;
	[sflag:s0] =	ssyncadd.s32 @!p0 $0xFFFFF000  }
0x152: {  	[tilespmem:s17], [sflag:$0x3] =	stream.strided.gather [hbm4b:s9+s30], $0x1000, s31, s30, $0x38;
	[tilespmem:$0x1B040] =	vst v63  }
.LBB2_4:
0x153: {  	p1 =	seq.s32 s24, $0x31  }
0x154: {  	s0 =	sadd.s32 @!p1 $0x2, s24  }
0x155: {  	s1 =	sand.u32 @!p1 $0xFF, s0  }
0x156: {  	s1 =	smul.u32 @!p1 $0xAB, s1;
	_ =	sdelay $0x1  }
0x157: {  	_ =	swait.ge [sflag:s18], $0x1000;
	s1 =	sshrl.u32 @!p1 s1, $0x9  }
0x158: {  	s28 =	sadd.s32 s5, s24;
	[sflag:s18] =	ssyncset.done $0x0;
	s1 =	smul.u32 @!p1 $0x3, s1  }
0x159: {  	s2 =	sadd.s32 @!p1 $0x1, s28;
	s15 =	simm.s32 @!p1 $0x400;
	p2 =	seq.s32 @!p1 s28, $0x0  }
0x15a: {  	[sflag:s18] =	ssyncadd.s32 $0xFFFFF000;
	s0 =	ssub.s32 @!p1 s0, s1;
	s1 =	sshll.u32 @!p1 s2, $0x4  }
0x15b: {  	s2 =	sshll.u32 @!p1 s2, $0x9;
	s0 =	sand.u32 @!p1 $0xEF, s0;
	s1 =	sand.u32 @!p1 $0x70, s1  }
0x15c: {  	s2 =	sand.u32 @!p1 $0xFFFF000, s2;
	s0 =	sshll.u32 @!p1 s0, $0xC;
	s1 =	sadd.s32 @!p1 s6, s1  }
0x15d: {  	s0 =	sor.u32 @!p1 $0x10000, s0;
	s1 =	sadd.s32 @!p1 s2, s1;
	s2 =	simm.s32 @!p1 $0x80  }
0x15e: {  	[tilespmem:s0], [sflag:$0x3] =	stream.strided.gather @!p1 [hbm4b:s1+s2], $0x1000, s15, s2, $0x38;
	[tilespmem:$0x1B040] =	vst v63  }
0x15f: {  	p3 =	seq.s32 @!p1 s24, $0x0;
	p2 =	por !p2, p1;
	s0 =	simm.s32 @!p1 $0x0  }
0x160: {  	s0 =	simm.s32 @p2 $0x4E67C6A7;
	p2 =	por p1, !p3  }
.Ltmp1:
0x161: {  	_ = 	snop;
	(pc) =	sbr.rel @!p2 .LBB2_5-.Ltmp1, $2  }
0x162: {  	_ =	sdelay $0x2  }
0x163: {  	v8 =	vmov @!p1 s0  }
.Ltmp2:
0x164: {  	(pc) =	sbr.rel .LBB2_7-.Ltmp2, $4  }
0x165: {  	_ = 	snop  }
0x166: {  	_ =	swait.ge [sflag:s21], $0x4000  }
0x167: {  	[sflag:s21] =	ssyncset.done $0x0  }
0x168: {  	v8 =	vpsel p1, $0x4E67C6A7, v8;
	p1 =	por $0x0, $0x0;
	[sflag:s21] =	ssyncadd.s32 $0xFFFFC000  }
.LBB2_5:
0x169: {  	p1 =	por @!p1 $0x1, $0x1  }
.LBB2_7:
0x16a: {  	s0 =	smulhi.u32 $0xAAAAAAAB, s24;
	_ =	sdelay $0x1  }
0x16b: {  	s0 =	sshrl.u32 s0, $0x1  }
0x16c: {  	s1 =	smul.u32 $0xC000, s0  }
0x16d: {  	s15 =	smulhi.u32 $0xAAAAAAAB, s25  }
0x16e: {  	s2 =	ssub.s32 $0x100, s1  }
0x16f: {  	s16 =	sshrl.u32 s15, $0x1;
	s2 =	sshra.s32 s2, $0x2  }
0x170: {  	v9 =	vmov s2;
	s2 =	smul.u32 $0xFFFF4000, s16;
	_ =	sdelay $0x1  }
0x171: {  	s29 =	sshra.s32 s2, $0x2  }
0x172: {  	s2 =	sadd.s32 s29, s26  }
0x173: {  	v11 =	vld [tilespmem:s2+$0x1070]  }
0x174: {  	v19 =	vld [tilespmem:s2+$0x1000]  }
0x175: {  	v20 =	vld [tilespmem:s2+$0x1020]  }
0x176: {  	v21 =	vld [tilespmem:s2+$0x1030]  }
0x177: {  	v10 =	vld.idx.msk [tilespmem:v9+s26+$0x30 ss:$0x1], $0xffff  }
0x178: {  	v22 =	vld [tilespmem:s2+$0x1040]  }
0x179: {  	v12 =	vld.idx.msk [tilespmem:v9+s26+$0xFFFFFFC0 ss:$0x1], $0xffff  }
0x17a: {  	v15 =	vld.idx.msk [tilespmem:v9+s26+$0xFFFFFFE0 ss:$0x1], $0xffff  }
0x17b: {  	v16 =	vld.idx.msk [tilespmem:v9+s26+$0xFFFFFFF0 ss:$0x1], $0xffff  }
0x17c: {  	v17 =	vld.idx.msk [tilespmem:v9+s26+$0x0 ss:$0x1], $0xffff;
	v10 =	vmul.u32 v8, v10  }
0x17d: {  	v18 =	vld.idx.msk [tilespmem:v9+s26+$0x20 ss:$0x1], $0xffff  }
0x17e: {  	v13 =	vld.idx.msk [tilespmem:v9+s26+$0xFFFFFFD0 ss:$0x1], $0xffff;
	v10 =	vadd.s32 v11, v10  }
0x17f: {  	v26 =	vld [tilespmem:s2+$0x1060];
	v14 =	vshll.u32 v10, $0x3  }
0x180: {  	v10 =	vand.u32 $0x7F, v10;
	v14 =	vand.u32 $0xFC00, v14  }
0x181: {  	v12 =	vmul.u32 v8, v12;
	v15 =	vmul.u32 v8, v15;
	v14 =	vor.u32 v10, v14  }
0x182: {  	v16 =	vmul.u32 v8, v16;
	v17 =	vmul.u32 v8, v17;
	v18 =	vmul.u32 v8, v18;
	v10 =	vld [tilespmem:s2+$0x1010]  }
0x183: {  	v13 =	vmul.u32 v8, v13;
	v11 =	vld.idx.msk [tilespmem:v9+s26+$0x10 ss:$0x1], $0xffff;
	v12 =	vadd.s32 v19, v12;
	v15 =	vadd.s32 v20, v15  }
0x184: {  	v16 =	vadd.s32 v21, v16;
	v17 =	vadd.s32 v22, v17;
	v26 =	vadd.s32 v26, v18  }
0x185: {  	v23 =	vld [tilespmem:s2+$0x1050];
	v24 =	vshll.u32 v12, $0x3;
	v12 =	vand.u32 $0x7F, v12;
	v21 =	vshll.u32 v16, $0x3  }
0x186: {  	v16 =	vand.u32 $0x7F, v16;
	v24 =	vand.u32 $0xFC00, v24;
	v21 =	vand.u32 $0xFC00, v21;
	v19 =	vld.idx.msk [tilespmem:v14+s4+$0x0], $0xffff  }
0x187: {  	v18 =	vor.u32 v16, v21;
	v10 =	vadd.s32 v10, v13;
	v13 =	vor.u32 $0x80, v14  }
0x188: {  	v16 =	vshll.u32 v26, $0x3;
	v11 =	vmul.u32 v8, v11;
	v25 =	vshll.u32 v10, $0x3  }
0x189: {  	v10 =	vand.u32 $0x7F, v10;
	v20 =	vand.u32 $0xFC00, v25;
	v25 =	vshll.u32 v15, $0x3  }
0x18a: {  	s30 =	simm.s32 $0x13200;
	v16 =	vand.u32 $0xFC00, v16;
	v22 =	vand.u32 $0xFC00, v25;
	v10 =	vor.u32 v10, v20  }
0x18b: {  	[tilespmem:s30+$0xFFFFFE70] =	vst v19;
	v19 =	vadd.s32 v23, v11;
	v11 =	vor.u32 v12, v24;
	v12 =	vand.u32 $0x7F, v15  }
0x18c: {  	v25 =	vshll.u32 v17, $0x3;
	v23 =	vld.idx.msk [tilespmem:v13+s4+$0x0], $0xffff;
	v13 =	vshll.u32 v19, $0x3;
	v12 =	vor.u32 v12, v22  }
0x18d: {  	v24 =	vor.u32 $0x100, v14;
	v15 =	vand.u32 $0xFC00, v25;
	v20 =	vand.u32 $0xFC00, v13  }
0x18e: {  	v13 =	vand.u32 $0x7F, v17;
	v17 =	vand.u32 $0x7F, v19;
	v19 =	vand.u32 $0x7F, v26  }
0x18f: {  	v13 =	vor.u32 v13, v15;
	v22 =	vor.u32 v19, v16;
	v16 =	vld.idx.msk [tilespmem:v10+s4+$0x0], $0xffff  }
0x190: {  	v15 =	vld.idx.msk [tilespmem:v11+s4+$0x0], $0xffff  }
0x191: {  	v21 =	vor.u32 v17, v20;
	[tilespmem:s30+$0xFFFFFEF0] =	vst v23;
	v19 =	vld.idx.msk [tilespmem:v12+s4+$0x0], $0xffff  }
0x192: {  	v25 =	vor.u32 $0x80, v10;
	v17 =	vld.idx.msk [tilespmem:v24+s4+$0x0], $0xffff  }
0x193: {  	v23 =	vor.u32 $0x80, v11;
	v24 =	vld.idx.msk [tilespmem:v18+s4+$0x0], $0xffff  }
0x194: {  	v20 =	vor.u32 $0x180, v14;
	v26 =	vld.idx.msk [tilespmem:v13+s4+$0x0], $0xffff  }
0x195: {  	v27 =	vor.u32 $0x80, v12;
	v29 =	vld.idx.msk [tilespmem:v22+s4+$0x0], $0xffff;
	[tilespmem:s30+$0xFFFFFE10] =	vst v16  }
0x196: {  	v28 =	vor.u32 $0x80, v18;
	[tilespmem:s30+$0xFFFFFE00] =	vst v15;
	v15 =	vld.idx.msk [tilespmem:v21+s4+$0x0], $0xffff  }
0x197: {  	[tilespmem:s30+$0xFFFFFE20] =	vst v19;
	v19 =	vld.idx.msk [tilespmem:v25+s4+$0x0], $0xffff;
	v25 =	vor.u32 $0x80, v22  }
0x198: {  	v23 =	vld.idx.msk [tilespmem:v23+s4+$0x0], $0xffff;
	[tilespmem:s30+$0xFFFFFF70] =	vst v17;
	v17 =	vor.u32 $0x80, v13  }
0x199: {  	[tilespmem:s30+$0xFFFFFE30] =	vst v24;
	v16 =	vld.idx.msk [tilespmem:v20+s4+$0x0], $0xffff;
	v20 =	vor.u32 $0x80, v21  }
0x19a: {  	v27 =	vld.idx.msk [tilespmem:v27+s4+$0x0], $0xffff;
	[tilespmem:s30+$0xFFFFFE40] =	vst v26;
	v26 =	vor.u32 $0x100, v11  }
0x19b: {  	v24 =	vor.u32 $0x200, v14;
	v28 =	vld.idx.msk [tilespmem:v28+s4+$0x0], $0xffff;
	[tilespmem:s30+$0xFFFFFE60] =	vst v29  }
0x19c: {  	[tilespmem:s30+$0xFFFFFE90] =	vst v19;
	v19 =	vld.idx.msk [tilespmem:v25+s4+$0x0], $0xffff  }
0x19d: {  	v29 =	vor.u32 $0x100, v12;
	[tilespmem:s30+$0xFFFFFE50] =	vst v15;
	v17 =	vld.idx.msk [tilespmem:v17+s4+$0x0], $0xffff  }
0x19e: {  	v15 =	vor.u32 $0x100, v10;
	[tilespmem:s30+$0xFFFFFE80] =	vst v23;
	v20 =	vld.idx.msk [tilespmem:v20+s4+$0x0], $0xffff  }
0x19f: {  	[tilespmem:s30+$0xFFFFFFF0] =	vst v16;
	v16 =	vor.u32 $0x100, v18;
	v25 =	vld.idx.msk [tilespmem:v26+s4+$0x0], $0xffff  }
0x1a0: {  	v23 =	vld.idx.msk [tilespmem:v24+s4+$0x0], $0xffff;
	v24 =	vor.u32 $0x100, v13  }
0x1a1: {  	[tilespmem:s30+$0xFFFFFEA0] =	vst v27;
	v27 =	vor.u32 $0x100, v21  }
0x1a2: {  	v26 =	vor.u32 $0x280, v14;
	[tilespmem:s30+$0xFFFFFEB0] =	vst v28;
	v29 =	vld.idx.msk [tilespmem:v29+s4+$0x0], $0xffff  }
0x1a3: {  	v28 =	vor.u32 $0x100, v22;
	v15 =	vld.idx.msk [tilespmem:v15+s4+$0x0], $0xffff;
	[tilespmem:s30+$0xFFFFFEC0] =	vst v17  }
0x1a4: {  	v17 =	vor.u32 $0x180, v11;
	v16 =	vld.idx.msk [tilespmem:v16+s4+$0x0], $0xffff;
	[tilespmem:s30+$0xFFFFFED0] =	vst v20  }
0x1a5: {  	v20 =	vor.u32 $0x180, v10;
	[tilespmem:s30+$0xFFFFFF00] =	vst v25;
	v24 =	vld.idx.msk [tilespmem:v24+s4+$0x0], $0xffff  }
0x1a6: {  	[tilespmem:s30+$0x70] =	vst v23;
	v23 =	vor.u32 $0x180, v12;
	v25 =	vld.idx.msk [tilespmem:v27+s4+$0x0], $0xffff  }
0x1a7: {  	[tilespmem:s30+$0xFFFFFEE0] =	vst v19;
	v19 =	vld.idx.msk [tilespmem:v26+s4+$0x0], $0xffff;
	v26 =	vor.u32 $0x180, v18  }
0x1a8: {  	[tilespmem:s30+$0xFFFFFF10] =	vst v15;
	v15 =	vld.idx.msk [tilespmem:v28+s4+$0x0], $0xffff;
	v28 =	vor.u32 $0x180, v13  }
0x1a9: {  	[tilespmem:s30+$0xFFFFFF20] =	vst v29;
	v27 =	vor.u32 $0x300, v14;
	v17 =	vld.idx.msk [tilespmem:v17+s4+$0x0], $0xffff  }
0x1aa: {  	v29 =	vor.u32 $0x180, v21;
	v20 =	vld.idx.msk [tilespmem:v20+s4+$0x0], $0xffff;
	[tilespmem:s30+$0xFFFFFF30] =	vst v16  }
0x1ab: {  	v16 =	vor.u32 $0x180, v22;
	v23 =	vld.idx.msk [tilespmem:v23+s4+$0x0], $0xffff;
	[tilespmem:s30+$0xFFFFFF40] =	vst v24  }
0x1ac: {  	v24 =	vor.u32 $0x200, v11;
	[tilespmem:s30+$0xFFFFFF50] =	vst v25;
	v26 =	vld.idx.msk [tilespmem:v26+s4+$0x0], $0xffff  }
0x1ad: {  	[tilespmem:s30+$0xF0] =	vst v19;
	v19 =	vor.u32 $0x200, v10;
	v28 =	vld.idx.msk [tilespmem:v28+s4+$0x0], $0xffff  }
0x1ae: {  	[tilespmem:s30+$0xFFFFFF60] =	vst v15;
	v25 =	vld.idx.msk [tilespmem:v27+s4+$0x0], $0xffff;
	v27 =	vor.u32 $0x200, v12  }
0x1af: {  	v14 =	vor.u32 $0x380, v14;
	v15 =	vld.idx.msk [tilespmem:v29+s4+$0x0], $0xffff;
	[tilespmem:s30+$0xFFFFFF80] =	vst v17  }
0x1b0: {  	v17 =	vor.u32 $0x200, v18;
	[tilespmem:s30+$0xFFFFFF90] =	vst v20;
	v16 =	vld.idx.msk [tilespmem:v16+s4+$0x0], $0xffff  }
0x1b1: {  	v20 =	vor.u32 $0x200, v13;
	v24 =	vld.idx.msk [tilespmem:v24+s4+$0x0], $0xffff;
	[tilespmem:s30+$0xFFFFFFA0] =	vst v23  }
0x1b2: {  	v23 =	vor.u32 $0x200, v21;
	v19 =	vld.idx.msk [tilespmem:v19+s4+$0x0], $0xffff;
	[tilespmem:s30+$0xFFFFFFB0] =	vst v26  }
0x1b3: {  	v26 =	vor.u32 $0x200, v22;
	v27 =	vld.idx.msk [tilespmem:v27+s4+$0x0], $0xffff;
	[tilespmem:s30+$0x170] =	vst v25  }
0x1b4: {  	[tilespmem:s30+$0xFFFFFFC0] =	vst v28;
	v25 =	vor.u32 $0x280, v11;
	v14 =	vld.idx.msk [tilespmem:v14+s4+$0x0], $0xffff  }
0x1b5: {  	v28 =	vor.u32 $0x280, v10;
	[tilespmem:s30+$0xFFFFFFD0] =	vst v15;
	v17 =	vld.idx.msk [tilespmem:v17+s4+$0x0], $0xffff  }
0x1b6: {  	v15 =	vor.u32 $0x280, v12;
	v20 =	vld.idx.msk [tilespmem:v20+s4+$0x0], $0xffff;
	[tilespmem:s30+$0xFFFFFFE0] =	vst v16  }
0x1b7: {  	v16 =	vor.u32 $0x280, v18;
	[tilespmem:s30+$0x0] =	vst v24;
	v23 =	vld.idx.msk [tilespmem:v23+s4+$0x0], $0xffff  }
0x1b8: {  	v24 =	vor.u32 $0x280, v13;
	[tilespmem:s30+$0x10] =	vst v19;
	v19 =	vld.idx.msk [tilespmem:v26+s4+$0x0], $0xffff  }
0x1b9: {  	v26 =	vor.u32 $0x280, v21;
	v25 =	vld.idx.msk [tilespmem:v25+s4+$0x0], $0xffff;
	[tilespmem:s30+$0x20] =	vst v27  }
0x1ba: {  	v27 =	vor.u32 $0x280, v22;
	v28 =	vld.idx.msk [tilespmem:v28+s4+$0x0], $0xffff;
	[tilespmem:s30+$0x1F0] =	vst v14  }
0x1bb: {  	v14 =	vor.u32 $0x300, v11;
	v15 =	vld.idx.msk [tilespmem:v15+s4+$0x0], $0xffff;
	[tilespmem:s30+$0x30] =	vst v17  }
0x1bc: {  	v29 =	vor.u32 $0x300, v10;
	v30 =	vld.idx.msk [tilespmem:v16+s4+$0x0], $0xffff;
	[tilespmem:s30+$0x40] =	vst v20  }
0x1bd: {  	v31 =	vor.u32 $0x300, v12;
	v32 =	vld.idx.msk [tilespmem:v24+s4+$0x0], $0xffff;
	[tilespmem:s30+$0x50] =	vst v23  }
0x1be: {  	v33 =	vor.u32 $0x300, v18;
	v26 =	vld.idx.msk [tilespmem:v26+s4+$0x0], $0xffff;
	[tilespmem:s30+$0x60] =	vst v19  }
0x1bf: {  	[tilespmem:s30+$0x80] =	vst v25;
	v24 =	vld.idx.msk [tilespmem:v27+s4+$0x0], $0xffff  }
0x1c0: {  	v17 =	vor.u32 $0x300, v22;
	[tilespmem:s30+$0x90] =	vst v28;
	v23 =	vld.idx.msk [tilespmem:v14+s4+$0x0], $0xffff  }
0x1c1: {  	v20 =	vor.u32 $0x300, v21;
	v16 =	vor.u32 $0x380, v10;
	v10 =	vor.u32 $0x380, v22;
	v27 =	vld.idx.msk [tilespmem:v29+s4+$0x0], $0xffff;
	[tilespmem:s30+$0xA0] =	vst v15  }
0x1c2: {  	s24 =	sadd.s32 $0x1, s24;
	s15 =	sadd.s32 $0x80, s26;
	s31 =	ssub.s32 $0x21C0, s1;
	v19 =	vor.u32 $0x300, v13;
	v15 =	vor.u32 $0x380, v12;
	v12 =	vor.u32 $0x380, v18;
	v18 =	vld.idx.msk [tilespmem:v31+s4+$0x0], $0xffff;
	[tilespmem:s30+$0xB0] =	vst v30  }
0x1c3: {  	s1 =	smul.u32 $0xFFFF4000, s0;
	s0 =	simm.s32 $0x13200;
	s2 =	simm.s32 $0x0;
	v13 =	vor.u32 $0x380, v13;
	v14 =	vor.u32 $0x380, v11;
	v11 =	vor.u32 $0x380, v21;
	v21 =	vld.idx.msk [tilespmem:v33+s4+$0x0], $0xffff;
	[tilespmem:s30+$0xC0] =	vst v32  }
.LBB2_8:
0x1c4: {  	v22 =	vld.idx.msk [tilespmem:v9+s15+$0x30 ss:$0x1], $0xffff;
	s2 =	sadd.s32 $0x8, s2;
	[tilespmem:s30+$0xD0] =	vst v26  }
0x1c5: {  	v25 =	vld.idx.msk [tilespmem:v9+s15+$0xFFFFFFC0 ss:$0x1], $0xffff;
	p2 =	slt.u32 s2, $0x78;
	[tilespmem:s30+$0xE0] =	vst v24  }
0x1c6: {  	s16 =	sadd.s32 s29, s15;
	v24 =	vld.idx.msk [tilespmem:v9+s15+$0xFFFFFFD0 ss:$0x1], $0xffff;
	[tilespmem:s30+$0x100] =	vst v23  }
0x1c7: {  	v23 =	vld [tilespmem:s16+$0x1070];
	[tilespmem:s30+$0x110] =	vst v27  }
0x1c8: {  	v26 =	vld.idx.msk [tilespmem:v9+s15+$0xFFFFFFE0 ss:$0x1], $0xffff;
	[tilespmem:s30+$0x120] =	vst v18  }
0x1c9: {  	v18 =	vld.idx.msk [tilespmem:v9+s15+$0xFFFFFFF0 ss:$0x1], $0xffff;
	[tilespmem:s30+$0x130] =	vst v21  }
0x1ca: {  	v22 =	vmul.u32 v8, v22;
	v21 =	vld.idx.msk [tilespmem:v9+s15+$0x0 ss:$0x1], $0xffff  }
0x1cb: {  	v25 =	vmul.u32 v8, v25;
	v27 =	vld.idx.msk [tilespmem:v9+s15+$0x10 ss:$0x1], $0xffff  }
0x1cc: {  	v24 =	vmul.u32 v8, v24;
	v28 =	vld.idx.msk [tilespmem:v9+s15+$0x20 ss:$0x1], $0xffff;
	v22 =	vadd.s32 v23, v22  }
0x1cd: {  	v23 =	vld [tilespmem:s16+$0x1000];
	v29 =	vshll.u32 v22, $0x3  }
0x1ce: {  	v26 =	vmul.u32 v8, v26;
	v22 =	vand.u32 $0x7F, v22;
	v30 =	vld [tilespmem:s16+$0x1010];
	v29 =	vand.u32 $0xFC00, v29  }
0x1cf: {  	v32 =	vmul.u32 v8, v18;
	v31 =	vld [tilespmem:s16+$0x1020];
	v18 =	vor.u32 v22, v29  }
0x1d0: {  	v21 =	vmul.u32 v8, v21;
	v22 =	vld [tilespmem:s16+$0x1030]  }
0x1d1: {  	v27 =	vmul.u32 v8, v27;
	v29 =	vld [tilespmem:s16+$0x1040]  }
0x1d2: {  	v28 =	vmul.u32 v8, v28;
	v23 =	vadd.s32 v23, v25;
	v25 =	vld [tilespmem:s16+$0x1050]  }
0x1d3: {  	v33 =	vshll.u32 v23, $0x3;
	v23 =	vand.u32 $0x7F, v23;
	v24 =	vadd.s32 v30, v24;
	v30 =	vld [tilespmem:s16+$0x1060]  }
0x1d4: {  	v33 =	vand.u32 $0xFC00, v33;
	v34 =	vshll.u32 v24, $0x3;
	v26 =	vadd.s32 v31, v26;
	v31 =	vld.idx.msk [tilespmem:v18+s4+$0x0], $0xffff  }
0x1d5: {  	v34 =	vand.u32 $0xFC00, v34;
	v35 =	vshll.u32 v26, $0x3;
	v22 =	vadd.s32 v22, v32;
	v19 =	vld.idx.msk [tilespmem:v19+s4+$0x0], $0xffff  }
0x1d6: {  	v32 =	vshll.u32 v22, $0x3;
	v21 =	vadd.s32 v29, v21;
	v29 =	vor.u32 $0x80, v18;
	v20 =	vld.idx.msk [tilespmem:v20+s4+$0x0], $0xffff  }
0x1d7: {  	v35 =	vand.u32 $0xFC00, v35;
	v36 =	vshll.u32 v21, $0x3;
	v25 =	vadd.s32 v25, v27;
	v17 =	vld.idx.msk [tilespmem:v17+s4+$0x0], $0xffff  }
0x1d8: {  	v27 =	vand.u32 $0xFC00, v32;
	v32 =	vshll.u32 v25, $0x3;
	v28 =	vadd.s32 v30, v28;
	v14 =	vld.idx.msk [tilespmem:v14+s4+$0x0], $0xffff  }
0x1d9: {  	s30 =	sadd.s32 $0x400, s30;
	v30 =	vand.u32 $0xFC00, v36;
	v32 =	vand.u32 $0xFC00, v32;
	v36 =	vshll.u32 v28, $0x3;
	v16 =	vld.idx.msk [tilespmem:v16+s4+$0x0], $0xffff  }
0x1da: {  	v24 =	vand.u32 $0x7F, v24;
	v26 =	vand.u32 $0x7F, v26;
	v36 =	vand.u32 $0xFC00, v36;
	[tilespmem:s30+$0xFFFFFE70] =	vst v31;
	v15 =	vld.idx.msk [tilespmem:v15+s4+$0x0], $0xffff  }
0x1db: {  	v22 =	vand.u32 $0x7F, v22;
	v21 =	vand.u32 $0x7F, v21;
	v25 =	vand.u32 $0x7F, v25;
	v29 =	vld.idx.msk [tilespmem:v29+s4+$0x0], $0xffff;
	[tilespmem:s0+$0x140] =	vst v19  }
0x1dc: {  	v31 =	vor.u32 v23, v33;
	v33 =	vor.u32 v24, v34;
	v19 =	vand.u32 $0x7F, v28;
	v12 =	vld.idx.msk [tilespmem:v12+s4+$0x0], $0xffff;
	[tilespmem:s0+$0x150] =	vst v20  }
0x1dd: {  	v34 =	vor.u32 v26, v35;
	v35 =	vor.u32 v22, v27;
	v20 =	vor.u32 $0x100, v18;
	v13 =	vld.idx.msk [tilespmem:v13+s4+$0x0], $0xffff;
	[tilespmem:s0+$0x160] =	vst v17  }
0x1de: {  	v30 =	vor.u32 v21, v30;
	v32 =	vor.u32 v25, v32;
	v36 =	vor.u32 v19, v36;
	v11 =	vld.idx.msk [tilespmem:v11+s4+$0x0], $0xffff  }
0x1df: {  	v22 =	vor.u32 $0x80, v34;
	v19 =	vor.u32 $0x80, v33;
	v17 =	vor.u32 $0x80, v31;
	[tilespmem:s0+$0x180] =	vst v14;
	v10 =	vld.idx.msk [tilespmem:v10+s4+$0x0], $0xffff  }
0x1e0: {  	v38 =	vor.u32 $0x80, v30;
	v37 =	vor.u32 $0x80, v35;
	v39 =	vor.u32 $0x80, v32;
	[tilespmem:s0+$0x190] =	vst v16  }
0x1e1: {  	v40 =	vor.u32 $0x100, v31;
	v41 =	vor.u32 $0x100, v33;
	v42 =	vor.u32 $0x80, v36;
	v14 =	vld.idx.msk [tilespmem:v31+s4+$0x0], $0xffff;
	[tilespmem:s30+$0xFFFFFEF0] =	vst v29  }
0x1e2: {  	v44 =	vor.u32 $0x100, v30;
	v43 =	vor.u32 $0x100, v35;
	v29 =	vor.u32 $0x100, v34;
	v16 =	vld.idx.msk [tilespmem:v20+s4+$0x0], $0xffff;
	[tilespmem:s0+$0x1A0] =	vst v15  }
0x1e3: {  	v45 =	vor.u32 $0x180, v31;
	v46 =	vor.u32 $0x100, v32;
	v47 =	vor.u32 $0x100, v36;
	v15 =	vld.idx.msk [tilespmem:v33+s4+$0x0], $0xffff;
	[tilespmem:s0+$0x1B0] =	vst v12  }
0x1e4: {  	v48 =	vor.u32 $0x180, v33;
	v49 =	vor.u32 $0x180, v34;
	v20 =	vor.u32 $0x180, v18;
	v12 =	vld.idx.msk [tilespmem:v34+s4+$0x0], $0xffff;
	[tilespmem:s0+$0x1C0] =	vst v13  }
0x1e5: {  	v51 =	vor.u32 $0x180, v30;
	v50 =	vor.u32 $0x180, v35;
	v52 =	vor.u32 $0x180, v32;
	v13 =	vld.idx.msk [tilespmem:v35+s4+$0x0], $0xffff;
	[tilespmem:s0+$0x1D0] =	vst v11  }
0x1e6: {  	v53 =	vor.u32 $0x200, v31;
	v54 =	vor.u32 $0x200, v33;
	v55 =	vor.u32 $0x180, v36;
	v11 =	vld.idx.msk [tilespmem:v30+s4+$0x0], $0xffff;
	[tilespmem:s0+$0x1E0] =	vst v10;
	s0 =	smov.u32 s30  }
0x1e7: {  	v58 =	vor.u32 $0x200, v30;
	v56 =	vor.u32 $0x200, v34;
	v57 =	vor.u32 $0x200, v35;
	[tilespmem:s30+$0xFFFFFE00] =	vst v14;
	v10 =	vld.idx.msk [tilespmem:v32+s4+$0x0], $0xffff  }
0x1e8: {  	v26 =	vor.u32 $0x280, v31;
	v59 =	vor.u32 $0x200, v32;
	v61 =	vor.u32 $0x200, v36;
	v60 =	vld.idx.msk [tilespmem:v36+s4+$0x0], $0xffff;
	[tilespmem:s30+$0xFFFFFF70] =	vst v16  }
0x1e9: {  	v62 =	vor.u32 $0x280, v33;
	v63 =	vor.u32 $0x280, v34;
	v27 =	vor.u32 $0x280, v35;
	[tilespmem:s30+$0xFFFFFE10] =	vst v15;
	v0 =	vld.idx.msk [tilespmem:v20+s4+$0x0], $0xffff  }
0x1ea: {  	v2 =	vor.u32 $0x280, v30;
	v28 =	vor.u32 $0x280, v32;
	v24 =	vor.u32 $0x280, v36;
	v1 =	vld.idx.msk [tilespmem:v17+s4+$0x0], $0xffff;
	[tilespmem:s30+$0xFFFFFE20] =	vst v12  }
0x1eb: {  	v4 =	vor.u32 $0x200, v18;
	v23 =	vor.u32 $0x300, v31;
	v21 =	vor.u32 $0x300, v33;
	v3 =	vld.idx.msk [tilespmem:v19+s4+$0x0], $0xffff;
	[tilespmem:s30+$0xFFFFFE30] =	vst v13  }
0x1ec: {  	v25 =	vor.u32 $0x300, v34;
	v19 =	vor.u32 $0x300, v30;
	v5 =	vld.idx.msk [tilespmem:v22+s4+$0x0], $0xffff;
	v22 =	vor.u32 $0x300, v35;
	[tilespmem:s30+$0xFFFFFE40] =	vst v11  }
0x1ed: {  	v14 =	vor.u32 $0x380, v31;
	v20 =	vor.u32 $0x300, v32;
	v17 =	vor.u32 $0x300, v36;
	v31 =	vld.idx.msk [tilespmem:v37+s4+$0x0], $0xffff;
	[tilespmem:s30+$0xFFFFFE50] =	vst v10  }
0x1ee: {  	v16 =	vor.u32 $0x380, v33;
	v15 =	vor.u32 $0x380, v34;
	v12 =	vor.u32 $0x380, v35;
	v33 =	vld.idx.msk [tilespmem:v38+s4+$0x0], $0xffff;
	[tilespmem:s30+$0xFFFFFE60] =	vst v60  }
0x1ef: {  	v13 =	vor.u32 $0x380, v30;
	v11 =	vor.u32 $0x380, v32;
	v10 =	vor.u32 $0x380, v36;
	v30 =	vld.idx.msk [tilespmem:v39+s4+$0x0], $0xffff;
	[tilespmem:s30+$0xFFFFFFF0] =	vst v0  }
0x1f0: {  	[tilespmem:s30+$0xFFFFFE80] =	vst v1;
	v0 =	vld.idx.msk [tilespmem:v4+s4+$0x0], $0xffff  }
0x1f1: {  	[tilespmem:s30+$0xFFFFFE90] =	vst v3;
	v1 =	vld.idx.msk [tilespmem:v42+s4+$0x0], $0xffff  }
0x1f2: {  	v4 =	vor.u32 $0x280, v18;
	v3 =	vld.idx.msk [tilespmem:v40+s4+$0x0], $0xffff;
	[tilespmem:s30+$0xFFFFFEA0] =	vst v5  }
0x1f3: {  	v5 =	vld.idx.msk [tilespmem:v41+s4+$0x0], $0xffff;
	[tilespmem:s30+$0xFFFFFEB0] =	vst v31  }
0x1f4: {  	v29 =	vld.idx.msk [tilespmem:v29+s4+$0x0], $0xffff;
	[tilespmem:s30+$0xFFFFFEC0] =	vst v33  }
0x1f5: {  	v31 =	vld.idx.msk [tilespmem:v43+s4+$0x0], $0xffff;
	[tilespmem:s30+$0xFFFFFED0] =	vst v30  }
0x1f6: {  	v30 =	vld.idx.msk [tilespmem:v44+s4+$0x0], $0xffff;
	[tilespmem:s30+$0x70] =	vst v0  }
0x1f7: {  	[tilespmem:s30+$0xFFFFFEE0] =	vst v1;
	v0 =	vld.idx.msk [tilespmem:v4+s4+$0x0], $0xffff  }
0x1f8: {  	[tilespmem:s30+$0xFFFFFF00] =	vst v3;
	v1 =	vld.idx.msk [tilespmem:v46+s4+$0x0], $0xffff  }
0x1f9: {  	v4 =	vor.u32 $0x300, v18;
	[tilespmem:s30+$0xFFFFFF10] =	vst v5;
	v3 =	vld.idx.msk [tilespmem:v47+s4+$0x0], $0xffff  }
0x1fa: {  	v5 =	vld.idx.msk [tilespmem:v45+s4+$0x0], $0xffff;
	[tilespmem:s30+$0xFFFFFF20] =	vst v29  }
0x1fb: {  	v29 =	vld.idx.msk [tilespmem:v48+s4+$0x0], $0xffff;
	[tilespmem:s30+$0xFFFFFF30] =	vst v31  }
0x1fc: {  	v31 =	vld.idx.msk [tilespmem:v49+s4+$0x0], $0xffff;
	[tilespmem:s30+$0xFFFFFF40] =	vst v30  }
0x1fd: {  	v30 =	vld.idx.msk [tilespmem:v50+s4+$0x0], $0xffff;
	[tilespmem:s30+$0xF0] =	vst v0  }
0x1fe: {  	[tilespmem:s30+$0xFFFFFF50] =	vst v1;
	v0 =	vld.idx.msk [tilespmem:v4+s4+$0x0], $0xffff  }
0x1ff: {  	v1 =	vld.idx.msk [tilespmem:v51+s4+$0x0], $0xffff;
	[tilespmem:s30+$0xFFFFFF60] =	vst v3  }
0x200: {  	v4 =	vor.u32 $0x380, v18;
	[tilespmem:s30+$0xFFFFFF80] =	vst v5;
	v3 =	vld.idx.msk [tilespmem:v52+s4+$0x0], $0xffff  }
0x201: {  	[tilespmem:s30+$0xFFFFFF90] =	vst v29;
	v5 =	vld.idx.msk [tilespmem:v55+s4+$0x0], $0xffff  }
0x202: {  	v18 =	vld.idx.msk [tilespmem:v53+s4+$0x0], $0xffff;
	[tilespmem:s30+$0xFFFFFFA0] =	vst v31  }
0x203: {  	v29 =	vld.idx.msk [tilespmem:v54+s4+$0x0], $0xffff;
	[tilespmem:s30+$0xFFFFFFB0] =	vst v30  }
0x204: {  	v30 =	vld.idx.msk [tilespmem:v56+s4+$0x0], $0xffff;
	[tilespmem:s30+$0x170] =	vst v0  }
0x205: {  	[tilespmem:s30+$0xFFFFFFC0] =	vst v1;
	v0 =	vld.idx.msk [tilespmem:v4+s4+$0x0], $0xffff  }
0x206: {  	v1 =	vld.idx.msk [tilespmem:v57+s4+$0x0], $0xffff;
	[tilespmem:s30+$0xFFFFFFD0] =	vst v3  }
0x207: {  	v3 =	vld.idx.msk [tilespmem:v58+s4+$0x0], $0xffff;
	[tilespmem:s30+$0xFFFFFFE0] =	vst v5  }
0x208: {  	[tilespmem:s30+$0x0] =	vst v18;
	v4 =	vld.idx.msk [tilespmem:v59+s4+$0x0], $0xffff  }
0x209: {  	[tilespmem:s30+$0x10] =	vst v29;
	v5 =	vld.idx.msk [tilespmem:v61+s4+$0x0], $0xffff  }
0x20a: {  	v18 =	vld.idx.msk [tilespmem:v26+s4+$0x0], $0xffff;
	[tilespmem:s30+$0x20] =	vst v30  }
0x20b: {  	v29 =	vld.idx.msk [tilespmem:v62+s4+$0x0], $0xffff;
	[tilespmem:s30+$0x1F0] =	vst v0  }
0x20c: {  	v0 =	vld.idx.msk [tilespmem:v63+s4+$0x0], $0xffff;
	[tilespmem:s30+$0x30] =	vst v1  }
0x20d: {  	v1 =	vld.idx.msk [tilespmem:v27+s4+$0x0], $0xffff;
	[tilespmem:s30+$0x40] =	vst v3  }
0x20e: {  	v2 =	vld.idx.msk [tilespmem:v2+s4+$0x0], $0xffff;
	[tilespmem:s30+$0x50] =	vst v4  }
0x20f: {  	v26 =	vld.idx.msk [tilespmem:v28+s4+$0x0], $0xffff;
	[tilespmem:s30+$0x60] =	vst v5  }
.Ltmp3:
0x210: {  	[tilespmem:s30+$0x80] =	vst v18;
	v24 =	vld.idx.msk [tilespmem:v24+s4+$0x0], $0xffff;
	(pc) =	sbr.rel @p2 .LBB2_8-.Ltmp3, $4  }
0x211: {  	v23 =	vld.idx.msk [tilespmem:v23+s4+$0x0], $0xffff;
	[tilespmem:s30+$0x90] =	vst v29  }
0x212: {  	v27 =	vld.idx.msk [tilespmem:v21+s4+$0x0], $0xffff;
	[tilespmem:s30+$0xA0] =	vst v0  }
0x213: {  	v18 =	vld.idx.msk [tilespmem:v25+s4+$0x0], $0xffff;
	[tilespmem:s30+$0xB0] =	vst v1  }
0x214: {  	s15 =	sadd.s32 $0x80, s15;
	v21 =	vld.idx.msk [tilespmem:v22+s4+$0x0], $0xffff;
	[tilespmem:s30+$0xC0] =	vst v2  }
0x215: {  	_ =	sdelay $0x2  }
0x216: {  	[tilespmem:s30+$0xD0] =	vst v26  }
0x217: {  	[tilespmem:s30+$0xE0] =	vst v24;
	v0 =	vld.idx.msk [tilespmem:v19+s4+$0x0], $0xffff  }
0x218: {  	[tilespmem:s30+$0x100] =	vst v23;
	v1 =	vld.idx.msk [tilespmem:v20+s4+$0x0], $0xffff  }
0x219: {  	v2 =	vld.idx.msk [tilespmem:v17+s4+$0x0], $0xffff;
	[tilespmem:s30+$0x110] =	vst v27  }
0x21a: {  	v3 =	vld.idx.msk [tilespmem:v14+s4+$0x0], $0xffff;
	[tilespmem:s30+$0x120] =	vst v18  }
0x21b: {  	v4 =	vld.idx.msk [tilespmem:v16+s4+$0x0], $0xffff;
	[tilespmem:s30+$0x130] =	vst v21  }
0x21c: {  	v5 =	vld.idx.msk [tilespmem:v15+s4+$0x0], $0xffff;
	[tilespmem:s0+$0x140] =	vst v0  }
0x21d: {  	v33 =	vld.idx.msk [tilespmem:v12+s4+$0x0], $0xffff;
	[tilespmem:s0+$0x150] =	vst v1  }
0x21e: {  	v34 =	vld.idx.msk [tilespmem:v13+s4+$0x0], $0xffff;
	[tilespmem:s0+$0x160] =	vst v2  }
0x21f: {  	v35 =	vld.idx.msk [tilespmem:v11+s4+$0x0], $0xffff;
	[tilespmem:s0+$0x180] =	vst v3  }
0x220: {  	v36 =	vld.idx.msk [tilespmem:v10+s4+$0x0], $0xffff;
	[tilespmem:s0+$0x190] =	vst v4  }
0x221: {  	[tilespmem:s0+$0x1A0] =	vst v5  }
0x222: {  	[tilespmem:s0+$0x1B0] =	vst v33  }
0x223: {  	s2 =	sshll.u32 s28, $0xF;
	[tilespmem:s0+$0x1C0] =	vst v34  }
0x224: {  	s28 =	sor.u32 s10, s2;
	s30 =	sshra.s32 s1, $0x2;
	[tilespmem:s0+$0x1D0] =	vst v35  }
0x225: {  	s31 =	sshra.s32 s31, $0x2;
	s16 =	sadd.s32 s3, s28;
	v10 =	vmov s30;
	[tilespmem:s0+$0x1E0] =	vst v36;
	s0 =	simm.s32 @!p1 $0x2  }
0x226: {  	v11 =	vmov s31;
	[hbm4b:s16+s4] =	stream.linear.scatter [tilespmem:s19], [sflag:$0x1], $0x4000, $0x38;
	[tilespmem:$0x1B040] =	vst v63  }
0x227: {  	_ =	swait.ge @!p1 [sflag:s0], $0x4000  }
0x228: {  	v12 =	vmov s29;
	[sflag:s0] =	ssyncset.done @!p1 $0x0  }
0x229: {  	[sflag:s0] =	ssyncadd.s32 @!p1 $0xFFFFC000  }
0x22a: {  	v37 =	vld.idx.msk [tilespmem:v10+s26+$0x850 ss:$0x1], $0xffff  }
0x22b: {  	v38 =	vld.idx.msk [tilespmem:v11+s26+$0x0 ss:$0x1], $0xffff  }
0x22c: {  	v39 =	vld.idx.msk [tilespmem:v10+s26+$0x860 ss:$0x1], $0xffff  }
0x22d: {  	v40 =	vld.idx.msk [tilespmem:v12+s26+$0x1850 ss:$0x1], $0xffff  }
0x22e: {  	v4 =	vld.idx.msk [tilespmem:v12+s26+$0x1870 ss:$0x1], $0xffff  }
0x22f: {  	v5 =	vld.idx.msk [tilespmem:v12+s26+$0x1860 ss:$0x1], $0xffff  }
0x230: {  	v9 =	vld.idx.msk [tilespmem:v10+s26+$0x800 ss:$0x1], $0xffff  }
0x231: {  	v13 =	vld.idx.msk [tilespmem:v10+s26+$0x830 ss:$0x1], $0xffff  }
0x232: {  	v14 =	vld.idx.msk [tilespmem:v12+s26+$0x1800 ss:$0x1], $0xffff  }
0x233: {  	v41 =	vld.idx.msk [tilespmem:v12+s26+$0x1830 ss:$0x1], $0xffff  }
0x234: {  	v15 =	vld.idx.msk [tilespmem:v10+s26+$0x820 ss:$0x1], $0xffff;
	_ =	sdelay $0x1  }
0x235: {  	v0 =	vmul.u32 v8, v37;
	v1 =	vmul.u32 v8, v38;
	v2 =	vmul.u32 v8, v39  }
0x236: {  	v9 =	vmul.u32 v8, v9;
	v13 =	vmul.u32 v8, v13  }
0x237: {  	v0 =	vadd.s32 v40, v0;
	v1 =	vadd.s32 v4, v1;
	v2 =	vadd.s32 v5, v2  }
0x238: {  	v19 =	vld.idx.msk [tilespmem:v12+s26+$0x1820 ss:$0x1], $0xffff;
	v42 =	vadd.s32 v14, v9;
	v3 =	vadd.s32 v41, v13;
	v14 =	vmul.u32 v8, v15  }
0x239: {  	v4 =	vshll.u32 v0, $0x3;
	v16 =	vshll.u32 v1, $0x3;
	v18 =	vshll.u32 v2, $0x3  }
0x23a: {  	v5 =	vld.idx.msk [tilespmem:v10+s26+$0x810 ss:$0x1], $0xffff;
	v2 =	vand.u32 $0x7F, v2;
	v1 =	vand.u32 $0x7F, v1;
	v16 =	vand.u32 $0xFC00, v16  }
0x23b: {  	v0 =	vand.u32 $0x7F, v0;
	v13 =	vshll.u32 v3, $0x3;
	v17 =	vor.u32 v1, v16  }
0x23c: {  	v43 =	vld.idx.msk [tilespmem:v12+s26+$0x1810 ss:$0x1], $0xffff;
	v3 =	vand.u32 $0x7F, v3;
	v4 =	vand.u32 $0xFC00, v4;
	v13 =	vand.u32 $0xFC00, v13  }
0x23d: {  	v44 =	vadd.s32 v19, v14;
	v9 =	vor.u32 v0, v4;
	v4 =	vshll.u32 v42, $0x3;
	v16 =	vld.idx.msk [tilespmem:v10+s26+$0x840 ss:$0x1], $0xffff  }
0x23e: {  	v1 =	vand.u32 $0x7F, v42;
	v13 =	vor.u32 v3, v13;
	v4 =	vand.u32 $0xFC00, v4  }
0x23f: {  	v20 =	vld.idx.msk [tilespmem:v12+s26+$0x1840 ss:$0x1], $0xffff;
	v14 =	vand.u32 $0xFC00, v18;
	v5 =	vmul.u32 v8, v5;
	v15 =	vor.u32 v1, v4  }
0x240: {  	v45 =	vshll.u32 v44, $0x3;
	v14 =	vor.u32 v2, v14;
	v3 =	vand.u32 $0x7F, v44;
	v46 =	vld.idx.msk [tilespmem:v17+s4+$0x0], $0xffff  }
0x241: {  	v1 =	vand.u32 $0xFC00, v45;
	v0 =	vadd.s32 v43, v5;
	v5 =	vor.u32 $0x80, v17  }
0x242: {  	v4 =	vmul.u32 v8, v16;
	v22 =	vld.idx.msk [tilespmem:v9+s4+$0x0], $0xffff;
	v16 =	vor.u32 v3, v1  }
0x243: {  	v21 =	vor.u32 $0x80, v9;
	v50 =	vor.u32 $0x80, v13;
	v18 =	vshll.u32 v0, $0x3;
	v48 =	vld.idx.msk [tilespmem:v13+s4+$0x0], $0xffff  }
0x244: {  	s29 =	simm.s32 $0x17000;
	v0 =	vand.u32 $0x7F, v0;
	v47 =	vand.u32 $0xFC00, v18;
	v4 =	vadd.s32 v20, v4;
	v20 =	vld.idx.msk [tilespmem:v15+s4+$0x0], $0xffff  }
0x245: {  	v18 =	vor.u32 v0, v47;
	v49 =	vshll.u32 v4, $0x3;
	v51 =	vand.u32 $0x7F, v4;
	v4 =	vld.idx.msk [tilespmem:v14+s4+$0x0], $0xffff;
	[tilespmem:s29+$0x70] =	vst v46  }
0x246: {  	v53 =	vor.u32 $0x80, v15;
	v52 =	vld.idx.msk [tilespmem:v5+s4+$0x0], $0xffff  }
0x247: {  	v24 =	vor.u32 $0x80, v14;
	v0 =	vand.u32 $0xFC00, v49;
	[tilespmem:s29+$0x50] =	vst v22;
	v5 =	vld.idx.msk [tilespmem:v16+s4+$0x0], $0xffff  }
0x248: {  	v19 =	vor.u32 v51, v0;
	[tilespmem:s29+$0x30] =	vst v48;
	v21 =	vld.idx.msk [tilespmem:v21+s4+$0x0], $0xffff  }
0x249: {  	v22 =	vor.u32 $0x100, v17;
	v1 =	vld.idx.msk [tilespmem:v50+s4+$0x0], $0xffff  }
0x24a: {  	v23 =	vor.u32 $0x80, v16;
	v54 =	vld.idx.msk [tilespmem:v18+s4+$0x0], $0xffff;
	[tilespmem:s29+$0x0] =	vst v20  }
0x24b: {  	v26 =	vor.u32 $0x100, v9;
	v2 =	vld.idx.msk [tilespmem:v53+s4+$0x0], $0xffff;
	[tilespmem:s29+$0x60] =	vst v4  }
0x24c: {  	v55 =	vor.u32 $0x100, v13;
	v56 =	vld.idx.msk [tilespmem:v24+s4+$0x0], $0xffff;
	[tilespmem:s29+$0xF0] =	vst v52  }
0x24d: {  	v20 =	vor.u32 $0x80, v18;
	v25 =	vld.idx.msk [tilespmem:v19+s4+$0x0], $0xffff;
	[tilespmem:s29+$0x20] =	vst v5  }
0x24e: {  	v24 =	vor.u32 $0x80, v19;
	[tilespmem:s29+$0xD0] =	vst v21;
	v5 =	vld.idx.msk [tilespmem:v22+s4+$0x0], $0xffff  }
0x24f: {  	[tilespmem:s29+$0xB0] =	vst v1;
	v22 =	vor.u32 $0x100, v15;
	v23 =	vld.idx.msk [tilespmem:v23+s4+$0x0], $0xffff  }
0x250: {  	v21 =	vor.u32 $0x100, v14;
	[tilespmem:s29+$0x10] =	vst v54;
	v57 =	vld.idx.msk [tilespmem:v26+s4+$0x0], $0xffff  }
0x251: {  	v4 =	vor.u32 $0x180, v17;
	v0 =	vld.idx.msk [tilespmem:v55+s4+$0x0], $0xffff;
	[tilespmem:s29+$0x80] =	vst v2  }
0x252: {  	v26 =	vor.u32 $0x100, v16;
	v20 =	vld.idx.msk [tilespmem:v20+s4+$0x0], $0xffff;
	[tilespmem:s29+$0x40] =	vst v25  }
0x253: {  	[tilespmem:s29+$0xE0] =	vst v56;
	v25 =	vor.u32 $0x100, v18;
	v24 =	vld.idx.msk [tilespmem:v24+s4+$0x0], $0xffff  }
0x254: {  	v2 =	vld.idx.msk [tilespmem:v22+s4+$0x0], $0xffff;
	v22 =	vor.u32 $0x180, v9;
	[tilespmem:s29+$0x170] =	vst v5  }
0x255: {  	v21 =	vld.idx.msk [tilespmem:v21+s4+$0x0], $0xffff;
	v5 =	vor.u32 $0x180, v13;
	[tilespmem:s29+$0xA0] =	vst v23  }
0x256: {  	v58 =	vor.u32 $0x180, v15;
	[tilespmem:s29+$0x150] =	vst v57;
	v4 =	vld.idx.msk [tilespmem:v4+s4+$0x0], $0xffff  }
0x257: {  	v23 =	vld.idx.msk [tilespmem:v26+s4+$0x0], $0xffff;
	v26 =	vor.u32 $0x100, v19;
	[tilespmem:s29+$0x90] =	vst v20  }
0x258: {  	[tilespmem:s29+$0x130] =	vst v0;
	v20 =	vor.u32 $0x180, v14;
	v61 =	vld.idx.msk [tilespmem:v25+s4+$0x0], $0xffff  }
0x259: {  	v59 =	vor.u32 $0x200, v17;
	[tilespmem:s29+$0xC0] =	vst v24;
	v60 =	vld.idx.msk [tilespmem:v22+s4+$0x0], $0xffff  }
0x25a: {  	v5 =	vld.idx.msk [tilespmem:v5+s4+$0x0], $0xffff;
	[tilespmem:s29+$0x100] =	vst v2;
	v22 =	vor.u32 $0x180, v16  }
0x25b: {  	v25 =	vor.u32 $0x200, v13;
	[tilespmem:s29+$0x160] =	vst v21;
	v3 =	vld.idx.msk [tilespmem:v58+s4+$0x0], $0xffff  }
0x25c: {  	[tilespmem:s29+$0x1F0] =	vst v4;
	v4 =	vor.u32 $0x200, v9;
	v26 =	vld.idx.msk [tilespmem:v26+s4+$0x0], $0xffff  }
0x25d: {  	v24 =	vor.u32 $0x200, v15;
	v27 =	vld.idx.msk [tilespmem:v20+s4+$0x0], $0xffff  }
0x25e: {  	v62 =	vor.u32 $0x200, v14;
	[tilespmem:s29+$0x120] =	vst v23;
	v1 =	vld.idx.msk [tilespmem:v59+s4+$0x0], $0xffff  }
0x25f: {  	v23 =	vor.u32 $0x280, v17;
	v28 =	vld.idx.msk [tilespmem:v22+s4+$0x0], $0xffff;
	[tilespmem:s29+$0x1B0] =	vst v5  }
0x260: {  	v5 =	vor.u32 $0x180, v19;
	[tilespmem:s29+$0x1D0] =	vst v60;
	v20 =	vld.idx.msk [tilespmem:v25+s4+$0x0], $0xffff  }
0x261: {  	v63 =	vor.u32 $0x180, v18;
	[tilespmem:s29+$0x180] =	vst v3;
	v4 =	vld.idx.msk [tilespmem:v4+s4+$0x0], $0xffff  }
0x262: {  	v31 =	vor.u32 $0x200, v16;
	[tilespmem:s29+$0x1E0] =	vst v27;
	v21 =	vld.idx.msk [tilespmem:v24+s4+$0x0], $0xffff  }
0x263: {  	[tilespmem:s29+$0x270] =	vst v1;
	v25 =	vld.idx.msk [tilespmem:v62+s4+$0x0], $0xffff  }
0x264: {  	v29 =	vor.u32 $0x280, v9;
	[tilespmem:s29+$0x140] =	vst v26;
	v23 =	vld.idx.msk [tilespmem:v23+s4+$0x0], $0xffff  }
0x265: {  	v30 =	vor.u32 $0x280, v15;
	[tilespmem:s29+$0x110] =	vst v61;
	v22 =	vld.idx.msk [tilespmem:v5+s4+$0x0], $0xffff  }
0x266: {  	v27 =	vor.u32 $0x300, v17;
	v24 =	vld.idx.msk [tilespmem:v63+s4+$0x0], $0xffff;
	[tilespmem:s29+$0x1A0] =	vst v28  }
0x267: {  	s2 =	simm.s32 $0x17000;
	s1 =	sadd.s32 $0x80, s26;
	s0 =	simm.s32 $0x0;
	v28 =	vor.u32 $0x280, v14;
	v26 =	vld.idx.msk [tilespmem:v31+s4+$0x0], $0xffff;
	[tilespmem:s29+$0x250] =	vst v4  }
.LBB2_10:
0x268: {  	v0 =	vld.idx.msk [tilespmem:v10+s1+$0x850 ss:$0x1], $0xffff;
	s0 =	sadd.s32 $0x8, s0;
	[tilespmem:s29+$0x200] =	vst v21;
	s2 =	sadd.s32 $0x400, s2  }
0x269: {  	p1 =	slt.u32 s0, $0x78;
	v1 =	vld.idx.msk [tilespmem:v29+s4+$0x0], $0xffff;
	[tilespmem:s29+$0x2F0] =	vst v23  }
0x26a: {  	v3 =	vor.u32 $0x200, v19;
	v2 =	vld.idx.msk [tilespmem:v30+s4+$0x0], $0xffff;
	[tilespmem:s29+$0x1C0] =	vst v22  }
0x26b: {  	v4 =	vor.u32 $0x200, v18;
	[tilespmem:s29+$0x260] =	vst v25;
	v5 =	vld.idx.msk [tilespmem:v27+s4+$0x0], $0xffff  }
0x26c: {  	[tilespmem:s29+$0x190] =	vst v24;
	v21 =	vld.idx.msk [tilespmem:v28+s4+$0x0], $0xffff  }
0x26d: {  	v23 =	vor.u32 $0x300, v15;
	v22 =	vld.idx.msk [tilespmem:v12+s1+$0x1860 ss:$0x1], $0xffff;
	[tilespmem:s29+$0x220] =	vst v26  }
0x26e: {  	v24 =	vld.idx.msk [tilespmem:v12+s1+$0x1870 ss:$0x1], $0xffff;
	[tilespmem:s29+$0x230] =	vst v20  }
0x26f: {  	v3 =	vld.idx.msk [tilespmem:v3+s4+$0x0], $0xffff;
	[tilespmem:s29+$0x2D0] =	vst v1  }
0x270: {  	[tilespmem:s29+$0x280] =	vst v2;
	v1 =	vld.idx.msk [tilespmem:v4+s4+$0x0], $0xffff  }
0x271: {  	v2 =	vld.idx.msk [tilespmem:v10+s1+$0x830 ss:$0x1], $0xffff  }
0x272: {  	v4 =	vld.idx.msk [tilespmem:v23+s4+$0x0], $0xffff;
	[tilespmem:s29+$0x2E0] =	vst v21  }
0x273: {  	v20 =	vld.idx.msk [tilespmem:v12+s1+$0x1840 ss:$0x1], $0xffff  }
0x274: {  	v21 =	vld.idx.msk [tilespmem:v10+s1+$0x810 ss:$0x1], $0xffff  }
0x275: {  	v23 =	vld.idx.msk [tilespmem:v11+s1+$0x0 ss:$0x1], $0xffff;
	[tilespmem:s29+$0x240] =	vst v3  }
0x276: {  	v3 =	vld.idx.msk [tilespmem:v10+s1+$0x860 ss:$0x1], $0xffff;
	[tilespmem:s29+$0x210] =	vst v1  }
0x277: {  	v25 =	vor.u32 $0x280, v13;
	v1 =	vld.idx.msk [tilespmem:v10+s1+$0x820 ss:$0x1], $0xffff  }
0x278: {  	v26 =	vld.idx.msk [tilespmem:v12+s1+$0x1800 ss:$0x1], $0xffff;
	[tilespmem:s29+$0x300] =	vst v4;
	v4 =	vor.u32 $0x280, v16  }
0x279: {  	v28 =	vor.u32 $0x280, v18;
	v27 =	vld.idx.msk [tilespmem:v12+s1+$0x1820 ss:$0x1], $0xffff  }
0x27a: {  	v30 =	vor.u32 $0x280, v19;
	v29 =	vld.idx.msk [tilespmem:v12+s1+$0x1850 ss:$0x1], $0xffff  }
0x27b: {  	v17 =	vor.u32 $0x380, v17;
	v31 =	vld.idx.msk [tilespmem:v12+s1+$0x1830 ss:$0x1], $0xffff  }
0x27c: {  	v25 =	vld.idx.msk [tilespmem:v25+s4+$0x0], $0xffff  }
0x27d: {  	v4 =	vld.idx.msk [tilespmem:v4+s4+$0x0], $0xffff;
	[tilespmem:s29+$0x370] =	vst v5  }
0x27e: {  	v5 =	vmul.u32 v8, v23;
	v23 =	vld.idx.msk [tilespmem:v28+s4+$0x0], $0xffff;
	v28 =	vor.u32 $0x300, v14  }
0x27f: {  	v32 =	vor.u32 $0x300, v18;
	v33 =	vor.u32 $0x300, v16;
	v30 =	vld.idx.msk [tilespmem:v30+s4+$0x0], $0xffff  }
0x280: {  	v0 =	vmul.u32 v8, v0;
	v3 =	vmul.u32 v8, v3;
	v5 =	vadd.s32 v24, v5;
	v17 =	vld.idx.msk [tilespmem:v17+s4+$0x0], $0xffff  }
0x281: {  	v35 =	vor.u32 $0x300, v19;
	v34 =	vshll.u32 v5, $0x3;
	v24 =	vld.idx.msk [tilespmem:v10+s1+$0x840 ss:$0x1], $0xffff  }
0x282: {  	v3 =	vadd.s32 v22, v3;
	v22 =	vor.u32 $0x300, v9;
	v0 =	vadd.s32 v29, v0;
	v36 =	vld.idx.msk [tilespmem:v10+s1+$0x800 ss:$0x1], $0xffff  }
0x283: {  	v29 =	vshll.u32 v0, $0x3;
	[tilespmem:s29+$0x2A0] =	vst v4;
	v4 =	vor.u32 $0x300, v13;
	v28 =	vld.idx.msk [tilespmem:v28+s4+$0x0], $0xffff  }
0x284: {  	v37 =	vshll.u32 v3, $0x3;
	v29 =	vand.u32 $0xFC00, v29;
	[tilespmem:s29+$0x290] =	vst v23;
	v23 =	vld.idx.msk [tilespmem:v33+s4+$0x0], $0xffff;
	v33 =	vor.u32 $0x380, v14  }
0x285: {  	v15 =	vor.u32 $0x380, v15;
	v3 =	vand.u32 $0x7F, v3;
	v34 =	vand.u32 $0xFC00, v34;
	v32 =	vld.idx.msk [tilespmem:v32+s4+$0x0], $0xffff;
	[tilespmem:s29+$0x2C0] =	vst v30  }
0x286: {  	v0 =	vand.u32 $0x7F, v0;
	v5 =	vand.u32 $0x7F, v5;
	v14 =	vand.u32 $0xFC00, v37;
	v30 =	vld.idx.msk [tilespmem:v35+s4+$0x0], $0xffff;
	[tilespmem:s29+$0x3F0] =	vst v17  }
0x287: {  	v14 =	vor.u32 v3, v14;
	v3 =	vor.u32 $0x380, v19;
	v17 =	vor.u32 v5, v34;
	[tilespmem:s29+$0x2B0] =	vst v25;
	v5 =	vld.idx.msk [tilespmem:v22+s4+$0x0], $0xffff  }
0x288: {  	v2 =	vmul.u32 v8, v2;
	v0 =	vor.u32 v0, v29;
	v19 =	vmul.u32 v8, v36;
	v4 =	vld.idx.msk [tilespmem:v4+s4+$0x0], $0xffff  }
0x289: {  	v16 =	vor.u32 $0x380, v16;
	v29 =	vor.u32 $0x380, v9;
	v9 =	vmovc v0;
	v25 =	vor.u32 $0x380, v13;
	v22 =	vld.idx.msk [tilespmem:v12+s1+$0x1810 ss:$0x1], $0xffff;
	[tilespmem:s29+$0x360] =	vst v28  }
0x28a: {  	v18 =	vor.u32 $0x380, v18;
	v2 =	vadd.s32 v31, v2;
	v0 =	vadd.s32 v26, v19;
	v19 =	vld.idx.msk [tilespmem:v15+s4+$0x0], $0xffff;
	[tilespmem:s29+$0x320] =	vst v23  }
0x28b: {  	v13 =	vshll.u32 v0, $0x3;
	v0 =	vand.u32 $0x7F, v0;
	v15 =	vshll.u32 v2, $0x3;
	[tilespmem:s29+$0x310] =	vst v32;
	v23 =	vld.idx.msk [tilespmem:v33+s4+$0x0], $0xffff  }
0x28c: {  	v1 =	vmul.u32 v8, v1;
	v2 =	vand.u32 $0x7F, v2;
	v15 =	vand.u32 $0xFC00, v15;
	v26 =	vld.idx.msk [tilespmem:v17+s4+$0x0], $0xffff;
	[tilespmem:s29+$0x340] =	vst v30  }
0x28d: {  	v21 =	vmul.u32 v8, v21;
	v28 =	vand.u32 $0xFC00, v13;
	v13 =	vor.u32 v2, v15;
	v2 =	vld.idx.msk [tilespmem:v3+s4+$0x0], $0xffff;
	[tilespmem:s29+$0x350] =	vst v5  }
0x28e: {  	v15 =	vor.u32 v0, v28;
	v0 =	vadd.s32 v27, v1;
	v1 =	vld.idx.msk [tilespmem:v16+s4+$0x0], $0xffff;
	[tilespmem:s29+$0x330] =	vst v4  }
0x28f: {  	v5 =	vor.u32 $0x80, v9;
	v3 =	vadd.s32 v22, v21;
	v4 =	vshll.u32 v0, $0x3;
	v21 =	vld.idx.msk [tilespmem:v18+s4+$0x0], $0xffff  }
0x290: {  	v27 =	vor.u32 $0x80, v14;
	v16 =	vshll.u32 v3, $0x3;
	v4 =	vand.u32 $0xFC00, v4;
	v22 =	vld.idx.msk [tilespmem:v9+s4+$0x0], $0xffff;
	[tilespmem:s29+$0x380] =	vst v19  }
0x291: {  	v0 =	vand.u32 $0x7F, v0;
	v18 =	vmul.u32 v8, v24;
	v24 =	vor.u32 $0x80, v17;
	v25 =	vld.idx.msk [tilespmem:v25+s4+$0x0], $0xffff;
	[tilespmem:s29+$0x3E0] =	vst v23  }
0x292: {  	v19 =	vand.u32 $0xFC00, v16;
	v16 =	vor.u32 v0, v4;
	v0 =	vld.idx.msk [tilespmem:v13+s4+$0x0], $0xffff;
	[tilespmem:s2+$0x70] =	vst v26  }
0x293: {  	v3 =	vand.u32 $0x7F, v3;
	v4 =	vadd.s32 v20, v18;
	[tilespmem:s29+$0x3C0] =	vst v2;
	v2 =	vld.idx.msk [tilespmem:v29+s4+$0x0], $0xffff  }
0x294: {  	v18 =	vor.u32 v3, v19;
	v3 =	vshll.u32 v4, $0x3;
	v20 =	vld.idx.msk [tilespmem:v15+s4+$0x0], $0xffff;
	[tilespmem:s29+$0x3A0] =	vst v1  }
0x295: {  	v4 =	vand.u32 $0x7F, v4;
	v3 =	vand.u32 $0xFC00, v3;
	v1 =	vor.u32 $0x80, v13;
	v23 =	vld.idx.msk [tilespmem:v14+s4+$0x0], $0xffff;
	[tilespmem:s29+$0x390] =	vst v21  }
0x296: {  	v19 =	vor.u32 v4, v3;
	[tilespmem:s2+$0x50] =	vst v22;
	v3 =	vld.idx.msk [tilespmem:v24+s4+$0x0], $0xffff  }
0x297: {  	v4 =	vor.u32 $0x80, v15;
	v21 =	vld.idx.msk [tilespmem:v16+s4+$0x0], $0xffff;
	[tilespmem:s29+$0x3B0] =	vst v25  }
0x298: {  	[tilespmem:s2+$0x30] =	vst v0;
	v0 =	vld.idx.msk [tilespmem:v5+s4+$0x0], $0xffff;
	v5 =	vor.u32 $0x100, v17  }
0x299: {  	v24 =	vor.u32 $0x80, v16;
	v22 =	vld.idx.msk [tilespmem:v18+s4+$0x0], $0xffff;
	[tilespmem:s29+$0x3D0] =	vst v2;
	s29 =	smov.u32 s2  }
0x29a: {  	v1 =	vld.idx.msk [tilespmem:v1+s4+$0x0], $0xffff  }
0x29b: {  	v2 =	vor.u32 $0x80, v18;
	[tilespmem:s2+$0x0] =	vst v20;
	v20 =	vld.idx.msk [tilespmem:v19+s4+$0x0], $0xffff  }
0x29c: {  	v25 =	vor.u32 $0x100, v9;
	v4 =	vld.idx.msk [tilespmem:v4+s4+$0x0], $0xffff;
	[tilespmem:s2+$0xF0] =	vst v3  }
0x29d: {  	v3 =	vor.u32 $0x100, v13;
	[tilespmem:s2+$0x20] =	vst v21;
	v21 =	vor.u32 $0x80, v19;
	v5 =	vld.idx.msk [tilespmem:v5+s4+$0x0], $0xffff  }
0x29e: {  	v26 =	vor.u32 $0x100, v15;
	v24 =	vld.idx.msk [tilespmem:v24+s4+$0x0], $0xffff;
	[tilespmem:s2+$0x60] =	vst v23  }
0x29f: {  	v23 =	vor.u32 $0x180, v17;
	[tilespmem:s2+$0x10] =	vst v22;
	v22 =	vld.idx.msk [tilespmem:v27+s4+$0x0], $0xffff  }
0x2a0: {  	v27 =	vor.u32 $0x100, v16;
	v2 =	vld.idx.msk [tilespmem:v2+s4+$0x0], $0xffff;
	[tilespmem:s2+$0xD0] =	vst v0  }
0x2a1: {  	[tilespmem:s2+$0xB0] =	vst v1;
	v0 =	vld.idx.msk [tilespmem:v25+s4+$0x0], $0xffff;
	v1 =	vor.u32 $0x100, v14  }
0x2a2: {  	[tilespmem:s2+$0x80] =	vst v4;
	v4 =	vor.u32 $0x100, v18;
	v3 =	vld.idx.msk [tilespmem:v3+s4+$0x0], $0xffff  }
0x2a3: {  	v25 =	vld.idx.msk [tilespmem:v26+s4+$0x0], $0xffff;
	v26 =	vor.u32 $0x180, v9;
	[tilespmem:s2+$0x170] =	vst v5  }
0x2a4: {  	v5 =	vor.u32 $0x180, v13;
	[tilespmem:s2+$0x40] =	vst v20;
	v20 =	vor.u32 $0x100, v19;
	v23 =	vld.idx.msk [tilespmem:v23+s4+$0x0], $0xffff  }
0x2a5: {  	v21 =	vld.idx.msk [tilespmem:v21+s4+$0x0], $0xffff;
	[tilespmem:s2+$0xE0] =	vst v22  }
0x2a6: {  	v22 =	vor.u32 $0x180, v15;
	[tilespmem:s2+$0xA0] =	vst v24;
	v1 =	vld.idx.msk [tilespmem:v1+s4+$0x0], $0xffff  }
0x2a7: {  	v24 =	vld.idx.msk [tilespmem:v27+s4+$0x0], $0xffff;
	[tilespmem:s2+$0x150] =	vst v0;
	v0 =	vor.u32 $0x200, v17  }
0x2a8: {  	[tilespmem:s2+$0x130] =	vst v3;
	v3 =	vld.idx.msk [tilespmem:v26+s4+$0x0], $0xffff  }
0x2a9: {  	[tilespmem:s2+$0x90] =	vst v2;
	v2 =	vld.idx.msk [tilespmem:v5+s4+$0x0], $0xffff;
	v5 =	vor.u32 $0x180, v14  }
0x2aa: {  	[tilespmem:s2+$0x100] =	vst v25;
	v4 =	vld.idx.msk [tilespmem:v4+s4+$0x0], $0xffff;
	v25 =	vor.u32 $0x180, v16  }
0x2ab: {  	v26 =	vor.u32 $0x200, v13;
	v22 =	vld.idx.msk [tilespmem:v22+s4+$0x0], $0xffff;
	[tilespmem:s2+$0x1F0] =	vst v23  }
0x2ac: {  	[tilespmem:s2+$0xC0] =	vst v21;
	v21 =	vor.u32 $0x200, v9;
	v0 =	vld.idx.msk [tilespmem:v0+s4+$0x0], $0xffff  }
0x2ad: {  	v23 =	vor.u32 $0x200, v15;
	v27 =	vld.idx.msk [tilespmem:v20+s4+$0x0], $0xffff;
	[tilespmem:s2+$0x160] =	vst v1  }
0x2ae: {  	[tilespmem:s2+$0x120] =	vst v24;
	v1 =	vld.idx.msk [tilespmem:v5+s4+$0x0], $0xffff;
	v5 =	vor.u32 $0x280, v17  }
0x2af: {  	v28 =	vld.idx.msk [tilespmem:v25+s4+$0x0], $0xffff;
	[tilespmem:s2+$0x1B0] =	vst v2;
	v2 =	vor.u32 $0x180, v19  }
0x2b0: {  	v20 =	vld.idx.msk [tilespmem:v26+s4+$0x0], $0xffff;
	[tilespmem:s2+$0x1D0] =	vst v3;
	v3 =	vor.u32 $0x200, v14  }
0x2b1: {  	v24 =	vor.u32 $0x180, v18;
	[tilespmem:s2+$0x180] =	vst v22;
	v31 =	vld.idx.msk [tilespmem:v21+s4+$0x0], $0xffff  }
0x2b2: {  	v26 =	vor.u32 $0x200, v16;
	v21 =	vld.idx.msk [tilespmem:v23+s4+$0x0], $0xffff;
	[tilespmem:s2+$0x270] =	vst v0  }
.Ltmp4:
0x2b3: {  	[tilespmem:s2+$0x140] =	vst v27;
	v23 =	vld.idx.msk [tilespmem:v5+s4+$0x0], $0xffff;
	(pc) =	sbr.rel @p1 .LBB2_10-.Ltmp4, $4  }
0x2b4: {  	v29 =	vor.u32 $0x280, v9;
	v22 =	vld.idx.msk [tilespmem:v2+s4+$0x0], $0xffff;
	[tilespmem:s2+$0x1E0] =	vst v1  }
0x2b5: {  	v30 =	vor.u32 $0x280, v15;
	[tilespmem:s2+$0x110] =	vst v4;
	v25 =	vld.idx.msk [tilespmem:v3+s4+$0x0], $0xffff  }
0x2b6: {  	v27 =	vor.u32 $0x300, v17;
	v24 =	vld.idx.msk [tilespmem:v24+s4+$0x0], $0xffff;
	[tilespmem:s2+$0x1A0] =	vst v28  }
0x2b7: {  	s1 =	sadd.s32 $0x80, s1;
	v28 =	vor.u32 $0x280, v14;
	v26 =	vld.idx.msk [tilespmem:v26+s4+$0x0], $0xffff;
	[tilespmem:s2+$0x250] =	vst v31  }
0x2b8: {  	_ =	sdelay $0x1  }
0x2b9: {  	v0 =	vor.u32 $0x200, v19  }
0x2ba: {  	[tilespmem:s29+$0x200] =	vst v21;
	v1 =	vor.u32 $0x200, v18  }
0x2bb: {  	[tilespmem:s29+$0x2F0] =	vst v23;
	v2 =	vld.idx.msk [tilespmem:v30+s4+$0x0], $0xffff  }
0x2bc: {  	v3 =	vld.idx.msk [tilespmem:v29+s4+$0x0], $0xffff;
	v4 =	vor.u32 $0x300, v15;
	[tilespmem:s29+$0x230] =	vst v20  }
0x2bd: {  	v5 =	vor.u32 $0x280, v16;
	[tilespmem:s29+$0x1C0] =	vst v22;
	v10 =	vld.idx.msk [tilespmem:v27+s4+$0x0], $0xffff  }
0x2be: {  	v45 =	vor.u32 $0x380, v17;
	[tilespmem:s29+$0x190] =	vst v24;
	v0 =	vld.idx.msk [tilespmem:v0+s4+$0x0], $0xffff  }
0x2bf: {  	v8 =	vor.u32 $0x280, v19;
	[tilespmem:s29+$0x260] =	vst v25;
	v1 =	vld.idx.msk [tilespmem:v1+s4+$0x0], $0xffff  }
0x2c0: {  	v11 =	vor.u32 $0x280, v18;
	v12 =	vld.idx.msk [tilespmem:v28+s4+$0x0], $0xffff;
	[tilespmem:s29+$0x280] =	vst v2  }
0x2c1: {  	[tilespmem:s29+$0x220] =	vst v26;
	v46 =	vld.idx.msk [tilespmem:v4+s4+$0x0], $0xffff;
	v4 =	vor.u32 $0x280, v13  }
0x2c2: {  	v47 =	vld.idx.msk [tilespmem:v5+s4+$0x0], $0xffff;
	v5 =	vor.u32 $0x300, v14;
	[tilespmem:s29+$0x370] =	vst v10  }
0x2c3: {  	v48 =	vor.u32 $0x300, v16;
	v2 =	vld.idx.msk [tilespmem:v45+s4+$0x0], $0xffff;
	[tilespmem:s29+$0x240] =	vst v0  }
0x2c4: {  	v54 =	vor.u32 $0x380, v15;
	[tilespmem:s29+$0x210] =	vst v1;
	v8 =	vld.idx.msk [tilespmem:v8+s4+$0x0], $0xffff  }
0x2c5: {  	v50 =	vor.u32 $0x300, v19;
	[tilespmem:s29+$0x2D0] =	vst v3;
	v49 =	vld.idx.msk [tilespmem:v11+s4+$0x0], $0xffff  }
0x2c6: {  	[tilespmem:s29+$0x2E0] =	vst v12;
	v52 =	vld.idx.msk [tilespmem:v4+s4+$0x0], $0xffff;
	v4 =	vor.u32 $0x300, v9  }
0x2c7: {  	v51 =	vor.u32 $0x300, v18;
	[tilespmem:s29+$0x2A0] =	vst v47;
	v5 =	vld.idx.msk [tilespmem:v5+s4+$0x0], $0xffff  }
0x2c8: {  	v1 =	vld.idx.msk [tilespmem:v48+s4+$0x0], $0xffff;
	[tilespmem:s29+$0x300] =	vst v46  }
0x2c9: {  	v53 =	vor.u32 $0x300, v13;
	v60 =	vld.idx.msk [tilespmem:v54+s4+$0x0], $0xffff;
	[tilespmem:s29+$0x2C0] =	vst v8  }
0x2ca: {  	[tilespmem:s29+$0x3F0] =	vst v2;
	v8 =	vor.u32 $0x380, v14;
	v55 =	vld.idx.msk [tilespmem:v50+s4+$0x0], $0xffff  }
0x2cb: {  	[tilespmem:s29+$0x290] =	vst v49;
	v58 =	vld.idx.msk [tilespmem:v4+s4+$0x0], $0xffff;
	v4 =	vor.u32 $0x380, v16  }
0x2cc: {  	v57 =	vor.u32 $0x380, v19;
	[tilespmem:s29+$0x360] =	vst v5;
	v56 =	vld.idx.msk [tilespmem:v51+s4+$0x0], $0xffff  }
0x2cd: {  	v5 =	vor.u32 $0x380, v18;
	[tilespmem:s29+$0x2B0] =	vst v52  }
0x2ce: {  	v61 =	vor.u32 $0x380, v9;
	[tilespmem:s29+$0x320] =	vst v1;
	v0 =	vld.idx.msk [tilespmem:v53+s4+$0x0], $0xffff  }
0x2cf: {  	v59 =	vor.u32 $0x380, v13;
	[tilespmem:s29+$0x380] =	vst v60;
	v8 =	vld.idx.msk [tilespmem:v8+s4+$0x0], $0xffff  }
0x2d0: {  	[tilespmem:s29+$0x340] =	vst v55;
	v62 =	vld.idx.msk [tilespmem:v4+s4+$0x0], $0xffff  }
0x2d1: {  	[tilespmem:s29+$0x310] =	vst v56;
	v2 =	vld.idx.msk [tilespmem:v57+s4+$0x0], $0xffff  }
0x2d2: {  	[tilespmem:s29+$0x350] =	vst v58;
	v63 =	vld.idx.msk [tilespmem:v5+s4+$0x0], $0xffff  }
0x2d3: {  	[tilespmem:s29+$0x330] =	vst v0;
	v1 =	vld.idx.msk [tilespmem:v61+s4+$0x0], $0xffff  }
0x2d4: {  	v4 =	vld.idx.msk [tilespmem:v59+s4+$0x0], $0xffff;
	[tilespmem:s29+$0x3E0] =	vst v8  }
0x2d5: {  	p1 =	sne.s32 s24, $0x32;
	[tilespmem:s29+$0x3A0] =	vst v62  }
.Ltmp5:
0x2d6: {  	[tilespmem:s29+$0x3C0] =	vst v2;
	(pc) =	sbr.rel @p1 .LBB2_4-.Ltmp5, $4  }
0x2d7: {  	[tilespmem:s29+$0x390] =	vst v63  }
0x2d8: {  	[tilespmem:s29+$0x3D0] =	vst v1  }
0x2d9: {  	s0 =	sadd.s32 s28, s11;
	s25 =	sadd.s32 $0x1, s25;
	s26 =	sadd.s32 $0x1000, s26;
	[tilespmem:s29+$0x3B0] =	vst v4  }
0x2da: {  	[hbm4b:s0+s4] =	stream.linear.scatter [tilespmem:s20], [sflag:$0x2], $0x4000, $0x38;
	[tilespmem:$0x1B040] =	vst v63  }
0x2db: {  	s23 =	sadd.s32 $0x1, s23  }
0x2dc: {  	_ =	swait.ge [sflag:s21], $0x4000;
	p1 =	sne.s32 s23, s12  }
.Ltmp6:
0x2dd: {  	[sflag:s21] =	ssyncset.done $0x0;
	(pc) =	sbr.rel @p1 .LBB2_1-.Ltmp6, $4  }
0x2de: {  	[sflag:s21] =	ssyncadd.s32 $0xFFFFC000  }
0x2df: {  	_ =	swait.ge [sflag:s22], $0x4000  }
0x2e0: {  	[sflag:s22] =	ssyncset.done $0x0  }
0x2e1: {  	[sflag:s22] =	ssyncadd.s32 $0xFFFFC000  }
0x2e2: {  	_ =	sfence.sel $0x180000  }
0x2e3: {  	[bflag:$0x0] =	sbarrier.arrive $0xFFFF  }
0x2e4: {  	_ =	strace $0x90000047  }
0x2e5: {  	s0 =	stileid.u32;
	[bflag:$0x2] =	sbarrier.arrive $0xFFFF  }
0x2e6: {  	p0 =	sne.s32 s0, $0x0;
	s0 =	rddreg [dreg:$0x3]  }
0x2e7: {  	s0 =	sadd.s32 @!p0 $0x100000, s0  }
0x2e8: {  	[sflag:s0] =	ssyncadd.tile.s32 @!p0 $0x1;
	_ =	shalt  }
.Lfunc_end2:
_tile_overlayer_lowered:
.L_overlay_start_2:
0x2e9: {  	(tag) =	ssettag $0x2  }
0x2ea: {  	s0 =	rddreg [dreg:$0x0];
	s2 =	stileid.u32  }
0x2eb: {  	s1 =	rddreg [dreg:$0x1];
	p0 =	sne.s32 s2, $0x0  }
0x2ec: {  	s3 =	rddreg [dreg:$0x2];
	[bflag:$0x3] =	sbarrier.arrive $0xFFFF;
	s2 =	simm.s32 @!p0 $0x1C04  }
0x2ed: {  	[timem:s3], [sflag:s2] =	dma.local @!p0 [hbm:s0], s1  }
0x2ee: {  	s0 =	simm.s32 @!p0 $0x4  }
0x2ef: {  	_ =	swait.ge @!p0 [sflag:s0], s1  }
0x2f0: {  	s1 =	ssub.s32 @!p0 $0x0, s1;
	[sflag:s0] =	ssyncset.done @!p0 $0x0  }
0x2f1: {  	[sflag:s0] =	ssyncadd.s32 @!p0 s1  }
0x2f2: {  	[bflag:$0x3] =	sbarrier.arrive $0xFFFF  }
0x2f3: {  	_ =	shalt  }

</sc_bundles>
